<compile_context>
chip_gen: v7x
topology: tpu7x:2x2x1
jax: 0.10.2.dev20260603
libtpu: 0.0.44.dev20260713+nightly
codegen_flags: <defaults>
</compile_context>

<pallas_src>
import jax
import jax.numpy as jnp
from jax import lax
from jax.experimental import pallas as pl
from jax.experimental.pallas import tpu as pltpu
from jax.experimental.pallas import tpu_sc as plsc

VOCAB = 512
SEQ = 50
BATCH = 1024
A0 = 1.0 / 100.0
A1 = 39.0 / 100.0
A2 = 6.0 / 10.0

NC = 2
NS = 16
L = 16
NW = NC * NS
BPW = BATCH // NW
D = VOCAB
NCHUNK = D // L
HALF = BPW // 2


def _body(tokens_hbm, uni_hbm, bi_hbm, tri_hbm, out_hbm,
          prev_v, last_v, idx_v, uni_v, bi_v, tri_v,
          uni_sem, tok_sem, bi_sem, tri_sem, out_sem):
    wid = lax.axis_index("s") * NC + lax.axis_index("c")
    base = wid * BPW

    uni_copy = pltpu.make_async_copy(uni_hbm, uni_v, uni_sem)
    uni_copy.start()

    prev_copy = pltpu.make_async_copy(
        tokens_hbm.at[SEQ - 2, pl.ds(base, BPW)], prev_v, tok_sem)
    last_copy = pltpu.make_async_copy(
        tokens_hbm.at[SEQ - 1, pl.ds(base, BPW)], last_v, tok_sem)
    prev_copy.start()
    last_copy.start()
    prev_copy.wait()
    last_copy.wait()

    for c in range(BPW // L):
        sl = pl.ds(c * L, L)
        idx_v[sl] = prev_v[sl] * VOCAB + last_v[sl]

    bi_copy = pltpu.make_async_copy(bi_hbm.at[last_v], bi_v, bi_sem)
    tri_copy = pltpu.make_async_copy(tri_hbm.at[idx_v], tri_v, tri_sem)
    bi_copy.start()
    tri_copy.start()

    uni_copy.wait()
    uni_c = [uni_v[pl.ds(c * L, L)] * A0 for c in range(NCHUNK)]

    def row(r, carry):
        for c in range(NCHUNK):
            sl = pl.ds(c * L, L)
            bi_v[r, sl] = uni_c[c] + A1 * bi_v[r, sl] + A2 * tri_v[r, sl]
        return carry

    bi_copy.wait()
    tri_copy.wait()
    out_copies = []
    for h in range(2):
        r0 = h * HALF
        lax.fori_loop(r0, r0 + HALF, row, 0)
        cp_out = pltpu.make_async_copy(
            bi_v.at[pl.ds(r0, HALF)],
            out_hbm.at[pl.ds(base + r0, HALF)],
            out_sem,
        )
        cp_out.start()
        out_copies.append(cp_out)
    for cp_out in out_copies:
        cp_out.wait()


@jax.jit
def kernel(input_data, unigram_probs, bigram_probs, trigram_probs):
    tri2d = trigram_probs.reshape(VOCAB * VOCAB, VOCAB)

    mesh = plsc.VectorSubcoreMesh(
        core_axis_name="c", subcore_axis_name="s",
        num_cores=NC, num_subcores=NS,
    )
    run = pl.kernel(
        _body,
        out_type=jax.ShapeDtypeStruct((BATCH, D), jnp.float32),
        mesh=mesh,
        scratch_types=[
            pltpu.VMEM((BPW,), jnp.int32),
            pltpu.VMEM((BPW,), jnp.int32),
            pltpu.VMEM((BPW,), jnp.int32),
            pltpu.VMEM((D,), jnp.float32),
            pltpu.VMEM((BPW, D), jnp.float32),
            pltpu.VMEM((BPW, D), jnp.float32),
        ] + [pltpu.SemaphoreType.DMA] * 5,
    )
    return run(input_data, unigram_probs, bigram_probs, tri2d)

# --- scband reference (transcript-rebuilt; emitter-appended) ---
"""Pipeline reference for scband-trigrams-lm-81501299409002 (READ-ONLY COPY).

The authoritative reference and input builder live on the scoring server;
editing this copy changes nothing except your own understanding.
"""

import jax, jax.numpy as jnp
import numpy as np

VOCAB = 512
SEQ = 50
BATCH = 1024
ALPHAS = (1.0 / 100.0, 39.0 / 100.0, 6.0 / 10.0)


def setup_inputs(seed: int = 0) -> dict:
    key = jax.random.key(seed)
    k1, k2, k3, k4 = jax.random.split(key, 4)
    input_data = jax.random.randint(k1, (SEQ, BATCH), 0, VOCAB, dtype=jnp.int32)
    unigram_probs = jax.random.uniform(k2, (VOCAB,), dtype=jnp.float32)
    bigram_probs = jax.random.uniform(k3, (VOCAB, VOCAB), dtype=jnp.float32)
    trigram_probs = jax.random.uniform(k4, (VOCAB, VOCAB, VOCAB), dtype=jnp.float32)
    return {
        "input_data": input_data,
        "unigram_probs": unigram_probs,
        "bigram_probs": bigram_probs,
        "trigram_probs": trigram_probs,
    }


def reference(input_data, unigram_probs, bigram_probs, trigram_probs):
    # last_unigrams: the final token for each batch element
    last_unigrams = input_data[-1, :]            # [B]
    # last_bigrams: the final two tokens; bigram[0]=t-2, bigram[1]=t-1
    prev_tokens = input_data[-2, :]              # [B]
    # Vectorized equivalent of the per-batch python loop in the torch forward:
    #   pred_i = a0 * unigram + a1 * bigram[last_i] + a2 * trigram[prev_i, last_i]
    p_uni = jnp.broadcast_to(unigram_probs[None, :], (last_unigrams.shape[0], VOCAB))
    p_bi = jnp.take(bigram_probs, last_unigrams, axis=0)           # [B, V] gather
    p_tri = trigram_probs[prev_tokens, last_unigrams]              # [B, V] gather
    preds = ALPHAS[0] * p_uni + ALPHAS[1] * p_bi + ALPHAS[2] * p_tri
    return preds

if __name__ == "__main__":
    import jax
    _d = setup_inputs()
    print(jax.jit(kernel)(*tuple(_d.values())))

</pallas_src>

<mosaic_0001>
#map = affine_map<(d0, d1) -> (0, 0)>
#map1 = affine_map<(d0, d1) -> (0)>
module attributes {stable_mosaic.version = 14 : i64} {
  func.func @_body(%arg0: i32, %arg1: i32, %arg2: memref<50x1024xi32, #tpu.memory_space<hbm>>, %arg3: memref<512xf32, #tpu.memory_space<hbm>>, %arg4: memref<512x512xf32, #tpu.memory_space<hbm>>, %arg5: memref<262144x512xf32, #tpu.memory_space<hbm>>, %arg6: memref<1024x512xf32, #tpu.memory_space<hbm>>, %arg7: memref<32xi32, #tpu.memory_space<vmem>>, %arg8: memref<32xi32, #tpu.memory_space<vmem>>, %arg9: memref<32xi32, #tpu.memory_space<vmem>>, %arg10: memref<512xf32, #tpu.memory_space<vmem>>, %arg11: memref<32x512xf32, #tpu.memory_space<vmem>>, %arg12: memref<32x512xf32, #tpu.memory_space<vmem>>, %arg13: memref<!tpu.dma_semaphore, #tpu.memory_space<semaphore_mem>>, %arg14: memref<!tpu.dma_semaphore, #tpu.memory_space<semaphore_mem>>, %arg15: memref<!tpu.dma_semaphore, #tpu.memory_space<semaphore_mem>>, %arg16: memref<!tpu.dma_semaphore, #tpu.memory_space<semaphore_mem>>, %arg17: memref<!tpu.dma_semaphore, #tpu.memory_space<semaphore_mem>>) attributes {dimension_semantics = [#tpu.dimension_semantics<core_parallel>, #tpu.dimension_semantics<subcore_parallel>], iteration_bounds = array<i64: 2, 16>, scalar_prefetch = 0 : i64, scratch_operands = 11 : i64, tpu.core_type = #tpu.core_type<sc_vector_subcore>, window_params = [{transform_indices = #map}, {transform_indices = #map1}, {transform_indices = #map}, {transform_indices = #map}, {transform_indices = #map}]} {
    %mul3A = arith.constant 2 : i32
    %mul3A_0 = arith.muli %arg1, %mul3A : i32
    %add3A = arith.addi %mul3A_0, %arg0 : i32
    %mul3A_1 = arith.constant 32 : i32
    %mul3A_2 = arith.muli %add3A, %mul3A_1 : i32
    tpu.enqueue_dma source(%arg3 : memref<512xf32, #tpu.memory_space<hbm>>) target(%arg10 : memref<512xf32, #tpu.memory_space<vmem>>) target_semaphore(%arg13 : memref<!tpu.dma_semaphore, #tpu.memory_space<semaphore_mem>>)
    %dma_start3A = arith.constant 48 : i32
    %dma_start3A_3 = tpu.memref_slice %arg2[%dma_start3A, %mul3A_2] : memref<50x1024xi32, #tpu.memory_space<hbm>> -> memref<1x32xi32, #tpu.memory_space<hbm>>
    %dma_start3A_4 = tpu.memref_squeeze %dma_start3A_3 : memref<1x32xi32, #tpu.memory_space<hbm>> -> memref<32xi32, #tpu.memory_space<hbm>>
    %dma_start3A_5 = tpu.memref_slice %arg2[%dma_start3A, %mul3A_2] : memref<50x1024xi32, #tpu.memory_space<hbm>> -> memref<1x32xi32, #tpu.memory_space<hbm>>
    %dma_start3A_6 = tpu.memref_squeeze %dma_start3A_5 : memref<1x32xi32, #tpu.memory_space<hbm>> -> memref<32xi32, #tpu.memory_space<hbm>>
    tpu.enqueue_dma source(%dma_start3A_6 : memref<32xi32, #tpu.memory_space<hbm>>) target(%arg7 : memref<32xi32, #tpu.memory_space<vmem>>) target_semaphore(%arg14 : memref<!tpu.dma_semaphore, #tpu.memory_space<semaphore_mem>>)
    %dma_start3A_7 = arith.constant 49 : i32
    %dma_start3A_8 = tpu.memref_slice %arg2[%dma_start3A_7, %mul3A_2] : memref<50x1024xi32, #tpu.memory_space<hbm>> -> memref<1x32xi32, #tpu.memory_space<hbm>>
    %dma_start3A_9 = tpu.memref_squeeze %dma_start3A_8 : memref<1x32xi32, #tpu.memory_space<hbm>> -> memref<32xi32, #tpu.memory_space<hbm>>
    %dma_start3A_10 = tpu.memref_slice %arg2[%dma_start3A_7, %mul3A_2] : memref<50x1024xi32, #tpu.memory_space<hbm>> -> memref<1x32xi32, #tpu.memory_space<hbm>>
    %dma_start3A_11 = tpu.memref_squeeze %dma_start3A_10 : memref<1x32xi32, #tpu.memory_space<hbm>> -> memref<32xi32, #tpu.memory_space<hbm>>
    tpu.enqueue_dma source(%dma_start3A_11 : memref<32xi32, #tpu.memory_space<hbm>>) target(%arg8 : memref<32xi32, #tpu.memory_space<vmem>>) target_semaphore(%arg14 : memref<!tpu.dma_semaphore, #tpu.memory_space<semaphore_mem>>)
    %dma_wait3A = arith.constant 48 : i32
    %dma_wait3A_12 = tpu.memref_slice %arg2[%dma_wait3A, %mul3A_2] : memref<50x1024xi32, #tpu.memory_space<hbm>> -> memref<1x32xi32, #tpu.memory_space<hbm>>
    %dma_wait3A_13 = tpu.memref_squeeze %dma_wait3A_12 : memref<1x32xi32, #tpu.memory_space<hbm>> -> memref<32xi32, #tpu.memory_space<hbm>>
    %dma_wait3A_14 = tpu.memref_slice %arg2[%dma_wait3A, %mul3A_2] : memref<50x1024xi32, #tpu.memory_space<hbm>> -> memref<1x32xi32, #tpu.memory_space<hbm>>
    %dma_wait3A_15 = tpu.memref_squeeze %dma_wait3A_14 : memref<1x32xi32, #tpu.memory_space<hbm>> -> memref<32xi32, #tpu.memory_space<hbm>>
    tpu.wait_dma2 semaphore(%arg14 : memref<!tpu.dma_semaphore, #tpu.memory_space<semaphore_mem>>) src(%dma_wait3A_15 : memref<32xi32, #tpu.memory_space<hbm>>) dst(%arg7 : memref<32xi32, #tpu.memory_space<vmem>>)
    %dma_wait3A_16 = arith.constant 49 : i32
    %dma_wait3A_17 = tpu.memref_slice %arg2[%dma_wait3A_16, %mul3A_2] : memref<50x1024xi32, #tpu.memory_space<hbm>> -> memref<1x32xi32, #tpu.memory_space<hbm>>
    %dma_wait3A_18 = tpu.memref_squeeze %dma_wait3A_17 : memref<1x32xi32, #tpu.memory_space<hbm>> -> memref<32xi32, #tpu.memory_space<hbm>>
    %dma_wait3A_19 = tpu.memref_slice %arg2[%dma_wait3A_16, %mul3A_2] : memref<50x1024xi32, #tpu.memory_space<hbm>> -> memref<1x32xi32, #tpu.memory_space<hbm>>
    %dma_wait3A_20 = tpu.memref_squeeze %dma_wait3A_19 : memref<1x32xi32, #tpu.memory_space<hbm>> -> memref<32xi32, #tpu.memory_space<hbm>>
    tpu.wait_dma2 semaphore(%arg14 : memref<!tpu.dma_semaphore, #tpu.memory_space<semaphore_mem>>) src(%dma_wait3A_20 : memref<32xi32, #tpu.memory_space<hbm>>) dst(%arg8 : memref<32xi32, #tpu.memory_space<vmem>>)
    %get3A = arith.constant 0 : index
    %get3A_21 = tpu.vector_load %arg7[%get3A] {strides = array<i32>} : memref<32xi32, #tpu.memory_space<vmem>>, vector<16xi32>,
    %get3A_22 = vector.shape_cast %get3A_21 : vector<16xi32> to vector<16xi32>
    %mul3A_23 = arith.constant 512 : i32
    %mul3A_24 = vector.broadcast %mul3A_23 : i32 to vector<16xi32>
    %mul3A_25 = arith.muli %get3A_22, %mul3A_24 : vector<16xi32>
    %get3A_26 = arith.constant 0 : index
    %get3A_27 = tpu.vector_load %arg8[%get3A_26] {strides = array<i32>} : memref<32xi32, #tpu.memory_space<vmem>>, vector<16xi32>,
    %get3A_28 = vector.shape_cast %get3A_27 : vector<16xi32> to vector<16xi32>
    %add3A_29 = arith.addi %mul3A_25, %get3A_28 : vector<16xi32>
    %swap3A = arith.constant 0 : index
    %swap3A_30 = tpu.vector_load %arg9[%swap3A] {strides = array<i32>} : memref<32xi32, #tpu.memory_space<vmem>>, vector<16xi32>,
    %swap3A_31 = vector.shape_cast %swap3A_30 : vector<16xi32> to vector<16xi32>
    %swap3A_32 = vector.shape_cast %add3A_29 : vector<16xi32> to vector<16xi32>
    tpu.vector_store %arg9[%swap3A], %swap3A_32 {strides = array<i32>} : memref<32xi32, #tpu.memory_space<vmem>>, vector<16xi32>,
    %get3A_33 = arith.constant 16 : index
    %get3A_34 = tpu.vector_load %arg7[%get3A_33] {strides = array<i32>} : memref<32xi32, #tpu.memory_space<vmem>>, vector<16xi32>,
    %get3A_35 = vector.shape_cast %get3A_34 : vector<16xi32> to vector<16xi32>
    %mul3A_36 = arith.constant 512 : i32
    %mul3A_37 = vector.broadcast %mul3A_36 : i32 to vector<16xi32>
    %mul3A_38 = arith.muli %get3A_35, %mul3A_37 : vector<16xi32>
    %get3A_39 = arith.constant 16 : index
    %get3A_40 = tpu.vector_load %arg8[%get3A_39] {strides = array<i32>} : memref<32xi32, #tpu.memory_space<vmem>>, vector<16xi32>,
    %get3A_41 = vector.shape_cast %get3A_40 : vector<16xi32> to vector<16xi32>
    %add3A_42 = arith.addi %mul3A_38, %get3A_41 : vector<16xi32>
    %swap3A_43 = arith.constant 16 : index
    %swap3A_44 = tpu.vector_load %arg9[%swap3A_43] {strides = array<i32>} : memref<32xi32, #tpu.memory_space<vmem>>, vector<16xi32>,
    %swap3A_45 = vector.shape_cast %swap3A_44 : vector<16xi32> to vector<16xi32>
    %swap3A_46 = vector.shape_cast %add3A_42 : vector<16xi32> to vector<16xi32>
    tpu.vector_store %arg9[%swap3A_43], %swap3A_46 {strides = array<i32>} : memref<32xi32, #tpu.memory_space<vmem>>, vector<16xi32>,
    %dma_start3A_47 = arith.constant 0 : i32
    %dma_start3A_48 = arith.constant 0 : i32
    %dma_start3A_49 = tpu.memref_slice %arg4[%dma_start3A_47, %dma_start3A_48] : memref<512x512xf32, #tpu.memory_space<hbm>> -> memref<512x512xf32, #tpu.memory_space<hbm>>
    tpu.enqueue_indirect_dma source(%dma_start3A_49 : memref<512x512xf32, #tpu.memory_space<hbm>>) target(%arg11 : memref<32x512xf32, #tpu.memory_space<vmem>>) offsets(%arg8 : memref<32xi32, #tpu.memory_space<vmem>>) semaphore(%arg15 : memref<!tpu.dma_semaphore, #tpu.memory_space<semaphore_mem>>)
    %dma_start3A_50 = arith.constant 0 : i32
    %dma_start3A_51 = arith.constant 0 : i32
    %dma_start3A_52 = tpu.memref_slice %arg5[%dma_start3A_50, %dma_start3A_51] : memref<262144x512xf32, #tpu.memory_space<hbm>> -> memref<262144x512xf32, #tpu.memory_space<hbm>>
    tpu.enqueue_indirect_dma source(%dma_start3A_52 : memref<262144x512xf32, #tpu.memory_space<hbm>>) target(%arg12 : memref<32x512xf32, #tpu.memory_space<vmem>>) offsets(%arg9 : memref<32xi32, #tpu.memory_space<vmem>>) semaphore(%arg16 : memref<!tpu.dma_semaphore, #tpu.memory_space<semaphore_mem>>)
    tpu.wait_dma2 semaphore(%arg13 : memref<!tpu.dma_semaphore, #tpu.memory_space<semaphore_mem>>) src(%arg3 : memref<512xf32, #tpu.memory_space<hbm>>) dst(%arg10 : memref<512xf32, #tpu.memory_space<vmem>>)
    %get3A_53 = arith.constant 0 : index
    %get3A_54 = tpu.vector_load %arg10[%get3A_53] {strides = array<i32>} : memref<512xf32, #tpu.memory_space<vmem>>, vector<16xf32>,
    %get3A_55 = vector.shape_cast %get3A_54 : vector<16xf32> to vector<16xf32>
    %mul3A_56 = arith.constant 0.00999999977 : f32
    %mul3A_57 = vector.broadcast %mul3A_56 : f32 to vector<16xf32>
    %mul3A_58 = arith.mulf %get3A_55, %mul3A_57 : vector<16xf32>
    %get3A_59 = arith.constant 16 : index
    %get3A_60 = tpu.vector_load %arg10[%get3A_59] {strides = array<i32>} : memref<512xf32, #tpu.memory_space<vmem>>, vector<16xf32>,
    %get3A_61 = vector.shape_cast %get3A_60 : vector<16xf32> to vector<16xf32>
    %mul3A_62 = arith.constant 0.00999999977 : f32
    %mul3A_63 = vector.broadcast %mul3A_62 : f32 to vector<16xf32>
    %mul3A_64 = arith.mulf %get3A_61, %mul3A_63 : vector<16xf32>
    %get3A_65 = arith.constant 32 : index
    %get3A_66 = tpu.vector_load %arg10[%get3A_65] {strides = array<i32>} : memref<512xf32, #tpu.memory_space<vmem>>, vector<16xf32>,
    %get3A_67 = vector.shape_cast %get3A_66 : vector<16xf32> to vector<16xf32>
    %mul3A_68 = arith.constant 0.00999999977 : f32
    %mul3A_69 = vector.broadcast %mul3A_68 : f32 to vector<16xf32>
    %mul3A_70 = arith.mulf %get3A_67, %mul3A_69 : vector<16xf32>
    %get3A_71 = arith.constant 48 : index
    %get3A_72 = tpu.vector_load %arg10[%get3A_71] {strides = array<i32>} : memref<512xf32, #tpu.memory_space<vmem>>, vector<16xf32>,
    %get3A_73 = vector.shape_cast %get3A_72 : vector<16xf32> to vector<16xf32>
    %mul3A_74 = arith.constant 0.00999999977 : f32
    %mul3A_75 = vector.broadcast %mul3A_74 : f32 to vector<16xf32>
    %mul3A_76 = arith.mulf %get3A_73, %mul3A_75 : vector<16xf32>
    %get3A_77 = arith.constant 64 : index
    %get3A_78 = tpu.vector_load %arg10[%get3A_77] {strides = array<i32>} : memref<512xf32, #tpu.memory_space<vmem>>, vector<16xf32>,
    %get3A_79 = vector.shape_cast %get3A_78 : vector<16xf32> to vector<16xf32>
    %mul3A_80 = arith.constant 0.00999999977 : f32
    %mul3A_81 = vector.broadcast %mul3A_80 : f32 to vector<16xf32>
    %mul3A_82 = arith.mulf %get3A_79, %mul3A_81 : vector<16xf32>
    %get3A_83 = arith.constant 80 : index
    %get3A_84 = tpu.vector_load %arg10[%get3A_83] {strides = array<i32>} : memref<512xf32, #tpu.memory_space<vmem>>, vector<16xf32>,
    %get3A_85 = vector.shape_cast %get3A_84 : vector<16xf32> to vector<16xf32>
    %mul3A_86 = arith.constant 0.00999999977 : f32
    %mul3A_87 = vector.broadcast %mul3A_86 : f32 to vector<16xf32>
    %mul3A_88 = arith.mulf %get3A_85, %mul3A_87 : vector<16xf32>
    %get3A_89 = arith.constant 96 : index
    %get3A_90 = tpu.vector_load %arg10[%get3A_89] {strides = array<i32>} : memref<512xf32, #tpu.memory_space<vmem>>, vector<16xf32>,
    %get3A_91 = vector.shape_cast %get3A_90 : vector<16xf32> to vector<16xf32>
    %mul3A_92 = arith.constant 0.00999999977 : f32
    %mul3A_93 = vector.broadcast %mul3A_92 : f32 to vector<16xf32>
    %mul3A_94 = arith.mulf %get3A_91, %mul3A_93 : vector<16xf32>
    %get3A_95 = arith.constant 112 : index
    %get3A_96 = tpu.vector_load %arg10[%get3A_95] {strides = array<i32>} : memref<512xf32, #tpu.memory_space<vmem>>, vector<16xf32>,
    %get3A_97 = vector.shape_cast %get3A_96 : vector<16xf32> to vector<16xf32>
    %mul3A_98 = arith.constant 0.00999999977 : f32
    %mul3A_99 = vector.broadcast %mul3A_98 : f32 to vector<16xf32>
    %mul3A_100 = arith.mulf %get3A_97, %mul3A_99 : vector<16xf32>
    %get3A_101 = arith.constant 128 : index
    %get3A_102 = tpu.vector_load %arg10[%get3A_101] {strides = array<i32>} : memref<512xf32, #tpu.memory_space<vmem>>, vector<16xf32>,
    %get3A_103 = vector.shape_cast %get3A_102 : vector<16xf32> to vector<16xf32>
    %mul3A_104 = arith.constant 0.00999999977 : f32
    %mul3A_105 = vector.broadcast %mul3A_104 : f32 to vector<16xf32>
    %mul3A_106 = arith.mulf %get3A_103, %mul3A_105 : vector<16xf32>
    %get3A_107 = arith.constant 144 : index
    %get3A_108 = tpu.vector_load %arg10[%get3A_107] {strides = array<i32>} : memref<512xf32, #tpu.memory_space<vmem>>, vector<16xf32>,
    %get3A_109 = vector.shape_cast %get3A_108 : vector<16xf32> to vector<16xf32>
    %mul3A_110 = arith.constant 0.00999999977 : f32
    %mul3A_111 = vector.broadcast %mul3A_110 : f32 to vector<16xf32>
    %mul3A_112 = arith.mulf %get3A_109, %mul3A_111 : vector<16xf32>
    %get3A_113 = arith.constant 160 : index
    %get3A_114 = tpu.vector_load %arg10[%get3A_113] {strides = array<i32>} : memref<512xf32, #tpu.memory_space<vmem>>, vector<16xf32>,
    %get3A_115 = vector.shape_cast %get3A_114 : vector<16xf32> to vector<16xf32>
    %mul3A_116 = arith.constant 0.00999999977 : f32
    %mul3A_117 = vector.broadcast %mul3A_116 : f32 to vector<16xf32>
    %mul3A_118 = arith.mulf %get3A_115, %mul3A_117 : vector<16xf32>
    %get3A_119 = arith.constant 176 : index
    %get3A_120 = tpu.vector_load %arg10[%get3A_119] {strides = array<i32>} : memref<512xf32, #tpu.memory_space<vmem>>, vector<16xf32>,
    %get3A_121 = vector.shape_cast %get3A_120 : vector<16xf32> to vector<16xf32>
    %mul3A_122 = arith.constant 0.00999999977 : f32
    %mul3A_123 = vector.broadcast %mul3A_122 : f32 to vector<16xf32>
    %mul3A_124 = arith.mulf %get3A_121, %mul3A_123 : vector<16xf32>
    %get3A_125 = arith.constant 192 : index
    %get3A_126 = tpu.vector_load %arg10[%get3A_125] {strides = array<i32>} : memref<512xf32, #tpu.memory_space<vmem>>, vector<16xf32>,
    %get3A_127 = vector.shape_cast %get3A_126 : vector<16xf32> to vector<16xf32>
    %mul3A_128 = arith.constant 0.00999999977 : f32
    %mul3A_129 = vector.broadcast %mul3A_128 : f32 to vector<16xf32>
    %mul3A_130 = arith.mulf %get3A_127, %mul3A_129 : vector<16xf32>
    %get3A_131 = arith.constant 208 : index
    %get3A_132 = tpu.vector_load %arg10[%get3A_131] {strides = array<i32>} : memref<512xf32, #tpu.memory_space<vmem>>, vector<16xf32>,
    %get3A_133 = vector.shape_cast %get3A_132 : vector<16xf32> to vector<16xf32>
    %mul3A_134 = arith.constant 0.00999999977 : f32
    %mul3A_135 = vector.broadcast %mul3A_134 : f32 to vector<16xf32>
    %mul3A_136 = arith.mulf %get3A_133, %mul3A_135 : vector<16xf32>
    %get3A_137 = arith.constant 224 : index
    %get3A_138 = tpu.vector_load %arg10[%get3A_137] {strides = array<i32>} : memref<512xf32, #tpu.memory_space<vmem>>, vector<16xf32>,
    %get3A_139 = vector.shape_cast %get3A_138 : vector<16xf32> to vector<16xf32>
    %mul3A_140 = arith.constant 0.00999999977 : f32
    %mul3A_141 = vector.broadcast %mul3A_140 : f32 to vector<16xf32>
    %mul3A_142 = arith.mulf %get3A_139, %mul3A_141 : vector<16xf32>
    %get3A_143 = arith.constant 240 : index
    %get3A_144 = tpu.vector_load %arg10[%get3A_143] {strides = array<i32>} : memref<512xf32, #tpu.memory_space<vmem>>, vector<16xf32>,
    %get3A_145 = vector.shape_cast %get3A_144 : vector<16xf32> to vector<16xf32>
    %mul3A_146 = arith.constant 0.00999999977 : f32
    %mul3A_147 = vector.broadcast %mul3A_146 : f32 to vector<16xf32>
    %mul3A_148 = arith.mulf %get3A_145, %mul3A_147 : vector<16xf32>
    %get3A_149 = arith.constant 256 : index
    %get3A_150 = tpu.vector_load %arg10[%get3A_149] {strides = array<i32>} : memref<512xf32, #tpu.memory_space<vmem>>, vector<16xf32>,
    %get3A_151 = vector.shape_cast %get3A_150 : vector<16xf32> to vector<16xf32>
    %mul3A_152 = arith.constant 0.00999999977 : f32
    %mul3A_153 = vector.broadcast %mul3A_152 : f32 to vector<16xf32>
    %mul3A_154 = arith.mulf %get3A_151, %mul3A_153 : vector<16xf32>
    %get3A_155 = arith.constant 272 : index
    %get3A_156 = tpu.vector_load %arg10[%get3A_155] {strides = array<i32>} : memref<512xf32, #tpu.memory_space<vmem>>, vector<16xf32>,
    %get3A_157 = vector.shape_cast %get3A_156 : vector<16xf32> to vector<16xf32>
    %mul3A_158 = arith.constant 0.00999999977 : f32
    %mul3A_159 = vector.broadcast %mul3A_158 : f32 to vector<16xf32>
    %mul3A_160 = arith.mulf %get3A_157, %mul3A_159 : vector<16xf32>
    %get3A_161 = arith.constant 288 : index
    %get3A_162 = tpu.vector_load %arg10[%get3A_161] {strides = array<i32>} : memref<512xf32, #tpu.memory_space<vmem>>, vector<16xf32>,
    %get3A_163 = vector.shape_cast %get3A_162 : vector<16xf32> to vector<16xf32>
    %mul3A_164 = arith.constant 0.00999999977 : f32
    %mul3A_165 = vector.broadcast %mul3A_164 : f32 to vector<16xf32>
    %mul3A_166 = arith.mulf %get3A_163, %mul3A_165 : vector<16xf32>
    %get3A_167 = arith.constant 304 : index
    %get3A_168 = tpu.vector_load %arg10[%get3A_167] {strides = array<i32>} : memref<512xf32, #tpu.memory_space<vmem>>, vector<16xf32>,
    %get3A_169 = vector.shape_cast %get3A_168 : vector<16xf32> to vector<16xf32>
    %mul3A_170 = arith.constant 0.00999999977 : f32
    %mul3A_171 = vector.broadcast %mul3A_170 : f32 to vector<16xf32>
    %mul3A_172 = arith.mulf %get3A_169, %mul3A_171 : vector<16xf32>
    %get3A_173 = arith.constant 320 : index
    %get3A_174 = tpu.vector_load %arg10[%get3A_173] {strides = array<i32>} : memref<512xf32, #tpu.memory_space<vmem>>, vector<16xf32>,
    %get3A_175 = vector.shape_cast %get3A_174 : vector<16xf32> to vector<16xf32>
    %mul3A_176 = arith.constant 0.00999999977 : f32
    %mul3A_177 = vector.broadcast %mul3A_176 : f32 to vector<16xf32>
    %mul3A_178 = arith.mulf %get3A_175, %mul3A_177 : vector<16xf32>
    %get3A_179 = arith.constant 336 : index
    %get3A_180 = tpu.vector_load %arg10[%get3A_179] {strides = array<i32>} : memref<512xf32, #tpu.memory_space<vmem>>, vector<16xf32>,
    %get3A_181 = vector.shape_cast %get3A_180 : vector<16xf32> to vector<16xf32>
    %mul3A_182 = arith.constant 0.00999999977 : f32
    %mul3A_183 = vector.broadcast %mul3A_182 : f32 to vector<16xf32>
    %mul3A_184 = arith.mulf %get3A_181, %mul3A_183 : vector<16xf32>
    %get3A_185 = arith.constant 352 : index
    %get3A_186 = tpu.vector_load %arg10[%get3A_185] {strides = array<i32>} : memref<512xf32, #tpu.memory_space<vmem>>, vector<16xf32>,
    %get3A_187 = vector.shape_cast %get3A_186 : vector<16xf32> to vector<16xf32>
    %mul3A_188 = arith.constant 0.00999999977 : f32
    %mul3A_189 = vector.broadcast %mul3A_188 : f32 to vector<16xf32>
    %mul3A_190 = arith.mulf %get3A_187, %mul3A_189 : vector<16xf32>
    %get3A_191 = arith.constant 368 : index
    %get3A_192 = tpu.vector_load %arg10[%get3A_191] {strides = array<i32>} : memref<512xf32, #tpu.memory_space<vmem>>, vector<16xf32>,
    %get3A_193 = vector.shape_cast %get3A_192 : vector<16xf32> to vector<16xf32>
    %mul3A_194 = arith.constant 0.00999999977 : f32
    %mul3A_195 = vector.broadcast %mul3A_194 : f32 to vector<16xf32>
    %mul3A_196 = arith.mulf %get3A_193, %mul3A_195 : vector<16xf32>
    %get3A_197 = arith.constant 384 : index
    %get3A_198 = tpu.vector_load %arg10[%get3A_197] {strides = array<i32>} : memref<512xf32, #tpu.memory_space<vmem>>, vector<16xf32>,
    %get3A_199 = vector.shape_cast %get3A_198 : vector<16xf32> to vector<16xf32>
    %mul3A_200 = arith.constant 0.00999999977 : f32
    %mul3A_201 = vector.broadcast %mul3A_200 : f32 to vector<16xf32>
    %mul3A_202 = arith.mulf %get3A_199, %mul3A_201 : vector<16xf32>
    %get3A_203 = arith.constant 400 : index
    %get3A_204 = tpu.vector_load %arg10[%get3A_203] {strides = array<i32>} : memref<512xf32, #tpu.memory_space<vmem>>, vector<16xf32>,
    %get3A_205 = vector.shape_cast %get3A_204 : vector<16xf32> to vector<16xf32>
    %mul3A_206 = arith.constant 0.00999999977 : f32
    %mul3A_207 = vector.broadcast %mul3A_206 : f32 to vector<16xf32>
    %mul3A_208 = arith.mulf %get3A_205, %mul3A_207 : vector<16xf32>
    %get3A_209 = arith.constant 416 : index
    %get3A_210 = tpu.vector_load %arg10[%get3A_209] {strides = array<i32>} : memref<512xf32, #tpu.memory_space<vmem>>, vector<16xf32>,
    %get3A_211 = vector.shape_cast %get3A_210 : vector<16xf32> to vector<16xf32>
    %mul3A_212 = arith.constant 0.00999999977 : f32
    %mul3A_213 = vector.broadcast %mul3A_212 : f32 to vector<16xf32>
    %mul3A_214 = arith.mulf %get3A_211, %mul3A_213 : vector<16xf32>
    %get3A_215 = arith.constant 432 : index
    %get3A_216 = tpu.vector_load %arg10[%get3A_215] {strides = array<i32>} : memref<512xf32, #tpu.memory_space<vmem>>, vector<16xf32>,
    %get3A_217 = vector.shape_cast %get3A_216 : vector<16xf32> to vector<16xf32>
    %mul3A_218 = arith.constant 0.00999999977 : f32
    %mul3A_219 = vector.broadcast %mul3A_218 : f32 to vector<16xf32>
    %mul3A_220 = arith.mulf %get3A_217, %mul3A_219 : vector<16xf32>
    %get3A_221 = arith.constant 448 : index
    %get3A_222 = tpu.vector_load %arg10[%get3A_221] {strides = array<i32>} : memref<512xf32, #tpu.memory_space<vmem>>, vector<16xf32>,
    %get3A_223 = vector.shape_cast %get3A_222 : vector<16xf32> to vector<16xf32>
    %mul3A_224 = arith.constant 0.00999999977 : f32
    %mul3A_225 = vector.broadcast %mul3A_224 : f32 to vector<16xf32>
    %mul3A_226 = arith.mulf %get3A_223, %mul3A_225 : vector<16xf32>
    %get3A_227 = arith.constant 464 : index
    %get3A_228 = tpu.vector_load %arg10[%get3A_227] {strides = array<i32>} : memref<512xf32, #tpu.memory_space<vmem>>, vector<16xf32>,
    %get3A_229 = vector.shape_cast %get3A_228 : vector<16xf32> to vector<16xf32>
    %mul3A_230 = arith.constant 0.00999999977 : f32
    %mul3A_231 = vector.broadcast %mul3A_230 : f32 to vector<16xf32>
    %mul3A_232 = arith.mulf %get3A_229, %mul3A_231 : vector<16xf32>
    %get3A_233 = arith.constant 480 : index
    %get3A_234 = tpu.vector_load %arg10[%get3A_233] {strides = array<i32>} : memref<512xf32, #tpu.memory_space<vmem>>, vector<16xf32>,
    %get3A_235 = vector.shape_cast %get3A_234 : vector<16xf32> to vector<16xf32>
    %mul3A_236 = arith.constant 0.00999999977 : f32
    %mul3A_237 = vector.broadcast %mul3A_236 : f32 to vector<16xf32>
    %mul3A_238 = arith.mulf %get3A_235, %mul3A_237 : vector<16xf32>
    %get3A_239 = arith.constant 496 : index
    %get3A_240 = tpu.vector_load %arg10[%get3A_239] {strides = array<i32>} : memref<512xf32, #tpu.memory_space<vmem>>, vector<16xf32>,
    %get3A_241 = vector.shape_cast %get3A_240 : vector<16xf32> to vector<16xf32>
    %mul3A_242 = arith.constant 0.00999999977 : f32
    %mul3A_243 = vector.broadcast %mul3A_242 : f32 to vector<16xf32>
    %mul3A_244 = arith.mulf %get3A_241, %mul3A_243 : vector<16xf32>
    %dma_wait3A_245 = arith.constant 0 : i32
    %dma_wait3A_246 = arith.constant 0 : i32
    %dma_wait3A_247 = tpu.memref_slice %arg4[%dma_wait3A_245, %dma_wait3A_246] : memref<512x512xf32, #tpu.memory_space<hbm>> -> memref<512x512xf32, #tpu.memory_space<hbm>>
    tpu.wait_indirect_dma semaphore(%arg15 : memref<!tpu.dma_semaphore, #tpu.memory_space<semaphore_mem>>) src(%dma_wait3A_247 : memref<512x512xf32, #tpu.memory_space<hbm>>) dst(%arg11 : memref<32x512xf32, #tpu.memory_space<vmem>>)
    %dma_wait3A_248 = arith.constant 0 : i32
    %dma_wait3A_249 = arith.constant 0 : i32
    %dma_wait3A_250 = tpu.memref_slice %arg5[%dma_wait3A_248, %dma_wait3A_249] : memref<262144x512xf32, #tpu.memory_space<hbm>> -> memref<262144x512xf32, #tpu.memory_space<hbm>>
    tpu.wait_indirect_dma semaphore(%arg16 : memref<!tpu.dma_semaphore, #tpu.memory_space<semaphore_mem>>) src(%dma_wait3A_250 : memref<262144x512xf32, #tpu.memory_space<hbm>>) dst(%arg12 : memref<32x512xf32, #tpu.memory_space<vmem>>)
    %scan3A = arith.constant 0 : i32
    %scan3A_251 = arith.constant 0 : i32
    %scan3A_252 = arith.constant 16 : i32
    %scan3A_253 = arith.addi %scan3A_251, %scan3A_252 : i32
    %scan3A_254 = arith.constant 1 : i32
    scf.for %scan3A_306 = %scan3A_251 to %scan3A_253 step %scan3A_254  : i32 {
      %get3A_307 = arith.index_cast %scan3A_306 : i32 to index
      %get3A_308 = arith.constant 0 : index
      %get3A_309 = tpu.vector_load %arg11[%get3A_307, %get3A_308] {strides = array<i32>} : memref<32x512xf32, #tpu.memory_space<vmem>>, vector<1x16xf32>,
      %get3A_310 = vector.shape_cast %get3A_309 : vector<1x16xf32> to vector<16xf32>
      %mul3A_311 = arith.constant 3.900000e-01 : f32
      %mul3A_312 = vector.broadcast %mul3A_311 : f32 to vector<16xf32>
      %mul3A_313 = arith.mulf %mul3A_312, %get3A_310 : vector<16xf32>
      %add3A_314 = arith.addf %mul3A_58, %mul3A_313 : vector<16xf32>
      %get3A_315 = arith.index_cast %scan3A_306 : i32 to index
      %get3A_316 = arith.constant 0 : index
      %get3A_317 = tpu.vector_load %arg12[%get3A_315, %get3A_316] {strides = array<i32>} : memref<32x512xf32, #tpu.memory_space<vmem>>, vector<1x16xf32>,
      %get3A_318 = vector.shape_cast %get3A_317 : vector<1x16xf32> to vector<16xf32>
      %mul3A_319 = arith.constant 6.000000e-01 : f32
      %mul3A_320 = vector.broadcast %mul3A_319 : f32 to vector<16xf32>
      %mul3A_321 = arith.mulf %mul3A_320, %get3A_318 : vector<16xf32>
      %add3A_322 = arith.addf %add3A_314, %mul3A_321 : vector<16xf32>
      %swap3A_323 = arith.index_cast %scan3A_306 : i32 to index
      %swap3A_324 = arith.constant 0 : index
      %swap3A_325 = tpu.vector_load %arg11[%swap3A_323, %swap3A_324] {strides = array<i32>} : memref<32x512xf32, #tpu.memory_space<vmem>>, vector<1x16xf32>,
      %swap3A_326 = vector.shape_cast %swap3A_325 : vector<1x16xf32> to vector<16xf32>
      %swap3A_327 = vector.shape_cast %add3A_322 : vector<16xf32> to vector<1x16xf32>
      tpu.vector_store %arg11[%swap3A_323, %swap3A_324], %swap3A_327 {strides = array<i32>} : memref<32x512xf32, #tpu.memory_space<vmem>>, vector<1x16xf32>,
      %get3A_328 = arith.index_cast %scan3A_306 : i32 to index
      %get3A_329 = arith.constant 16 : index
      %get3A_330 = tpu.vector_load %arg11[%get3A_328, %get3A_329] {strides = array<i32>} : memref<32x512xf32, #tpu.memory_space<vmem>>, vector<1x16xf32>,
      %get3A_331 = vector.shape_cast %get3A_330 : vector<1x16xf32> to vector<16xf32>
      %mul3A_332 = arith.constant 3.900000e-01 : f32
      %mul3A_333 = vector.broadcast %mul3A_332 : f32 to vector<16xf32>
      %mul3A_334 = arith.mulf %mul3A_333, %get3A_331 : vector<16xf32>
      %add3A_335 = arith.addf %mul3A_64, %mul3A_334 : vector<16xf32>
      %get3A_336 = arith.index_cast %scan3A_306 : i32 to index
      %get3A_337 = arith.constant 16 : index
      %get3A_338 = tpu.vector_load %arg12[%get3A_336, %get3A_337] {strides = array<i32>} : memref<32x512xf32, #tpu.memory_space<vmem>>, vector<1x16xf32>,
      %get3A_339 = vector.shape_cast %get3A_338 : vector<1x16xf32> to vector<16xf32>
      %mul3A_340 = arith.constant 6.000000e-01 : f32
      %mul3A_341 = vector.broadcast %mul3A_340 : f32 to vector<16xf32>
      %mul3A_342 = arith.mulf %mul3A_341, %get3A_339 : vector<16xf32>
      %add3A_343 = arith.addf %add3A_335, %mul3A_342 : vector<16xf32>
      %swap3A_344 = arith.index_cast %scan3A_306 : i32 to index
      %swap3A_345 = arith.constant 16 : index
      %swap3A_346 = tpu.vector_load %arg11[%swap3A_344, %swap3A_345] {strides = array<i32>} : memref<32x512xf32, #tpu.memory_space<vmem>>, vector<1x16xf32>,
      %swap3A_347 = vector.shape_cast %swap3A_346 : vector<1x16xf32> to vector<16xf32>
      %swap3A_348 = vector.shape_cast %add3A_343 : vector<16xf32> to vector<1x16xf32>
      tpu.vector_store %arg11[%swap3A_344, %swap3A_345], %swap3A_348 {strides = array<i32>} : memref<32x512xf32, #tpu.memory_space<vmem>>, vector<1x16xf32>,
      %get3A_349 = arith.index_cast %scan3A_306 : i32 to index
      %get3A_350 = arith.constant 32 : index
      %get3A_351 = tpu.vector_load %arg11[%get3A_349, %get3A_350] {strides = array<i32>} : memref<32x512xf32, #tpu.memory_space<vmem>>, vector<1x16xf32>,
      %get3A_352 = vector.shape_cast %get3A_351 : vector<1x16xf32> to vector<16xf32>
      %mul3A_353 = arith.constant 3.900000e-01 : f32
      %mul3A_354 = vector.broadcast %mul3A_353 : f32 to vector<16xf32>
      %mul3A_355 = arith.mulf %mul3A_354, %get3A_352 : vector<16xf32>
      %add3A_356 = arith.addf %mul3A_70, %mul3A_355 : vector<16xf32>
      %get3A_357 = arith.index_cast %scan3A_306 : i32 to index
      %get3A_358 = arith.constant 32 : index
      %get3A_359 = tpu.vector_load %arg12[%get3A_357, %get3A_358] {strides = array<i32>} : memref<32x512xf32, #tpu.memory_space<vmem>>, vector<1x16xf32>,
      %get3A_360 = vector.shape_cast %get3A_359 : vector<1x16xf32> to vector<16xf32>
      %mul3A_361 = arith.constant 6.000000e-01 : f32
      %mul3A_362 = vector.broadcast %mul3A_361 : f32 to vector<16xf32>
      %mul3A_363 = arith.mulf %mul3A_362, %get3A_360 : vector<16xf32>
      %add3A_364 = arith.addf %add3A_356, %mul3A_363 : vector<16xf32>
      %swap3A_365 = arith.index_cast %scan3A_306 : i32 to index
      %swap3A_366 = arith.constant 32 : index
      %swap3A_367 = tpu.vector_load %arg11[%swap3A_365, %swap3A_366] {strides = array<i32>} : memref<32x512xf32, #tpu.memory_space<vmem>>, vector<1x16xf32>,
      %swap3A_368 = vector.shape_cast %swap3A_367 : vector<1x16xf32> to vector<16xf32>
      %swap3A_369 = vector.shape_cast %add3A_364 : vector<16xf32> to vector<1x16xf32>
      tpu.vector_store %arg11[%swap3A_365, %swap3A_366], %swap3A_369 {strides = array<i32>} : memref<32x512xf32, #tpu.memory_space<vmem>>, vector<1x16xf32>,
      %get3A_370 = arith.index_cast %scan3A_306 : i32 to index
      %get3A_371 = arith.constant 48 : index
      %get3A_372 = tpu.vector_load %arg11[%get3A_370, %get3A_371] {strides = array<i32>} : memref<32x512xf32, #tpu.memory_space<vmem>>, vector<1x16xf32>,
      %get3A_373 = vector.shape_cast %get3A_372 : vector<1x16xf32> to vector<16xf32>
      %mul3A_374 = arith.constant 3.900000e-01 : f32
      %mul3A_375 = vector.broadcast %mul3A_374 : f32 to vector<16xf32>
      %mul3A_376 = arith.mulf %mul3A_375, %get3A_373 : vector<16xf32>
      %add3A_377 = arith.addf %mul3A_76, %mul3A_376 : vector<16xf32>
      %get3A_378 = arith.index_cast %scan3A_306 : i32 to index
      %get3A_379 = arith.constant 48 : index
      %get3A_380 = tpu.vector_load %arg12[%get3A_378, %get3A_379] {strides = array<i32>} : memref<32x512xf32, #tpu.memory_space<vmem>>, vector<1x16xf32>,
      %get3A_381 = vector.shape_cast %get3A_380 : vector<1x16xf32> to vector<16xf32>
      %mul3A_382 = arith.constant 6.000000e-01 : f32
      %mul3A_383 = vector.broadcast %mul3A_382 : f32 to vector<16xf32>
      %mul3A_384 = arith.mulf %mul3A_383, %get3A_381 : vector<16xf32>
      %add3A_385 = arith.addf %add3A_377, %mul3A_384 : vector<16xf32>
      %swap3A_386 = arith.index_cast %scan3A_306 : i32 to index
      %swap3A_387 = arith.constant 48 : index
      %swap3A_388 = tpu.vector_load %arg11[%swap3A_386, %swap3A_387] {strides = array<i32>} : memref<32x512xf32, #tpu.memory_space<vmem>>, vector<1x16xf32>,
      %swap3A_389 = vector.shape_cast %swap3A_388 : vector<1x16xf32> to vector<16xf32>
      %swap3A_390 = vector.shape_cast %add3A_385 : vector<16xf32> to vector<1x16xf32>
      tpu.vector_store %arg11[%swap3A_386, %swap3A_387], %swap3A_390 {strides = array<i32>} : memref<32x512xf32, #tpu.memory_space<vmem>>, vector<1x16xf32>,
      %get3A_391 = arith.index_cast %scan3A_306 : i32 to index
      %get3A_392 = arith.constant 64 : index
      %get3A_393 = tpu.vector_load %arg11[%get3A_391, %get3A_392] {strides = array<i32>} : memref<32x512xf32, #tpu.memory_space<vmem>>, vector<1x16xf32>,
      %get3A_394 = vector.shape_cast %get3A_393 : vector<1x16xf32> to vector<16xf32>
      %mul3A_395 = arith.constant 3.900000e-01 : f32
      %mul3A_396 = vector.broadcast %mul3A_395 : f32 to vector<16xf32>
      %mul3A_397 = arith.mulf %mul3A_396, %get3A_394 : vector<16xf32>
      %add3A_398 = arith.addf %mul3A_82, %mul3A_397 : vector<16xf32>
      %get3A_399 = arith.index_cast %scan3A_306 : i32 to index
      %get3A_400 = arith.constant 64 : index
      %get3A_401 = tpu.vector_load %arg12[%get3A_399, %get3A_400] {strides = array<i32>} : memref<32x512xf32, #tpu.memory_space<vmem>>, vector<1x16xf32>,
      %get3A_402 = vector.shape_cast %get3A_401 : vector<1x16xf32> to vector<16xf32>
      %mul3A_403 = arith.constant 6.000000e-01 : f32
      %mul3A_404 = vector.broadcast %mul3A_403 : f32 to vector<16xf32>
      %mul3A_405 = arith.mulf %mul3A_404, %get3A_402 : vector<16xf32>
      %add3A_406 = arith.addf %add3A_398, %mul3A_405 : vector<16xf32>
      %swap3A_407 = arith.index_cast %scan3A_306 : i32 to index
      %swap3A_408 = arith.constant 64 : index
      %swap3A_409 = tpu.vector_load %arg11[%swap3A_407, %swap3A_408] {strides = array<i32>} : memref<32x512xf32, #tpu.memory_space<vmem>>, vector<1x16xf32>,
      %swap3A_410 = vector.shape_cast %swap3A_409 : vector<1x16xf32> to vector<16xf32>
      %swap3A_411 = vector.shape_cast %add3A_406 : vector<16xf32> to vector<1x16xf32>
      tpu.vector_store %arg11[%swap3A_407, %swap3A_408], %swap3A_411 {strides = array<i32>} : memref<32x512xf32, #tpu.memory_space<vmem>>, vector<1x16xf32>,
      %get3A_412 = arith.index_cast %scan3A_306 : i32 to index
      %get3A_413 = arith.constant 80 : index
      %get3A_414 = tpu.vector_load %arg11[%get3A_412, %get3A_413] {strides = array<i32>} : memref<32x512xf32, #tpu.memory_space<vmem>>, vector<1x16xf32>,
      %get3A_415 = vector.shape_cast %get3A_414 : vector<1x16xf32> to vector<16xf32>
      %mul3A_416 = arith.constant 3.900000e-01 : f32
      %mul3A_417 = vector.broadcast %mul3A_416 : f32 to vector<16xf32>
      %mul3A_418 = arith.mulf %mul3A_417, %get3A_415 : vector<16xf32>
      %add3A_419 = arith.addf %mul3A_88, %mul3A_418 : vector<16xf32>
      %get3A_420 = arith.index_cast %scan3A_306 : i32 to index
      %get3A_421 = arith.constant 80 : index
      %get3A_422 = tpu.vector_load %arg12[%get3A_420, %get3A_421] {strides = array<i32>} : memref<32x512xf32, #tpu.memory_space<vmem>>, vector<1x16xf32>,
      %get3A_423 = vector.shape_cast %get3A_422 : vector<1x16xf32> to vector<16xf32>
      %mul3A_424 = arith.constant 6.000000e-01 : f32
      %mul3A_425 = vector.broadcast %mul3A_424 : f32 to vector<16xf32>
      %mul3A_426 = arith.mulf %mul3A_425, %get3A_423 : vector<16xf32>
      %add3A_427 = arith.addf %add3A_419, %mul3A_426 : vector<16xf32>
      %swap3A_428 = arith.index_cast %scan3A_306 : i32 to index
      %swap3A_429 = arith.constant 80 : index
      %swap3A_430 = tpu.vector_load %arg11[%swap3A_428, %swap3A_429] {strides = array<i32>} : memref<32x512xf32, #tpu.memory_space<vmem>>, vector<1x16xf32>,
      %swap3A_431 = vector.shape_cast %swap3A_430 : vector<1x16xf32> to vector<16xf32>
      %swap3A_432 = vector.shape_cast %add3A_427 : vector<16xf32> to vector<1x16xf32>
      tpu.vector_store %arg11[%swap3A_428, %swap3A_429], %swap3A_432 {strides = array<i32>} : memref<32x512xf32, #tpu.memory_space<vmem>>, vector<1x16xf32>,
      %get3A_433 = arith.index_cast %scan3A_306 : i32 to index
      %get3A_434 = arith.constant 96 : index
      %get3A_435 = tpu.vector_load %arg11[%get3A_433, %get3A_434] {strides = array<i32>} : memref<32x512xf32, #tpu.memory_space<vmem>>, vector<1x16xf32>,
      %get3A_436 = vector.shape_cast %get3A_435 : vector<1x16xf32> to vector<16xf32>
      %mul3A_437 = arith.constant 3.900000e-01 : f32
      %mul3A_438 = vector.broadcast %mul3A_437 : f32 to vector<16xf32>
      %mul3A_439 = arith.mulf %mul3A_438, %get3A_436 : vector<16xf32>
      %add3A_440 = arith.addf %mul3A_94, %mul3A_439 : vector<16xf32>
      %get3A_441 = arith.index_cast %scan3A_306 : i32 to index
      %get3A_442 = arith.constant 96 : index
      %get3A_443 = tpu.vector_load %arg12[%get3A_441, %get3A_442] {strides = array<i32>} : memref<32x512xf32, #tpu.memory_space<vmem>>, vector<1x16xf32>,
      %get3A_444 = vector.shape_cast %get3A_443 : vector<1x16xf32> to vector<16xf32>
      %mul3A_445 = arith.constant 6.000000e-01 : f32
      %mul3A_446 = vector.broadcast %mul3A_445 : f32 to vector<16xf32>
      %mul3A_447 = arith.mulf %mul3A_446, %get3A_444 : vector<16xf32>
      %add3A_448 = arith.addf %add3A_440, %mul3A_447 : vector<16xf32>
      %swap3A_449 = arith.index_cast %scan3A_306 : i32 to index
      %swap3A_450 = arith.constant 96 : index
      %swap3A_451 = tpu.vector_load %arg11[%swap3A_449, %swap3A_450] {strides = array<i32>} : memref<32x512xf32, #tpu.memory_space<vmem>>, vector<1x16xf32>,
      %swap3A_452 = vector.shape_cast %swap3A_451 : vector<1x16xf32> to vector<16xf32>
      %swap3A_453 = vector.shape_cast %add3A_448 : vector<16xf32> to vector<1x16xf32>
      tpu.vector_store %arg11[%swap3A_449, %swap3A_450], %swap3A_453 {strides = array<i32>} : memref<32x512xf32, #tpu.memory_space<vmem>>, vector<1x16xf32>,
      %get3A_454 = arith.index_cast %scan3A_306 : i32 to index
      %get3A_455 = arith.constant 112 : index
      %get3A_456 = tpu.vector_load %arg11[%get3A_454, %get3A_455] {strides = array<i32>} : memref<32x512xf32, #tpu.memory_space<vmem>>, vector<1x16xf32>,
      %get3A_457 = vector.shape_cast %get3A_456 : vector<1x16xf32> to vector<16xf32>
      %mul3A_458 = arith.constant 3.900000e-01 : f32
      %mul3A_459 = vector.broadcast %mul3A_458 : f32 to vector<16xf32>
      %mul3A_460 = arith.mulf %mul3A_459, %get3A_457 : vector<16xf32>
      %add3A_461 = arith.addf %mul3A_100, %mul3A_460 : vector<16xf32>
      %get3A_462 = arith.index_cast %scan3A_306 : i32 to index
      %get3A_463 = arith.constant 112 : index
      %get3A_464 = tpu.vector_load %arg12[%get3A_462, %get3A_463] {strides = array<i32>} : memref<32x512xf32, #tpu.memory_space<vmem>>, vector<1x16xf32>,
      %get3A_465 = vector.shape_cast %get3A_464 : vector<1x16xf32> to vector<16xf32>
      %mul3A_466 = arith.constant 6.000000e-01 : f32
      %mul3A_467 = vector.broadcast %mul3A_466 : f32 to vector<16xf32>
      %mul3A_468 = arith.mulf %mul3A_467, %get3A_465 : vector<16xf32>
      %add3A_469 = arith.addf %add3A_461, %mul3A_468 : vector<16xf32>
      %swap3A_470 = arith.index_cast %scan3A_306 : i32 to index
      %swap3A_471 = arith.constant 112 : index
      %swap3A_472 = tpu.vector_load %arg11[%swap3A_470, %swap3A_471] {strides = array<i32>} : memref<32x512xf32, #tpu.memory_space<vmem>>, vector<1x16xf32>,
      %swap3A_473 = vector.shape_cast %swap3A_472 : vector<1x16xf32> to vector<16xf32>
      %swap3A_474 = vector.shape_cast %add3A_469 : vector<16xf32> to vector<1x16xf32>
      tpu.vector_store %arg11[%swap3A_470, %swap3A_471], %swap3A_474 {strides = array<i32>} : memref<32x512xf32, #tpu.memory_space<vmem>>, vector<1x16xf32>,
      %get3A_475 = arith.index_cast %scan3A_306 : i32 to index
      %get3A_476 = arith.constant 128 : index
      %get3A_477 = tpu.vector_load %arg11[%get3A_475, %get3A_476] {strides = array<i32>} : memref<32x512xf32, #tpu.memory_space<vmem>>, vector<1x16xf32>,
      %get3A_478 = vector.shape_cast %get3A_477 : vector<1x16xf32> to vector<16xf32>
      %mul3A_479 = arith.constant 3.900000e-01 : f32
      %mul3A_480 = vector.broadcast %mul3A_479 : f32 to vector<16xf32>
      %mul3A_481 = arith.mulf %mul3A_480, %get3A_478 : vector<16xf32>
      %add3A_482 = arith.addf %mul3A_106, %mul3A_481 : vector<16xf32>
      %get3A_483 = arith.index_cast %scan3A_306 : i32 to index
      %get3A_484 = arith.constant 128 : index
      %get3A_485 = tpu.vector_load %arg12[%get3A_483, %get3A_484] {strides = array<i32>} : memref<32x512xf32, #tpu.memory_space<vmem>>, vector<1x16xf32>,
      %get3A_486 = vector.shape_cast %get3A_485 : vector<1x16xf32> to vector<16xf32>
      %mul3A_487 = arith.constant 6.000000e-01 : f32
      %mul3A_488 = vector.broadcast %mul3A_487 : f32 to vector<16xf32>
      %mul3A_489 = arith.mulf %mul3A_488, %get3A_486 : vector<16xf32>
      %add3A_490 = arith.addf %add3A_482, %mul3A_489 : vector<16xf32>
      %swap3A_491 = arith.index_cast %scan3A_306 : i32 to index
      %swap3A_492 = arith.constant 128 : index
      %swap3A_493 = tpu.vector_load %arg11[%swap3A_491, %swap3A_492] {strides = array<i32>} : memref<32x512xf32, #tpu.memory_space<vmem>>, vector<1x16xf32>,
      %swap3A_494 = vector.shape_cast %swap3A_493 : vector<1x16xf32> to vector<16xf32>
      %swap3A_495 = vector.shape_cast %add3A_490 : vector<16xf32> to vector<1x16xf32>
      tpu.vector_store %arg11[%swap3A_491, %swap3A_492], %swap3A_495 {strides = array<i32>} : memref<32x512xf32, #tpu.memory_space<vmem>>, vector<1x16xf32>,
      %get3A_496 = arith.index_cast %scan3A_306 : i32 to index
      %get3A_497 = arith.constant 144 : index
      %get3A_498 = tpu.vector_load %arg11[%get3A_496, %get3A_497] {strides = array<i32>} : memref<32x512xf32, #tpu.memory_space<vmem>>, vector<1x16xf32>,
      %get3A_499 = vector.shape_cast %get3A_498 : vector<1x16xf32> to vector<16xf32>
      %mul3A_500 = arith.constant 3.900000e-01 : f32
      %mul3A_501 = vector.broadcast %mul3A_500 : f32 to vector<16xf32>
      %mul3A_502 = arith.mulf %mul3A_501, %get3A_499 : vector<16xf32>
      %add3A_503 = arith.addf %mul3A_112, %mul3A_502 : vector<16xf32>
      %get3A_504 = arith.index_cast %scan3A_306 : i32 to index
      %get3A_505 = arith.constant 144 : index
      %get3A_506 = tpu.vector_load %arg12[%get3A_504, %get3A_505] {strides = array<i32>} : memref<32x512xf32, #tpu.memory_space<vmem>>, vector<1x16xf32>,
      %get3A_507 = vector.shape_cast %get3A_506 : vector<1x16xf32> to vector<16xf32>
      %mul3A_508 = arith.constant 6.000000e-01 : f32
      %mul3A_509 = vector.broadcast %mul3A_508 : f32 to vector<16xf32>
      %mul3A_510 = arith.mulf %mul3A_509, %get3A_507 : vector<16xf32>
      %add3A_511 = arith.addf %add3A_503, %mul3A_510 : vector<16xf32>
      %swap3A_512 = arith.index_cast %scan3A_306 : i32 to index
      %swap3A_513 = arith.constant 144 : index
      %swap3A_514 = tpu.vector_load %arg11[%swap3A_512, %swap3A_513] {strides = array<i32>} : memref<32x512xf32, #tpu.memory_space<vmem>>, vector<1x16xf32>,
      %swap3A_515 = vector.shape_cast %swap3A_514 : vector<1x16xf32> to vector<16xf32>
      %swap3A_516 = vector.shape_cast %add3A_511 : vector<16xf32> to vector<1x16xf32>
      tpu.vector_store %arg11[%swap3A_512, %swap3A_513], %swap3A_516 {strides = array<i32>} : memref<32x512xf32, #tpu.memory_space<vmem>>, vector<1x16xf32>,
      %get3A_517 = arith.index_cast %scan3A_306 : i32 to index
      %get3A_518 = arith.constant 160 : index
      %get3A_519 = tpu.vector_load %arg11[%get3A_517, %get3A_518] {strides = array<i32>} : memref<32x512xf32, #tpu.memory_space<vmem>>, vector<1x16xf32>,
      %get3A_520 = vector.shape_cast %get3A_519 : vector<1x16xf32> to vector<16xf32>
      %mul3A_521 = arith.constant 3.900000e-01 : f32
      %mul3A_522 = vector.broadcast %mul3A_521 : f32 to vector<16xf32>
      %mul3A_523 = arith.mulf %mul3A_522, %get3A_520 : vector<16xf32>
      %add3A_524 = arith.addf %mul3A_118, %mul3A_523 : vector<16xf32>
      %get3A_525 = arith.index_cast %scan3A_306 : i32 to index
      %get3A_526 = arith.constant 160 : index
      %get3A_527 = tpu.vector_load %arg12[%get3A_525, %get3A_526] {strides = array<i32>} : memref<32x512xf32, #tpu.memory_space<vmem>>, vector<1x16xf32>,
      %get3A_528 = vector.shape_cast %get3A_527 : vector<1x16xf32> to vector<16xf32>
      %mul3A_529 = arith.constant 6.000000e-01 : f32
      %mul3A_530 = vector.broadcast %mul3A_529 : f32 to vector<16xf32>
      %mul3A_531 = arith.mulf %mul3A_530, %get3A_528 : vector<16xf32>
      %add3A_532 = arith.addf %add3A_524, %mul3A_531 : vector<16xf32>
      %swap3A_533 = arith.index_cast %scan3A_306 : i32 to index
      %swap3A_534 = arith.constant 160 : index
      %swap3A_535 = tpu.vector_load %arg11[%swap3A_533, %swap3A_534] {strides = array<i32>} : memref<32x512xf32, #tpu.memory_space<vmem>>, vector<1x16xf32>,
      %swap3A_536 = vector.shape_cast %swap3A_535 : vector<1x16xf32> to vector<16xf32>
      %swap3A_537 = vector.shape_cast %add3A_532 : vector<16xf32> to vector<1x16xf32>
      tpu.vector_store %arg11[%swap3A_533, %swap3A_534], %swap3A_537 {strides = array<i32>} : memref<32x512xf32, #tpu.memory_space<vmem>>, vector<1x16xf32>,
      %get3A_538 = arith.index_cast %scan3A_306 : i32 to index
      %get3A_539 = arith.constant 176 : index
      %get3A_540 = tpu.vector_load %arg11[%get3A_538, %get3A_539] {strides = array<i32>} : memref<32x512xf32, #tpu.memory_space<vmem>>, vector<1x16xf32>,
      %get3A_541 = vector.shape_cast %get3A_540 : vector<1x16xf32> to vector<16xf32>
      %mul3A_542 = arith.constant 3.900000e-01 : f32
      %mul3A_543 = vector.broadcast %mul3A_542 : f32 to vector<16xf32>
      %mul3A_544 = arith.mulf %mul3A_543, %get3A_541 : vector<16xf32>
      %add3A_545 = arith.addf %mul3A_124, %mul3A_544 : vector<16xf32>
      %get3A_546 = arith.index_cast %scan3A_306 : i32 to index
      %get3A_547 = arith.constant 176 : index
      %get3A_548 = tpu.vector_load %arg12[%get3A_546, %get3A_547] {strides = array<i32>} : memref<32x512xf32, #tpu.memory_space<vmem>>, vector<1x16xf32>,
      %get3A_549 = vector.shape_cast %get3A_548 : vector<1x16xf32> to vector<16xf32>
      %mul3A_550 = arith.constant 6.000000e-01 : f32
      %mul3A_551 = vector.broadcast %mul3A_550 : f32 to vector<16xf32>
      %mul3A_552 = arith.mulf %mul3A_551, %get3A_549 : vector<16xf32>
      %add3A_553 = arith.addf %add3A_545, %mul3A_552 : vector<16xf32>
      %swap3A_554 = arith.index_cast %scan3A_306 : i32 to index
      %swap3A_555 = arith.constant 176 : index
      %swap3A_556 = tpu.vector_load %arg11[%swap3A_554, %swap3A_555] {strides = array<i32>} : memref<32x512xf32, #tpu.memory_space<vmem>>, vector<1x16xf32>,
      %swap3A_557 = vector.shape_cast %swap3A_556 : vector<1x16xf32> to vector<16xf32>
      %swap3A_558 = vector.shape_cast %add3A_553 : vector<16xf32> to vector<1x16xf32>
      tpu.vector_store %arg11[%swap3A_554, %swap3A_555], %swap3A_558 {strides = array<i32>} : memref<32x512xf32, #tpu.memory_space<vmem>>, vector<1x16xf32>,
      %get3A_559 = arith.index_cast %scan3A_306 : i32 to index
      %get3A_560 = arith.constant 192 : index
      %get3A_561 = tpu.vector_load %arg11[%get3A_559, %get3A_560] {strides = array<i32>} : memref<32x512xf32, #tpu.memory_space<vmem>>, vector<1x16xf32>,
      %get3A_562 = vector.shape_cast %get3A_561 : vector<1x16xf32> to vector<16xf32>
      %mul3A_563 = arith.constant 3.900000e-01 : f32
      %mul3A_564 = vector.broadcast %mul3A_563 : f32 to vector<16xf32>
      %mul3A_565 = arith.mulf %mul3A_564, %get3A_562 : vector<16xf32>
      %add3A_566 = arith.addf %mul3A_130, %mul3A_565 : vector<16xf32>
      %get3A_567 = arith.index_cast %scan3A_306 : i32 to index
      %get3A_568 = arith.constant 192 : index
      %get3A_569 = tpu.vector_load %arg12[%get3A_567, %get3A_568] {strides = array<i32>} : memref<32x512xf32, #tpu.memory_space<vmem>>, vector<1x16xf32>,
      %get3A_570 = vector.shape_cast %get3A_569 : vector<1x16xf32> to vector<16xf32>
      %mul3A_571 = arith.constant 6.000000e-01 : f32
      %mul3A_572 = vector.broadcast %mul3A_571 : f32 to vector<16xf32>
      %mul3A_573 = arith.mulf %mul3A_572, %get3A_570 : vector<16xf32>
      %add3A_574 = arith.addf %add3A_566, %mul3A_573 : vector<16xf32>
      %swap3A_575 = arith.index_cast %scan3A_306 : i32 to index
      %swap3A_576 = arith.constant 192 : index
      %swap3A_577 = tpu.vector_load %arg11[%swap3A_575, %swap3A_576] {strides = array<i32>} : memref<32x512xf32, #tpu.memory_space<vmem>>, vector<1x16xf32>,
      %swap3A_578 = vector.shape_cast %swap3A_577 : vector<1x16xf32> to vector<16xf32>
      %swap3A_579 = vector.shape_cast %add3A_574 : vector<16xf32> to vector<1x16xf32>
      tpu.vector_store %arg11[%swap3A_575, %swap3A_576], %swap3A_579 {strides = array<i32>} : memref<32x512xf32, #tpu.memory_space<vmem>>, vector<1x16xf32>,
      %get3A_580 = arith.index_cast %scan3A_306 : i32 to index
      %get3A_581 = arith.constant 208 : index
      %get3A_582 = tpu.vector_load %arg11[%get3A_580, %get3A_581] {strides = array<i32>} : memref<32x512xf32, #tpu.memory_space<vmem>>, vector<1x16xf32>,
      %get3A_583 = vector.shape_cast %get3A_582 : vector<1x16xf32> to vector<16xf32>
      %mul3A_584 = arith.constant 3.900000e-01 : f32
      %mul3A_585 = vector.broadcast %mul3A_584 : f32 to vector<16xf32>
      %mul3A_586 = arith.mulf %mul3A_585, %get3A_583 : vector<16xf32>
      %add3A_587 = arith.addf %mul3A_136, %mul3A_586 : vector<16xf32>
      %get3A_588 = arith.index_cast %scan3A_306 : i32 to index
      %get3A_589 = arith.constant 208 : index
      %get3A_590 = tpu.vector_load %arg12[%get3A_588, %get3A_589] {strides = array<i32>} : memref<32x512xf32, #tpu.memory_space<vmem>>, vector<1x16xf32>,
      %get3A_591 = vector.shape_cast %get3A_590 : vector<1x16xf32> to vector<16xf32>
      %mul3A_592 = arith.constant 6.000000e-01 : f32
      %mul3A_593 = vector.broadcast %mul3A_592 : f32 to vector<16xf32>
      %mul3A_594 = arith.mulf %mul3A_593, %get3A_591 : vector<16xf32>
      %add3A_595 = arith.addf %add3A_587, %mul3A_594 : vector<16xf32>
      %swap3A_596 = arith.index_cast %scan3A_306 : i32 to index
      %swap3A_597 = arith.constant 208 : index
      %swap3A_598 = tpu.vector_load %arg11[%swap3A_596, %swap3A_597] {strides = array<i32>} : memref<32x512xf32, #tpu.memory_space<vmem>>, vector<1x16xf32>,
      %swap3A_599 = vector.shape_cast %swap3A_598 : vector<1x16xf32> to vector<16xf32>
      %swap3A_600 = vector.shape_cast %add3A_595 : vector<16xf32> to vector<1x16xf32>
      tpu.vector_store %arg11[%swap3A_596, %swap3A_597], %swap3A_600 {strides = array<i32>} : memref<32x512xf32, #tpu.memory_space<vmem>>, vector<1x16xf32>,
      %get3A_601 = arith.index_cast %scan3A_306 : i32 to index
      %get3A_602 = arith.constant 224 : index
      %get3A_603 = tpu.vector_load %arg11[%get3A_601, %get3A_602] {strides = array<i32>} : memref<32x512xf32, #tpu.memory_space<vmem>>, vector<1x16xf32>,
      %get3A_604 = vector.shape_cast %get3A_603 : vector<1x16xf32> to vector<16xf32>
      %mul3A_605 = arith.constant 3.900000e-01 : f32
      %mul3A_606 = vector.broadcast %mul3A_605 : f32 to vector<16xf32>
      %mul3A_607 = arith.mulf %mul3A_606, %get3A_604 : vector<16xf32>
      %add3A_608 = arith.addf %mul3A_142, %mul3A_607 : vector<16xf32>
      %get3A_609 = arith.index_cast %scan3A_306 : i32 to index
      %get3A_610 = arith.constant 224 : index
      %get3A_611 = tpu.vector_load %arg12[%get3A_609, %get3A_610] {strides = array<i32>} : memref<32x512xf32, #tpu.memory_space<vmem>>, vector<1x16xf32>,
      %get3A_612 = vector.shape_cast %get3A_611 : vector<1x16xf32> to vector<16xf32>
      %mul3A_613 = arith.constant 6.000000e-01 : f32
      %mul3A_614 = vector.broadcast %mul3A_613 : f32 to vector<16xf32>
      %mul3A_615 = arith.mulf %mul3A_614, %get3A_612 : vector<16xf32>
      %add3A_616 = arith.addf %add3A_608, %mul3A_615 : vector<16xf32>
      %swap3A_617 = arith.index_cast %scan3A_306 : i32 to index
      %swap3A_618 = arith.constant 224 : index
      %swap3A_619 = tpu.vector_load %arg11[%swap3A_617, %swap3A_618] {strides = array<i32>} : memref<32x512xf32, #tpu.memory_space<vmem>>, vector<1x16xf32>,
      %swap3A_620 = vector.shape_cast %swap3A_619 : vector<1x16xf32> to vector<16xf32>
      %swap3A_621 = vector.shape_cast %add3A_616 : vector<16xf32> to vector<1x16xf32>
      tpu.vector_store %arg11[%swap3A_617, %swap3A_618], %swap3A_621 {strides = array<i32>} : memref<32x512xf32, #tpu.memory_space<vmem>>, vector<1x16xf32>,
      %get3A_622 = arith.index_cast %scan3A_306 : i32 to index
      %get3A_623 = arith.constant 240 : index
      %get3A_624 = tpu.vector_load %arg11[%get3A_622, %get3A_623] {strides = array<i32>} : memref<32x512xf32, #tpu.memory_space<vmem>>, vector<1x16xf32>,
      %get3A_625 = vector.shape_cast %get3A_624 : vector<1x16xf32> to vector<16xf32>
      %mul3A_626 = arith.constant 3.900000e-01 : f32
      %mul3A_627 = vector.broadcast %mul3A_626 : f32 to vector<16xf32>
      %mul3A_628 = arith.mulf %mul3A_627, %get3A_625 : vector<16xf32>
      %add3A_629 = arith.addf %mul3A_148, %mul3A_628 : vector<16xf32>
      %get3A_630 = arith.index_cast %scan3A_306 : i32 to index
      %get3A_631 = arith.constant 240 : index
      %get3A_632 = tpu.vector_load %arg12[%get3A_630, %get3A_631] {strides = array<i32>} : memref<32x512xf32, #tpu.memory_space<vmem>>, vector<1x16xf32>,
      %get3A_633 = vector.shape_cast %get3A_632 : vector<1x16xf32> to vector<16xf32>
      %mul3A_634 = arith.constant 6.000000e-01 : f32
      %mul3A_635 = vector.broadcast %mul3A_634 : f32 to vector<16xf32>
      %mul3A_636 = arith.mulf %mul3A_635, %get3A_633 : vector<16xf32>
      %add3A_637 = arith.addf %add3A_629, %mul3A_636 : vector<16xf32>
      %swap3A_638 = arith.index_cast %scan3A_306 : i32 to index
      %swap3A_639 = arith.constant 240 : index
      %swap3A_640 = tpu.vector_load %arg11[%swap3A_638, %swap3A_639] {strides = array<i32>} : memref<32x512xf32, #tpu.memory_space<vmem>>, vector<1x16xf32>,
      %swap3A_641 = vector.shape_cast %swap3A_640 : vector<1x16xf32> to vector<16xf32>
      %swap3A_642 = vector.shape_cast %add3A_637 : vector<16xf32> to vector<1x16xf32>
      tpu.vector_store %arg11[%swap3A_638, %swap3A_639], %swap3A_642 {strides = array<i32>} : memref<32x512xf32, #tpu.memory_space<vmem>>, vector<1x16xf32>,
      %get3A_643 = arith.index_cast %scan3A_306 : i32 to index
      %get3A_644 = arith.constant 256 : index
      %get3A_645 = tpu.vector_load %arg11[%get3A_643, %get3A_644] {strides = array<i32>} : memref<32x512xf32, #tpu.memory_space<vmem>>, vector<1x16xf32>,
      %get3A_646 = vector.shape_cast %get3A_645 : vector<1x16xf32> to vector<16xf32>
      %mul3A_647 = arith.constant 3.900000e-01 : f32
      %mul3A_648 = vector.broadcast %mul3A_647 : f32 to vector<16xf32>
      %mul3A_649 = arith.mulf %mul3A_648, %get3A_646 : vector<16xf32>
      %add3A_650 = arith.addf %mul3A_154, %mul3A_649 : vector<16xf32>
      %get3A_651 = arith.index_cast %scan3A_306 : i32 to index
      %get3A_652 = arith.constant 256 : index
      %get3A_653 = tpu.vector_load %arg12[%get3A_651, %get3A_652] {strides = array<i32>} : memref<32x512xf32, #tpu.memory_space<vmem>>, vector<1x16xf32>,
      %get3A_654 = vector.shape_cast %get3A_653 : vector<1x16xf32> to vector<16xf32>
      %mul3A_655 = arith.constant 6.000000e-01 : f32
      %mul3A_656 = vector.broadcast %mul3A_655 : f32 to vector<16xf32>
      %mul3A_657 = arith.mulf %mul3A_656, %get3A_654 : vector<16xf32>
      %add3A_658 = arith.addf %add3A_650, %mul3A_657 : vector<16xf32>
      %swap3A_659 = arith.index_cast %scan3A_306 : i32 to index
      %swap3A_660 = arith.constant 256 : index
      %swap3A_661 = tpu.vector_load %arg11[%swap3A_659, %swap3A_660] {strides = array<i32>} : memref<32x512xf32, #tpu.memory_space<vmem>>, vector<1x16xf32>,
      %swap3A_662 = vector.shape_cast %swap3A_661 : vector<1x16xf32> to vector<16xf32>
      %swap3A_663 = vector.shape_cast %add3A_658 : vector<16xf32> to vector<1x16xf32>
      tpu.vector_store %arg11[%swap3A_659, %swap3A_660], %swap3A_663 {strides = array<i32>} : memref<32x512xf32, #tpu.memory_space<vmem>>, vector<1x16xf32>,
      %get3A_664 = arith.index_cast %scan3A_306 : i32 to index
      %get3A_665 = arith.constant 272 : index
      %get3A_666 = tpu.vector_load %arg11[%get3A_664, %get3A_665] {strides = array<i32>} : memref<32x512xf32, #tpu.memory_space<vmem>>, vector<1x16xf32>,
      %get3A_667 = vector.shape_cast %get3A_666 : vector<1x16xf32> to vector<16xf32>
      %mul3A_668 = arith.constant 3.900000e-01 : f32
      %mul3A_669 = vector.broadcast %mul3A_668 : f32 to vector<16xf32>
      %mul3A_670 = arith.mulf %mul3A_669, %get3A_667 : vector<16xf32>
      %add3A_671 = arith.addf %mul3A_160, %mul3A_670 : vector<16xf32>
      %get3A_672 = arith.index_cast %scan3A_306 : i32 to index
      %get3A_673 = arith.constant 272 : index
      %get3A_674 = tpu.vector_load %arg12[%get3A_672, %get3A_673] {strides = array<i32>} : memref<32x512xf32, #tpu.memory_space<vmem>>, vector<1x16xf32>,
      %get3A_675 = vector.shape_cast %get3A_674 : vector<1x16xf32> to vector<16xf32>
      %mul3A_676 = arith.constant 6.000000e-01 : f32
      %mul3A_677 = vector.broadcast %mul3A_676 : f32 to vector<16xf32>
      %mul3A_678 = arith.mulf %mul3A_677, %get3A_675 : vector<16xf32>
      %add3A_679 = arith.addf %add3A_671, %mul3A_678 : vector<16xf32>
      %swap3A_680 = arith.index_cast %scan3A_306 : i32 to index
      %swap3A_681 = arith.constant 272 : index
      %swap3A_682 = tpu.vector_load %arg11[%swap3A_680, %swap3A_681] {strides = array<i32>} : memref<32x512xf32, #tpu.memory_space<vmem>>, vector<1x16xf32>,
      %swap3A_683 = vector.shape_cast %swap3A_682 : vector<1x16xf32> to vector<16xf32>
      %swap3A_684 = vector.shape_cast %add3A_679 : vector<16xf32> to vector<1x16xf32>
      tpu.vector_store %arg11[%swap3A_680, %swap3A_681], %swap3A_684 {strides = array<i32>} : memref<32x512xf32, #tpu.memory_space<vmem>>, vector<1x16xf32>,
      %get3A_685 = arith.index_cast %scan3A_306 : i32 to index
      %get3A_686 = arith.constant 288 : index
      %get3A_687 = tpu.vector_load %arg11[%get3A_685, %get3A_686] {strides = array<i32>} : memref<32x512xf32, #tpu.memory_space<vmem>>, vector<1x16xf32>,
      %get3A_688 = vector.shape_cast %get3A_687 : vector<1x16xf32> to vector<16xf32>
      %mul3A_689 = arith.constant 3.900000e-01 : f32
      %mul3A_690 = vector.broadcast %mul3A_689 : f32 to vector<16xf32>
      %mul3A_691 = arith.mulf %mul3A_690, %get3A_688 : vector<16xf32>
      %add3A_692 = arith.addf %mul3A_166, %mul3A_691 : vector<16xf32>
      %get3A_693 = arith.index_cast %scan3A_306 : i32 to index
      %get3A_694 = arith.constant 288 : index
      %get3A_695 = tpu.vector_load %arg12[%get3A_693, %get3A_694] {strides = array<i32>} : memref<32x512xf32, #tpu.memory_space<vmem>>, vector<1x16xf32>,
      %get3A_696 = vector.shape_cast %get3A_695 : vector<1x16xf32> to vector<16xf32>
      %mul3A_697 = arith.constant 6.000000e-01 : f32
      %mul3A_698 = vector.broadcast %mul3A_697 : f32 to vector<16xf32>
      %mul3A_699 = arith.mulf %mul3A_698, %get3A_696 : vector<16xf32>
      %add3A_700 = arith.addf %add3A_692, %mul3A_699 : vector<16xf32>
      %swap3A_701 = arith.index_cast %scan3A_306 : i32 to index
      %swap3A_702 = arith.constant 288 : index
      %swap3A_703 = tpu.vector_load %arg11[%swap3A_701, %swap3A_702] {strides = array<i32>} : memref<32x512xf32, #tpu.memory_space<vmem>>, vector<1x16xf32>,
      %swap3A_704 = vector.shape_cast %swap3A_703 : vector<1x16xf32> to vector<16xf32>
      %swap3A_705 = vector.shape_cast %add3A_700 : vector<16xf32> to vector<1x16xf32>
      tpu.vector_store %arg11[%swap3A_701, %swap3A_702], %swap3A_705 {strides = array<i32>} : memref<32x512xf32, #tpu.memory_space<vmem>>, vector<1x16xf32>,
      %get3A_706 = arith.index_cast %scan3A_306 : i32 to index
      %get3A_707 = arith.constant 304 : index
      %get3A_708 = tpu.vector_load %arg11[%get3A_706, %get3A_707] {strides = array<i32>} : memref<32x512xf32, #tpu.memory_space<vmem>>, vector<1x16xf32>,
      %get3A_709 = vector.shape_cast %get3A_708 : vector<1x16xf32> to vector<16xf32>
      %mul3A_710 = arith.constant 3.900000e-01 : f32
      %mul3A_711 = vector.broadcast %mul3A_710 : f32 to vector<16xf32>
      %mul3A_712 = arith.mulf %mul3A_711, %get3A_709 : vector<16xf32>
      %add3A_713 = arith.addf %mul3A_172, %mul3A_712 : vector<16xf32>
      %get3A_714 = arith.index_cast %scan3A_306 : i32 to index
      %get3A_715 = arith.constant 304 : index
      %get3A_716 = tpu.vector_load %arg12[%get3A_714, %get3A_715] {strides = array<i32>} : memref<32x512xf32, #tpu.memory_space<vmem>>, vector<1x16xf32>,
      %get3A_717 = vector.shape_cast %get3A_716 : vector<1x16xf32> to vector<16xf32>
      %mul3A_718 = arith.constant 6.000000e-01 : f32
      %mul3A_719 = vector.broadcast %mul3A_718 : f32 to vector<16xf32>
      %mul3A_720 = arith.mulf %mul3A_719, %get3A_717 : vector<16xf32>
      %add3A_721 = arith.addf %add3A_713, %mul3A_720 : vector<16xf32>
      %swap3A_722 = arith.index_cast %scan3A_306 : i32 to index
      %swap3A_723 = arith.constant 304 : index
      %swap3A_724 = tpu.vector_load %arg11[%swap3A_722, %swap3A_723] {strides = array<i32>} : memref<32x512xf32, #tpu.memory_space<vmem>>, vector<1x16xf32>,
      %swap3A_725 = vector.shape_cast %swap3A_724 : vector<1x16xf32> to vector<16xf32>
      %swap3A_726 = vector.shape_cast %add3A_721 : vector<16xf32> to vector<1x16xf32>
      tpu.vector_store %arg11[%swap3A_722, %swap3A_723], %swap3A_726 {strides = array<i32>} : memref<32x512xf32, #tpu.memory_space<vmem>>, vector<1x16xf32>,
      %get3A_727 = arith.index_cast %scan3A_306 : i32 to index
      %get3A_728 = arith.constant 320 : index
      %get3A_729 = tpu.vector_load %arg11[%get3A_727, %get3A_728] {strides = array<i32>} : memref<32x512xf32, #tpu.memory_space<vmem>>, vector<1x16xf32>,
      %get3A_730 = vector.shape_cast %get3A_729 : vector<1x16xf32> to vector<16xf32>
      %mul3A_731 = arith.constant 3.900000e-01 : f32
      %mul3A_732 = vector.broadcast %mul3A_731 : f32 to vector<16xf32>
      %mul3A_733 = arith.mulf %mul3A_732, %get3A_730 : vector<16xf32>
      %add3A_734 = arith.addf %mul3A_178, %mul3A_733 : vector<16xf32>
      %get3A_735 = arith.index_cast %scan3A_306 : i32 to index
      %get3A_736 = arith.constant 320 : index
      %get3A_737 = tpu.vector_load %arg12[%get3A_735, %get3A_736] {strides = array<i32>} : memref<32x512xf32, #tpu.memory_space<vmem>>, vector<1x16xf32>,
      %get3A_738 = vector.shape_cast %get3A_737 : vector<1x16xf32> to vector<16xf32>
      %mul3A_739 = arith.constant 6.000000e-01 : f32
      %mul3A_740 = vector.broadcast %mul3A_739 : f32 to vector<16xf32>
      %mul3A_741 = arith.mulf %mul3A_740, %get3A_738 : vector<16xf32>
      %add3A_742 = arith.addf %add3A_734, %mul3A_741 : vector<16xf32>
      %swap3A_743 = arith.index_cast %scan3A_306 : i32 to index
      %swap3A_744 = arith.constant 320 : index
      %swap3A_745 = tpu.vector_load %arg11[%swap3A_743, %swap3A_744] {strides = array<i32>} : memref<32x512xf32, #tpu.memory_space<vmem>>, vector<1x16xf32>,
      %swap3A_746 = vector.shape_cast %swap3A_745 : vector<1x16xf32> to vector<16xf32>
      %swap3A_747 = vector.shape_cast %add3A_742 : vector<16xf32> to vector<1x16xf32>
      tpu.vector_store %arg11[%swap3A_743, %swap3A_744], %swap3A_747 {strides = array<i32>} : memref<32x512xf32, #tpu.memory_space<vmem>>, vector<1x16xf32>,
      %get3A_748 = arith.index_cast %scan3A_306 : i32 to index
      %get3A_749 = arith.constant 336 : index
      %get3A_750 = tpu.vector_load %arg11[%get3A_748, %get3A_749] {strides = array<i32>} : memref<32x512xf32, #tpu.memory_space<vmem>>, vector<1x16xf32>,
      %get3A_751 = vector.shape_cast %get3A_750 : vector<1x16xf32> to vector<16xf32>
      %mul3A_752 = arith.constant 3.900000e-01 : f32
      %mul3A_753 = vector.broadcast %mul3A_752 : f32 to vector<16xf32>
      %mul3A_754 = arith.mulf %mul3A_753, %get3A_751 : vector<16xf32>
      %add3A_755 = arith.addf %mul3A_184, %mul3A_754 : vector<16xf32>
      %get3A_756 = arith.index_cast %scan3A_306 : i32 to index
      %get3A_757 = arith.constant 336 : index
      %get3A_758 = tpu.vector_load %arg12[%get3A_756, %get3A_757] {strides = array<i32>} : memref<32x512xf32, #tpu.memory_space<vmem>>, vector<1x16xf32>,
      %get3A_759 = vector.shape_cast %get3A_758 : vector<1x16xf32> to vector<16xf32>
      %mul3A_760 = arith.constant 6.000000e-01 : f32
      %mul3A_761 = vector.broadcast %mul3A_760 : f32 to vector<16xf32>
      %mul3A_762 = arith.mulf %mul3A_761, %get3A_759 : vector<16xf32>
      %add3A_763 = arith.addf %add3A_755, %mul3A_762 : vector<16xf32>
      %swap3A_764 = arith.index_cast %scan3A_306 : i32 to index
      %swap3A_765 = arith.constant 336 : index
      %swap3A_766 = tpu.vector_load %arg11[%swap3A_764, %swap3A_765] {strides = array<i32>} : memref<32x512xf32, #tpu.memory_space<vmem>>, vector<1x16xf32>,
      %swap3A_767 = vector.shape_cast %swap3A_766 : vector<1x16xf32> to vector<16xf32>
      %swap3A_768 = vector.shape_cast %add3A_763 : vector<16xf32> to vector<1x16xf32>
      tpu.vector_store %arg11[%swap3A_764, %swap3A_765], %swap3A_768 {strides = array<i32>} : memref<32x512xf32, #tpu.memory_space<vmem>>, vector<1x16xf32>,
      %get3A_769 = arith.index_cast %scan3A_306 : i32 to index
      %get3A_770 = arith.constant 352 : index
      %get3A_771 = tpu.vector_load %arg11[%get3A_769, %get3A_770] {strides = array<i32>} : memref<32x512xf32, #tpu.memory_space<vmem>>, vector<1x16xf32>,
      %get3A_772 = vector.shape_cast %get3A_771 : vector<1x16xf32> to vector<16xf32>
      %mul3A_773 = arith.constant 3.900000e-01 : f32
      %mul3A_774 = vector.broadcast %mul3A_773 : f32 to vector<16xf32>
      %mul3A_775 = arith.mulf %mul3A_774, %get3A_772 : vector<16xf32>
      %add3A_776 = arith.addf %mul3A_190, %mul3A_775 : vector<16xf32>
      %get3A_777 = arith.index_cast %scan3A_306 : i32 to index
      %get3A_778 = arith.constant 352 : index
      %get3A_779 = tpu.vector_load %arg12[%get3A_777, %get3A_778] {strides = array<i32>} : memref<32x512xf32, #tpu.memory_space<vmem>>, vector<1x16xf32>,
      %get3A_780 = vector.shape_cast %get3A_779 : vector<1x16xf32> to vector<16xf32>
      %mul3A_781 = arith.constant 6.000000e-01 : f32
      %mul3A_782 = vector.broadcast %mul3A_781 : f32 to vector<16xf32>
      %mul3A_783 = arith.mulf %mul3A_782, %get3A_780 : vector<16xf32>
      %add3A_784 = arith.addf %add3A_776, %mul3A_783 : vector<16xf32>
      %swap3A_785 = arith.index_cast %scan3A_306 : i32 to index
      %swap3A_786 = arith.constant 352 : index
      %swap3A_787 = tpu.vector_load %arg11[%swap3A_785, %swap3A_786] {strides = array<i32>} : memref<32x512xf32, #tpu.memory_space<vmem>>, vector<1x16xf32>,
      %swap3A_788 = vector.shape_cast %swap3A_787 : vector<1x16xf32> to vector<16xf32>
      %swap3A_789 = vector.shape_cast %add3A_784 : vector<16xf32> to vector<1x16xf32>
      tpu.vector_store %arg11[%swap3A_785, %swap3A_786], %swap3A_789 {strides = array<i32>} : memref<32x512xf32, #tpu.memory_space<vmem>>, vector<1x16xf32>,
      %get3A_790 = arith.index_cast %scan3A_306 : i32 to index
      %get3A_791 = arith.constant 368 : index
      %get3A_792 = tpu.vector_load %arg11[%get3A_790, %get3A_791] {strides = array<i32>} : memref<32x512xf32, #tpu.memory_space<vmem>>, vector<1x16xf32>,
      %get3A_793 = vector.shape_cast %get3A_792 : vector<1x16xf32> to vector<16xf32>
      %mul3A_794 = arith.constant 3.900000e-01 : f32
      %mul3A_795 = vector.broadcast %mul3A_794 : f32 to vector<16xf32>
      %mul3A_796 = arith.mulf %mul3A_795, %get3A_793 : vector<16xf32>
      %add3A_797 = arith.addf %mul3A_196, %mul3A_796 : vector<16xf32>
      %get3A_798 = arith.index_cast %scan3A_306 : i32 to index
      %get3A_799 = arith.constant 368 : index
      %get3A_800 = tpu.vector_load %arg12[%get3A_798, %get3A_799] {strides = array<i32>} : memref<32x512xf32, #tpu.memory_space<vmem>>, vector<1x16xf32>,
      %get3A_801 = vector.shape_cast %get3A_800 : vector<1x16xf32> to vector<16xf32>
      %mul3A_802 = arith.constant 6.000000e-01 : f32
      %mul3A_803 = vector.broadcast %mul3A_802 : f32 to vector<16xf32>
      %mul3A_804 = arith.mulf %mul3A_803, %get3A_801 : vector<16xf32>
      %add3A_805 = arith.addf %add3A_797, %mul3A_804 : vector<16xf32>
      %swap3A_806 = arith.index_cast %scan3A_306 : i32 to index
      %swap3A_807 = arith.constant 368 : index
      %swap3A_808 = tpu.vector_load %arg11[%swap3A_806, %swap3A_807] {strides = array<i32>} : memref<32x512xf32, #tpu.memory_space<vmem>>, vector<1x16xf32>,
      %swap3A_809 = vector.shape_cast %swap3A_808 : vector<1x16xf32> to vector<16xf32>
      %swap3A_810 = vector.shape_cast %add3A_805 : vector<16xf32> to vector<1x16xf32>
      tpu.vector_store %arg11[%swap3A_806, %swap3A_807], %swap3A_810 {strides = array<i32>} : memref<32x512xf32, #tpu.memory_space<vmem>>, vector<1x16xf32>,
      %get3A_811 = arith.index_cast %scan3A_306 : i32 to index
      %get3A_812 = arith.constant 384 : index
      %get3A_813 = tpu.vector_load %arg11[%get3A_811, %get3A_812] {strides = array<i32>} : memref<32x512xf32, #tpu.memory_space<vmem>>, vector<1x16xf32>,
      %get3A_814 = vector.shape_cast %get3A_813 : vector<1x16xf32> to vector<16xf32>
      %mul3A_815 = arith.constant 3.900000e-01 : f32
      %mul3A_816 = vector.broadcast %mul3A_815 : f32 to vector<16xf32>
      %mul3A_817 = arith.mulf %mul3A_816, %get3A_814 : vector<16xf32>
      %add3A_818 = arith.addf %mul3A_202, %mul3A_817 : vector<16xf32>
      %get3A_819 = arith.index_cast %scan3A_306 : i32 to index
      %get3A_820 = arith.constant 384 : index
      %get3A_821 = tpu.vector_load %arg12[%get3A_819, %get3A_820] {strides = array<i32>} : memref<32x512xf32, #tpu.memory_space<vmem>>, vector<1x16xf32>,
      %get3A_822 = vector.shape_cast %get3A_821 : vector<1x16xf32> to vector<16xf32>
      %mul3A_823 = arith.constant 6.000000e-01 : f32
      %mul3A_824 = vector.broadcast %mul3A_823 : f32 to vector<16xf32>
      %mul3A_825 = arith.mulf %mul3A_824, %get3A_822 : vector<16xf32>
      %add3A_826 = arith.addf %add3A_818, %mul3A_825 : vector<16xf32>
      %swap3A_827 = arith.index_cast %scan3A_306 : i32 to index
      %swap3A_828 = arith.constant 384 : index
      %swap3A_829 = tpu.vector_load %arg11[%swap3A_827, %swap3A_828] {strides = array<i32>} : memref<32x512xf32, #tpu.memory_space<vmem>>, vector<1x16xf32>,
      %swap3A_830 = vector.shape_cast %swap3A_829 : vector<1x16xf32> to vector<16xf32>
      %swap3A_831 = vector.shape_cast %add3A_826 : vector<16xf32> to vector<1x16xf32>
      tpu.vector_store %arg11[%swap3A_827, %swap3A_828], %swap3A_831 {strides = array<i32>} : memref<32x512xf32, #tpu.memory_space<vmem>>, vector<1x16xf32>,
      %get3A_832 = arith.index_cast %scan3A_306 : i32 to index
      %get3A_833 = arith.constant 400 : index
      %get3A_834 = tpu.vector_load %arg11[%get3A_832, %get3A_833] {strides = array<i32>} : memref<32x512xf32, #tpu.memory_space<vmem>>, vector<1x16xf32>,
      %get3A_835 = vector.shape_cast %get3A_834 : vector<1x16xf32> to vector<16xf32>
      %mul3A_836 = arith.constant 3.900000e-01 : f32
      %mul3A_837 = vector.broadcast %mul3A_836 : f32 to vector<16xf32>
      %mul3A_838 = arith.mulf %mul3A_837, %get3A_835 : vector<16xf32>
      %add3A_839 = arith.addf %mul3A_208, %mul3A_838 : vector<16xf32>
      %get3A_840 = arith.index_cast %scan3A_306 : i32 to index
      %get3A_841 = arith.constant 400 : index
      %get3A_842 = tpu.vector_load %arg12[%get3A_840, %get3A_841] {strides = array<i32>} : memref<32x512xf32, #tpu.memory_space<vmem>>, vector<1x16xf32>,
      %get3A_843 = vector.shape_cast %get3A_842 : vector<1x16xf32> to vector<16xf32>
      %mul3A_844 = arith.constant 6.000000e-01 : f32
      %mul3A_845 = vector.broadcast %mul3A_844 : f32 to vector<16xf32>
      %mul3A_846 = arith.mulf %mul3A_845, %get3A_843 : vector<16xf32>
      %add3A_847 = arith.addf %add3A_839, %mul3A_846 : vector<16xf32>
      %swap3A_848 = arith.index_cast %scan3A_306 : i32 to index
      %swap3A_849 = arith.constant 400 : index
      %swap3A_850 = tpu.vector_load %arg11[%swap3A_848, %swap3A_849] {strides = array<i32>} : memref<32x512xf32, #tpu.memory_space<vmem>>, vector<1x16xf32>,
      %swap3A_851 = vector.shape_cast %swap3A_850 : vector<1x16xf32> to vector<16xf32>
      %swap3A_852 = vector.shape_cast %add3A_847 : vector<16xf32> to vector<1x16xf32>
      tpu.vector_store %arg11[%swap3A_848, %swap3A_849], %swap3A_852 {strides = array<i32>} : memref<32x512xf32, #tpu.memory_space<vmem>>, vector<1x16xf32>,
      %get3A_853 = arith.index_cast %scan3A_306 : i32 to index
      %get3A_854 = arith.constant 416 : index
      %get3A_855 = tpu.vector_load %arg11[%get3A_853, %get3A_854] {strides = array<i32>} : memref<32x512xf32, #tpu.memory_space<vmem>>, vector<1x16xf32>,
      %get3A_856 = vector.shape_cast %get3A_855 : vector<1x16xf32> to vector<16xf32>
      %mul3A_857 = arith.constant 3.900000e-01 : f32
      %mul3A_858 = vector.broadcast %mul3A_857 : f32 to vector<16xf32>
      %mul3A_859 = arith.mulf %mul3A_858, %get3A_856 : vector<16xf32>
      %add3A_860 = arith.addf %mul3A_214, %mul3A_859 : vector<16xf32>
      %get3A_861 = arith.index_cast %scan3A_306 : i32 to index
      %get3A_862 = arith.constant 416 : index
      %get3A_863 = tpu.vector_load %arg12[%get3A_861, %get3A_862] {strides = array<i32>} : memref<32x512xf32, #tpu.memory_space<vmem>>, vector<1x16xf32>,
      %get3A_864 = vector.shape_cast %get3A_863 : vector<1x16xf32> to vector<16xf32>
      %mul3A_865 = arith.constant 6.000000e-01 : f32
      %mul3A_866 = vector.broadcast %mul3A_865 : f32 to vector<16xf32>
      %mul3A_867 = arith.mulf %mul3A_866, %get3A_864 : vector<16xf32>
      %add3A_868 = arith.addf %add3A_860, %mul3A_867 : vector<16xf32>
      %swap3A_869 = arith.index_cast %scan3A_306 : i32 to index
      %swap3A_870 = arith.constant 416 : index
      %swap3A_871 = tpu.vector_load %arg11[%swap3A_869, %swap3A_870] {strides = array<i32>} : memref<32x512xf32, #tpu.memory_space<vmem>>, vector<1x16xf32>,
      %swap3A_872 = vector.shape_cast %swap3A_871 : vector<1x16xf32> to vector<16xf32>
      %swap3A_873 = vector.shape_cast %add3A_868 : vector<16xf32> to vector<1x16xf32>
      tpu.vector_store %arg11[%swap3A_869, %swap3A_870], %swap3A_873 {strides = array<i32>} : memref<32x512xf32, #tpu.memory_space<vmem>>, vector<1x16xf32>,
      %get3A_874 = arith.index_cast %scan3A_306 : i32 to index
      %get3A_875 = arith.constant 432 : index
      %get3A_876 = tpu.vector_load %arg11[%get3A_874, %get3A_875] {strides = array<i32>} : memref<32x512xf32, #tpu.memory_space<vmem>>, vector<1x16xf32>,
      %get3A_877 = vector.shape_cast %get3A_876 : vector<1x16xf32> to vector<16xf32>
      %mul3A_878 = arith.constant 3.900000e-01 : f32
      %mul3A_879 = vector.broadcast %mul3A_878 : f32 to vector<16xf32>
      %mul3A_880 = arith.mulf %mul3A_879, %get3A_877 : vector<16xf32>
      %add3A_881 = arith.addf %mul3A_220, %mul3A_880 : vector<16xf32>
      %get3A_882 = arith.index_cast %scan3A_306 : i32 to index
      %get3A_883 = arith.constant 432 : index
      %get3A_884 = tpu.vector_load %arg12[%get3A_882, %get3A_883] {strides = array<i32>} : memref<32x512xf32, #tpu.memory_space<vmem>>, vector<1x16xf32>,
      %get3A_885 = vector.shape_cast %get3A_884 : vector<1x16xf32> to vector<16xf32>
      %mul3A_886 = arith.constant 6.000000e-01 : f32
      %mul3A_887 = vector.broadcast %mul3A_886 : f32 to vector<16xf32>
      %mul3A_888 = arith.mulf %mul3A_887, %get3A_885 : vector<16xf32>
      %add3A_889 = arith.addf %add3A_881, %mul3A_888 : vector<16xf32>
      %swap3A_890 = arith.index_cast %scan3A_306 : i32 to index
      %swap3A_891 = arith.constant 432 : index
      %swap3A_892 = tpu.vector_load %arg11[%swap3A_890, %swap3A_891] {strides = array<i32>} : memref<32x512xf32, #tpu.memory_space<vmem>>, vector<1x16xf32>,
      %swap3A_893 = vector.shape_cast %swap3A_892 : vector<1x16xf32> to vector<16xf32>
      %swap3A_894 = vector.shape_cast %add3A_889 : vector<16xf32> to vector<1x16xf32>
      tpu.vector_store %arg11[%swap3A_890, %swap3A_891], %swap3A_894 {strides = array<i32>} : memref<32x512xf32, #tpu.memory_space<vmem>>, vector<1x16xf32>,
      %get3A_895 = arith.index_cast %scan3A_306 : i32 to index
      %get3A_896 = arith.constant 448 : index
      %get3A_897 = tpu.vector_load %arg11[%get3A_895, %get3A_896] {strides = array<i32>} : memref<32x512xf32, #tpu.memory_space<vmem>>, vector<1x16xf32>,
      %get3A_898 = vector.shape_cast %get3A_897 : vector<1x16xf32> to vector<16xf32>
      %mul3A_899 = arith.constant 3.900000e-01 : f32
      %mul3A_900 = vector.broadcast %mul3A_899 : f32 to vector<16xf32>
      %mul3A_901 = arith.mulf %mul3A_900, %get3A_898 : vector<16xf32>
      %add3A_902 = arith.addf %mul3A_226, %mul3A_901 : vector<16xf32>
      %get3A_903 = arith.index_cast %scan3A_306 : i32 to index
      %get3A_904 = arith.constant 448 : index
      %get3A_905 = tpu.vector_load %arg12[%get3A_903, %get3A_904] {strides = array<i32>} : memref<32x512xf32, #tpu.memory_space<vmem>>, vector<1x16xf32>,
      %get3A_906 = vector.shape_cast %get3A_905 : vector<1x16xf32> to vector<16xf32>
      %mul3A_907 = arith.constant 6.000000e-01 : f32
      %mul3A_908 = vector.broadcast %mul3A_907 : f32 to vector<16xf32>
      %mul3A_909 = arith.mulf %mul3A_908, %get3A_906 : vector<16xf32>
      %add3A_910 = arith.addf %add3A_902, %mul3A_909 : vector<16xf32>
      %swap3A_911 = arith.index_cast %scan3A_306 : i32 to index
      %swap3A_912 = arith.constant 448 : index
      %swap3A_913 = tpu.vector_load %arg11[%swap3A_911, %swap3A_912] {strides = array<i32>} : memref<32x512xf32, #tpu.memory_space<vmem>>, vector<1x16xf32>,
      %swap3A_914 = vector.shape_cast %swap3A_913 : vector<1x16xf32> to vector<16xf32>
      %swap3A_915 = vector.shape_cast %add3A_910 : vector<16xf32> to vector<1x16xf32>
      tpu.vector_store %arg11[%swap3A_911, %swap3A_912], %swap3A_915 {strides = array<i32>} : memref<32x512xf32, #tpu.memory_space<vmem>>, vector<1x16xf32>,
      %get3A_916 = arith.index_cast %scan3A_306 : i32 to index
      %get3A_917 = arith.constant 464 : index
      %get3A_918 = tpu.vector_load %arg11[%get3A_916, %get3A_917] {strides = array<i32>} : memref<32x512xf32, #tpu.memory_space<vmem>>, vector<1x16xf32>,
      %get3A_919 = vector.shape_cast %get3A_918 : vector<1x16xf32> to vector<16xf32>
      %mul3A_920 = arith.constant 3.900000e-01 : f32
      %mul3A_921 = vector.broadcast %mul3A_920 : f32 to vector<16xf32>
      %mul3A_922 = arith.mulf %mul3A_921, %get3A_919 : vector<16xf32>
      %add3A_923 = arith.addf %mul3A_232, %mul3A_922 : vector<16xf32>
      %get3A_924 = arith.index_cast %scan3A_306 : i32 to index
      %get3A_925 = arith.constant 464 : index
      %get3A_926 = tpu.vector_load %arg12[%get3A_924, %get3A_925] {strides = array<i32>} : memref<32x512xf32, #tpu.memory_space<vmem>>, vector<1x16xf32>,
      %get3A_927 = vector.shape_cast %get3A_926 : vector<1x16xf32> to vector<16xf32>
      %mul3A_928 = arith.constant 6.000000e-01 : f32
      %mul3A_929 = vector.broadcast %mul3A_928 : f32 to vector<16xf32>
      %mul3A_930 = arith.mulf %mul3A_929, %get3A_927 : vector<16xf32>
      %add3A_931 = arith.addf %add3A_923, %mul3A_930 : vector<16xf32>
      %swap3A_932 = arith.index_cast %scan3A_306 : i32 to index
      %swap3A_933 = arith.constant 464 : index
      %swap3A_934 = tpu.vector_load %arg11[%swap3A_932, %swap3A_933] {strides = array<i32>} : memref<32x512xf32, #tpu.memory_space<vmem>>, vector<1x16xf32>,
      %swap3A_935 = vector.shape_cast %swap3A_934 : vector<1x16xf32> to vector<16xf32>
      %swap3A_936 = vector.shape_cast %add3A_931 : vector<16xf32> to vector<1x16xf32>
      tpu.vector_store %arg11[%swap3A_932, %swap3A_933], %swap3A_936 {strides = array<i32>} : memref<32x512xf32, #tpu.memory_space<vmem>>, vector<1x16xf32>,
      %get3A_937 = arith.index_cast %scan3A_306 : i32 to index
      %get3A_938 = arith.constant 480 : index
      %get3A_939 = tpu.vector_load %arg11[%get3A_937, %get3A_938] {strides = array<i32>} : memref<32x512xf32, #tpu.memory_space<vmem>>, vector<1x16xf32>,
      %get3A_940 = vector.shape_cast %get3A_939 : vector<1x16xf32> to vector<16xf32>
      %mul3A_941 = arith.constant 3.900000e-01 : f32
      %mul3A_942 = vector.broadcast %mul3A_941 : f32 to vector<16xf32>
      %mul3A_943 = arith.mulf %mul3A_942, %get3A_940 : vector<16xf32>
      %add3A_944 = arith.addf %mul3A_238, %mul3A_943 : vector<16xf32>
      %get3A_945 = arith.index_cast %scan3A_306 : i32 to index
      %get3A_946 = arith.constant 480 : index
      %get3A_947 = tpu.vector_load %arg12[%get3A_945, %get3A_946] {strides = array<i32>} : memref<32x512xf32, #tpu.memory_space<vmem>>, vector<1x16xf32>,
      %get3A_948 = vector.shape_cast %get3A_947 : vector<1x16xf32> to vector<16xf32>
      %mul3A_949 = arith.constant 6.000000e-01 : f32
      %mul3A_950 = vector.broadcast %mul3A_949 : f32 to vector<16xf32>
      %mul3A_951 = arith.mulf %mul3A_950, %get3A_948 : vector<16xf32>
      %add3A_952 = arith.addf %add3A_944, %mul3A_951 : vector<16xf32>
      %swap3A_953 = arith.index_cast %scan3A_306 : i32 to index
      %swap3A_954 = arith.constant 480 : index
      %swap3A_955 = tpu.vector_load %arg11[%swap3A_953, %swap3A_954] {strides = array<i32>} : memref<32x512xf32, #tpu.memory_space<vmem>>, vector<1x16xf32>,
      %swap3A_956 = vector.shape_cast %swap3A_955 : vector<1x16xf32> to vector<16xf32>
      %swap3A_957 = vector.shape_cast %add3A_952 : vector<16xf32> to vector<1x16xf32>
      tpu.vector_store %arg11[%swap3A_953, %swap3A_954], %swap3A_957 {strides = array<i32>} : memref<32x512xf32, #tpu.memory_space<vmem>>, vector<1x16xf32>,
      %get3A_958 = arith.index_cast %scan3A_306 : i32 to index
      %get3A_959 = arith.constant 496 : index
      %get3A_960 = tpu.vector_load %arg11[%get3A_958, %get3A_959] {strides = array<i32>} : memref<32x512xf32, #tpu.memory_space<vmem>>, vector<1x16xf32>,
      %get3A_961 = vector.shape_cast %get3A_960 : vector<1x16xf32> to vector<16xf32>
      %mul3A_962 = arith.constant 3.900000e-01 : f32
      %mul3A_963 = vector.broadcast %mul3A_962 : f32 to vector<16xf32>
      %mul3A_964 = arith.mulf %mul3A_963, %get3A_961 : vector<16xf32>
      %add3A_965 = arith.addf %mul3A_244, %mul3A_964 : vector<16xf32>
      %get3A_966 = arith.index_cast %scan3A_306 : i32 to index
      %get3A_967 = arith.constant 496 : index
      %get3A_968 = tpu.vector_load %arg12[%get3A_966, %get3A_967] {strides = array<i32>} : memref<32x512xf32, #tpu.memory_space<vmem>>, vector<1x16xf32>,
      %get3A_969 = vector.shape_cast %get3A_968 : vector<1x16xf32> to vector<16xf32>
      %mul3A_970 = arith.constant 6.000000e-01 : f32
      %mul3A_971 = vector.broadcast %mul3A_970 : f32 to vector<16xf32>
      %mul3A_972 = arith.mulf %mul3A_971, %get3A_969 : vector<16xf32>
      %add3A_973 = arith.addf %add3A_965, %mul3A_972 : vector<16xf32>
      %swap3A_974 = arith.index_cast %scan3A_306 : i32 to index
      %swap3A_975 = arith.constant 496 : index
      %swap3A_976 = tpu.vector_load %arg11[%swap3A_974, %swap3A_975] {strides = array<i32>} : memref<32x512xf32, #tpu.memory_space<vmem>>, vector<1x16xf32>,
      %swap3A_977 = vector.shape_cast %swap3A_976 : vector<1x16xf32> to vector<16xf32>
      %swap3A_978 = vector.shape_cast %add3A_973 : vector<16xf32> to vector<1x16xf32>
      tpu.vector_store %arg11[%swap3A_974, %swap3A_975], %swap3A_978 {strides = array<i32>} : memref<32x512xf32, #tpu.memory_space<vmem>>, vector<1x16xf32>,
    }
    %scan3A_255 = arith.constant 16 : i32
    %add3A_256 = arith.constant 0 : i32
    %add3A_257 = arith.addi %mul3A_2, %add3A_256 : i32
    %dma_start3A_258 = arith.constant 0 : i32
    %dma_start3A_259 = arith.constant 0 : i32
    %dma_start3A_260 = tpu.memref_slice %arg11[%dma_start3A_258, %dma_start3A_259] : memref<32x512xf32, #tpu.memory_space<vmem>> -> memref<16x512xf32, #tpu.memory_space<vmem>>
    %dma_start3A_261 = arith.constant 0 : i32
    %dma_start3A_262 = tpu.memref_slice %arg6[%add3A_257, %dma_start3A_261] : memref<1024x512xf32, #tpu.memory_space<hbm>> -> memref<16x512xf32, #tpu.memory_space<hbm>>
    %dma_start3A_263 = arith.constant 0 : i32
    %dma_start3A_264 = tpu.memref_slice %arg6[%add3A_257, %dma_start3A_263] : memref<1024x512xf32, #tpu.memory_space<hbm>> -> memref<16x512xf32, #tpu.memory_space<hbm>>
    %dma_start3A_265 = arith.constant 0 : i32
    %dma_start3A_266 = arith.constant 0 : i32
    %dma_start3A_267 = tpu.memref_slice %arg11[%dma_start3A_265, %dma_start3A_266] : memref<32x512xf32, #tpu.memory_space<vmem>> -> memref<16x512xf32, #tpu.memory_space<vmem>>
    tpu.enqueue_dma source(%dma_start3A_267 : memref<16x512xf32, #tpu.memory_space<vmem>>) target(%dma_start3A_264 : memref<16x512xf32, #tpu.memory_space<hbm>>) target_semaphore(%arg17 : memref<!tpu.dma_semaphore, #tpu.memory_space<semaphore_mem>>)
    %scan3A_268 = arith.constant 0 : i32
    %scan3A_269 = arith.constant 16 : i32
    %scan3A_270 = arith.constant 16 : i32
    %scan3A_271 = arith.addi %scan3A_269, %scan3A_270 : i32
    %scan3A_272 = arith.constant 1 : i32
    scf.for %scan3A_306 = %scan3A_269 to %scan3A_271 step %scan3A_272  : i32 {
      %get3A_307 = arith.index_cast %scan3A_306 : i32 to index
      %get3A_308 = arith.constant 0 : index
      %get3A_309 = tpu.vector_load %arg11[%get3A_307, %get3A_308] {strides = array<i32>} : memref<32x512xf32, #tpu.memory_space<vmem>>, vector<1x16xf32>,
      %get3A_310 = vector.shape_cast %get3A_309 : vector<1x16xf32> to vector<16xf32>
      %mul3A_311 = arith.constant 3.900000e-01 : f32
      %mul3A_312 = vector.broadcast %mul3A_311 : f32 to vector<16xf32>
      %mul3A_313 = arith.mulf %mul3A_312, %get3A_310 : vector<16xf32>
      %add3A_314 = arith.addf %mul3A_58, %mul3A_313 : vector<16xf32>
      %get3A_315 = arith.index_cast %scan3A_306 : i32 to index
      %get3A_316 = arith.constant 0 : index
      %get3A_317 = tpu.vector_load %arg12[%get3A_315, %get3A_316] {strides = array<i32>} : memref<32x512xf32, #tpu.memory_space<vmem>>, vector<1x16xf32>,
      %get3A_318 = vector.shape_cast %get3A_317 : vector<1x16xf32> to vector<16xf32>
      %mul3A_319 = arith.constant 6.000000e-01 : f32
      %mul3A_320 = vector.broadcast %mul3A_319 : f32 to vector<16xf32>
      %mul3A_321 = arith.mulf %mul3A_320, %get3A_318 : vector<16xf32>
      %add3A_322 = arith.addf %add3A_314, %mul3A_321 : vector<16xf32>
      %swap3A_323 = arith.index_cast %scan3A_306 : i32 to index
      %swap3A_324 = arith.constant 0 : index
      %swap3A_325 = tpu.vector_load %arg11[%swap3A_323, %swap3A_324] {strides = array<i32>} : memref<32x512xf32, #tpu.memory_space<vmem>>, vector<1x16xf32>,
      %swap3A_326 = vector.shape_cast %swap3A_325 : vector<1x16xf32> to vector<16xf32>
      %swap3A_327 = vector.shape_cast %add3A_322 : vector<16xf32> to vector<1x16xf32>
      tpu.vector_store %arg11[%swap3A_323, %swap3A_324], %swap3A_327 {strides = array<i32>} : memref<32x512xf32, #tpu.memory_space<vmem>>, vector<1x16xf32>,
      %get3A_328 = arith.index_cast %scan3A_306 : i32 to index
      %get3A_329 = arith.constant 16 : index
      %get3A_330 = tpu.vector_load %arg11[%get3A_328, %get3A_329] {strides = array<i32>} : memref<32x512xf32, #tpu.memory_space<vmem>>, vector<1x16xf32>,
      %get3A_331 = vector.shape_cast %get3A_330 : vector<1x16xf32> to vector<16xf32>
      %mul3A_332 = arith.constant 3.900000e-01 : f32
      %mul3A_333 = vector.broadcast %mul3A_332 : f32 to vector<16xf32>
      %mul3A_334 = arith.mulf %mul3A_333, %get3A_331 : vector<16xf32>
      %add3A_335 = arith.addf %mul3A_64, %mul3A_334 : vector<16xf32>
      %get3A_336 = arith.index_cast %scan3A_306 : i32 to index
      %get3A_337 = arith.constant 16 : index
      %get3A_338 = tpu.vector_load %arg12[%get3A_336, %get3A_337] {strides = array<i32>} : memref<32x512xf32, #tpu.memory_space<vmem>>, vector<1x16xf32>,
      %get3A_339 = vector.shape_cast %get3A_338 : vector<1x16xf32> to vector<16xf32>
      %mul3A_340 = arith.constant 6.000000e-01 : f32
      %mul3A_341 = vector.broadcast %mul3A_340 : f32 to vector<16xf32>
      %mul3A_342 = arith.mulf %mul3A_341, %get3A_339 : vector<16xf32>
      %add3A_343 = arith.addf %add3A_335, %mul3A_342 : vector<16xf32>
      %swap3A_344 = arith.index_cast %scan3A_306 : i32 to index
      %swap3A_345 = arith.constant 16 : index
      %swap3A_346 = tpu.vector_load %arg11[%swap3A_344, %swap3A_345] {strides = array<i32>} : memref<32x512xf32, #tpu.memory_space<vmem>>, vector<1x16xf32>,
      %swap3A_347 = vector.shape_cast %swap3A_346 : vector<1x16xf32> to vector<16xf32>
      %swap3A_348 = vector.shape_cast %add3A_343 : vector<16xf32> to vector<1x16xf32>
      tpu.vector_store %arg11[%swap3A_344, %swap3A_345], %swap3A_348 {strides = array<i32>} : memref<32x512xf32, #tpu.memory_space<vmem>>, vector<1x16xf32>,
      %get3A_349 = arith.index_cast %scan3A_306 : i32 to index
      %get3A_350 = arith.constant 32 : index
      %get3A_351 = tpu.vector_load %arg11[%get3A_349, %get3A_350] {strides = array<i32>} : memref<32x512xf32, #tpu.memory_space<vmem>>, vector<1x16xf32>,
      %get3A_352 = vector.shape_cast %get3A_351 : vector<1x16xf32> to vector<16xf32>
      %mul3A_353 = arith.constant 3.900000e-01 : f32
      %mul3A_354 = vector.broadcast %mul3A_353 : f32 to vector<16xf32>
      %mul3A_355 = arith.mulf %mul3A_354, %get3A_352 : vector<16xf32>
      %add3A_356 = arith.addf %mul3A_70, %mul3A_355 : vector<16xf32>
      %get3A_357 = arith.index_cast %scan3A_306 : i32 to index
      %get3A_358 = arith.constant 32 : index
      %get3A_359 = tpu.vector_load %arg12[%get3A_357, %get3A_358] {strides = array<i32>} : memref<32x512xf32, #tpu.memory_space<vmem>>, vector<1x16xf32>,
      %get3A_360 = vector.shape_cast %get3A_359 : vector<1x16xf32> to vector<16xf32>
      %mul3A_361 = arith.constant 6.000000e-01 : f32
      %mul3A_362 = vector.broadcast %mul3A_361 : f32 to vector<16xf32>
      %mul3A_363 = arith.mulf %mul3A_362, %get3A_360 : vector<16xf32>
      %add3A_364 = arith.addf %add3A_356, %mul3A_363 : vector<16xf32>
      %swap3A_365 = arith.index_cast %scan3A_306 : i32 to index
      %swap3A_366 = arith.constant 32 : index
      %swap3A_367 = tpu.vector_load %arg11[%swap3A_365, %swap3A_366] {strides = array<i32>} : memref<32x512xf32, #tpu.memory_space<vmem>>, vector<1x16xf32>,
      %swap3A_368 = vector.shape_cast %swap3A_367 : vector<1x16xf32> to vector<16xf32>
      %swap3A_369 = vector.shape_cast %add3A_364 : vector<16xf32> to vector<1x16xf32>
      tpu.vector_store %arg11[%swap3A_365, %swap3A_366], %swap3A_369 {strides = array<i32>} : memref<32x512xf32, #tpu.memory_space<vmem>>, vector<1x16xf32>,
      %get3A_370 = arith.index_cast %scan3A_306 : i32 to index
      %get3A_371 = arith.constant 48 : index
      %get3A_372 = tpu.vector_load %arg11[%get3A_370, %get3A_371] {strides = array<i32>} : memref<32x512xf32, #tpu.memory_space<vmem>>, vector<1x16xf32>,
      %get3A_373 = vector.shape_cast %get3A_372 : vector<1x16xf32> to vector<16xf32>
      %mul3A_374 = arith.constant 3.900000e-01 : f32
      %mul3A_375 = vector.broadcast %mul3A_374 : f32 to vector<16xf32>
      %mul3A_376 = arith.mulf %mul3A_375, %get3A_373 : vector<16xf32>
      %add3A_377 = arith.addf %mul3A_76, %mul3A_376 : vector<16xf32>
      %get3A_378 = arith.index_cast %scan3A_306 : i32 to index
      %get3A_379 = arith.constant 48 : index
      %get3A_380 = tpu.vector_load %arg12[%get3A_378, %get3A_379] {strides = array<i32>} : memref<32x512xf32, #tpu.memory_space<vmem>>, vector<1x16xf32>,
      %get3A_381 = vector.shape_cast %get3A_380 : vector<1x16xf32> to vector<16xf32>
      %mul3A_382 = arith.constant 6.000000e-01 : f32
      %mul3A_383 = vector.broadcast %mul3A_382 : f32 to vector<16xf32>
      %mul3A_384 = arith.mulf %mul3A_383, %get3A_381 : vector<16xf32>
      %add3A_385 = arith.addf %add3A_377, %mul3A_384 : vector<16xf32>
      %swap3A_386 = arith.index_cast %scan3A_306 : i32 to index
      %swap3A_387 = arith.constant 48 : index
      %swap3A_388 = tpu.vector_load %arg11[%swap3A_386, %swap3A_387] {strides = array<i32>} : memref<32x512xf32, #tpu.memory_space<vmem>>, vector<1x16xf32>,
      %swap3A_389 = vector.shape_cast %swap3A_388 : vector<1x16xf32> to vector<16xf32>
      %swap3A_390 = vector.shape_cast %add3A_385 : vector<16xf32> to vector<1x16xf32>
      tpu.vector_store %arg11[%swap3A_386, %swap3A_387], %swap3A_390 {strides = array<i32>} : memref<32x512xf32, #tpu.memory_space<vmem>>, vector<1x16xf32>,
      %get3A_391 = arith.index_cast %scan3A_306 : i32 to index
      %get3A_392 = arith.constant 64 : index
      %get3A_393 = tpu.vector_load %arg11[%get3A_391, %get3A_392] {strides = array<i32>} : memref<32x512xf32, #tpu.memory_space<vmem>>, vector<1x16xf32>,
      %get3A_394 = vector.shape_cast %get3A_393 : vector<1x16xf32> to vector<16xf32>
      %mul3A_395 = arith.constant 3.900000e-01 : f32
      %mul3A_396 = vector.broadcast %mul3A_395 : f32 to vector<16xf32>
      %mul3A_397 = arith.mulf %mul3A_396, %get3A_394 : vector<16xf32>
      %add3A_398 = arith.addf %mul3A_82, %mul3A_397 : vector<16xf32>
      %get3A_399 = arith.index_cast %scan3A_306 : i32 to index
      %get3A_400 = arith.constant 64 : index
      %get3A_401 = tpu.vector_load %arg12[%get3A_399, %get3A_400] {strides = array<i32>} : memref<32x512xf32, #tpu.memory_space<vmem>>, vector<1x16xf32>,
      %get3A_402 = vector.shape_cast %get3A_401 : vector<1x16xf32> to vector<16xf32>
      %mul3A_403 = arith.constant 6.000000e-01 : f32
      %mul3A_404 = vector.broadcast %mul3A_403 : f32 to vector<16xf32>
      %mul3A_405 = arith.mulf %mul3A_404, %get3A_402 : vector<16xf32>
      %add3A_406 = arith.addf %add3A_398, %mul3A_405 : vector<16xf32>
      %swap3A_407 = arith.index_cast %scan3A_306 : i32 to index
      %swap3A_408 = arith.constant 64 : index
      %swap3A_409 = tpu.vector_load %arg11[%swap3A_407, %swap3A_408] {strides = array<i32>} : memref<32x512xf32, #tpu.memory_space<vmem>>, vector<1x16xf32>,
      %swap3A_410 = vector.shape_cast %swap3A_409 : vector<1x16xf32> to vector<16xf32>
      %swap3A_411 = vector.shape_cast %add3A_406 : vector<16xf32> to vector<1x16xf32>
      tpu.vector_store %arg11[%swap3A_407, %swap3A_408], %swap3A_411 {strides = array<i32>} : memref<32x512xf32, #tpu.memory_space<vmem>>, vector<1x16xf32>,
      %get3A_412 = arith.index_cast %scan3A_306 : i32 to index
      %get3A_413 = arith.constant 80 : index
      %get3A_414 = tpu.vector_load %arg11[%get3A_412, %get3A_413] {strides = array<i32>} : memref<32x512xf32, #tpu.memory_space<vmem>>, vector<1x16xf32>,
      %get3A_415 = vector.shape_cast %get3A_414 : vector<1x16xf32> to vector<16xf32>
      %mul3A_416 = arith.constant 3.900000e-01 : f32
      %mul3A_417 = vector.broadcast %mul3A_416 : f32 to vector<16xf32>
      %mul3A_418 = arith.mulf %mul3A_417, %get3A_415 : vector<16xf32>
      %add3A_419 = arith.addf %mul3A_88, %mul3A_418 : vector<16xf32>
      %get3A_420 = arith.index_cast %scan3A_306 : i32 to index
      %get3A_421 = arith.constant 80 : index
      %get3A_422 = tpu.vector_load %arg12[%get3A_420, %get3A_421] {strides = array<i32>} : memref<32x512xf32, #tpu.memory_space<vmem>>, vector<1x16xf32>,
      %get3A_423 = vector.shape_cast %get3A_422 : vector<1x16xf32> to vector<16xf32>
      %mul3A_424 = arith.constant 6.000000e-01 : f32
      %mul3A_425 = vector.broadcast %mul3A_424 : f32 to vector<16xf32>
      %mul3A_426 = arith.mulf %mul3A_425, %get3A_423 : vector<16xf32>
      %add3A_427 = arith.addf %add3A_419, %mul3A_426 : vector<16xf32>
      %swap3A_428 = arith.index_cast %scan3A_306 : i32 to index
      %swap3A_429 = arith.constant 80 : index
      %swap3A_430 = tpu.vector_load %arg11[%swap3A_428, %swap3A_429] {strides = array<i32>} : memref<32x512xf32, #tpu.memory_space<vmem>>, vector<1x16xf32>,
      %swap3A_431 = vector.shape_cast %swap3A_430 : vector<1x16xf32> to vector<16xf32>
      %swap3A_432 = vector.shape_cast %add3A_427 : vector<16xf32> to vector<1x16xf32>
      tpu.vector_store %arg11[%swap3A_428, %swap3A_429], %swap3A_432 {strides = array<i32>} : memref<32x512xf32, #tpu.memory_space<vmem>>, vector<1x16xf32>,
      %get3A_433 = arith.index_cast %scan3A_306 : i32 to index
      %get3A_434 = arith.constant 96 : index
      %get3A_435 = tpu.vector_load %arg11[%get3A_433, %get3A_434] {strides = array<i32>} : memref<32x512xf32, #tpu.memory_space<vmem>>, vector<1x16xf32>,
      %get3A_436 = vector.shape_cast %get3A_435 : vector<1x16xf32> to vector<16xf32>
      %mul3A_437 = arith.constant 3.900000e-01 : f32
      %mul3A_438 = vector.broadcast %mul3A_437 : f32 to vector<16xf32>
      %mul3A_439 = arith.mulf %mul3A_438, %get3A_436 : vector<16xf32>
      %add3A_440 = arith.addf %mul3A_94, %mul3A_439 : vector<16xf32>
      %get3A_441 = arith.index_cast %scan3A_306 : i32 to index
      %get3A_442 = arith.constant 96 : index
      %get3A_443 = tpu.vector_load %arg12[%get3A_441, %get3A_442] {strides = array<i32>} : memref<32x512xf32, #tpu.memory_space<vmem>>, vector<1x16xf32>,
      %get3A_444 = vector.shape_cast %get3A_443 : vector<1x16xf32> to vector<16xf32>
      %mul3A_445 = arith.constant 6.000000e-01 : f32
      %mul3A_446 = vector.broadcast %mul3A_445 : f32 to vector<16xf32>
      %mul3A_447 = arith.mulf %mul3A_446, %get3A_444 : vector<16xf32>
      %add3A_448 = arith.addf %add3A_440, %mul3A_447 : vector<16xf32>
      %swap3A_449 = arith.index_cast %scan3A_306 : i32 to index
      %swap3A_450 = arith.constant 96 : index
      %swap3A_451 = tpu.vector_load %arg11[%swap3A_449, %swap3A_450] {strides = array<i32>} : memref<32x512xf32, #tpu.memory_space<vmem>>, vector<1x16xf32>,
      %swap3A_452 = vector.shape_cast %swap3A_451 : vector<1x16xf32> to vector<16xf32>
      %swap3A_453 = vector.shape_cast %add3A_448 : vector<16xf32> to vector<1x16xf32>
      tpu.vector_store %arg11[%swap3A_449, %swap3A_450], %swap3A_453 {strides = array<i32>} : memref<32x512xf32, #tpu.memory_space<vmem>>, vector<1x16xf32>,
      %get3A_454 = arith.index_cast %scan3A_306 : i32 to index
      %get3A_455 = arith.constant 112 : index
      %get3A_456 = tpu.vector_load %arg11[%get3A_454, %get3A_455] {strides = array<i32>} : memref<32x512xf32, #tpu.memory_space<vmem>>, vector<1x16xf32>,
      %get3A_457 = vector.shape_cast %get3A_456 : vector<1x16xf32> to vector<16xf32>
      %mul3A_458 = arith.constant 3.900000e-01 : f32
      %mul3A_459 = vector.broadcast %mul3A_458 : f32 to vector<16xf32>
      %mul3A_460 = arith.mulf %mul3A_459, %get3A_457 : vector<16xf32>
      %add3A_461 = arith.addf %mul3A_100, %mul3A_460 : vector<16xf32>
      %get3A_462 = arith.index_cast %scan3A_306 : i32 to index
      %get3A_463 = arith.constant 112 : index
      %get3A_464 = tpu.vector_load %arg12[%get3A_462, %get3A_463] {strides = array<i32>} : memref<32x512xf32, #tpu.memory_space<vmem>>, vector<1x16xf32>,
      %get3A_465 = vector.shape_cast %get3A_464 : vector<1x16xf32> to vector<16xf32>
      %mul3A_466 = arith.constant 6.000000e-01 : f32
      %mul3A_467 = vector.broadcast %mul3A_466 : f32 to vector<16xf32>
      %mul3A_468 = arith.mulf %mul3A_467, %get3A_465 : vector<16xf32>
      %add3A_469 = arith.addf %add3A_461, %mul3A_468 : vector<16xf32>
      %swap3A_470 = arith.index_cast %scan3A_306 : i32 to index
      %swap3A_471 = arith.constant 112 : index
      %swap3A_472 = tpu.vector_load %arg11[%swap3A_470, %swap3A_471] {strides = array<i32>} : memref<32x512xf32, #tpu.memory_space<vmem>>, vector<1x16xf32>,
      %swap3A_473 = vector.shape_cast %swap3A_472 : vector<1x16xf32> to vector<16xf32>
      %swap3A_474 = vector.shape_cast %add3A_469 : vector<16xf32> to vector<1x16xf32>
      tpu.vector_store %arg11[%swap3A_470, %swap3A_471], %swap3A_474 {strides = array<i32>} : memref<32x512xf32, #tpu.memory_space<vmem>>, vector<1x16xf32>,
      %get3A_475 = arith.index_cast %scan3A_306 : i32 to index
      %get3A_476 = arith.constant 128 : index
      %get3A_477 = tpu.vector_load %arg11[%get3A_475, %get3A_476] {strides = array<i32>} : memref<32x512xf32, #tpu.memory_space<vmem>>, vector<1x16xf32>,
      %get3A_478 = vector.shape_cast %get3A_477 : vector<1x16xf32> to vector<16xf32>
      %mul3A_479 = arith.constant 3.900000e-01 : f32
      %mul3A_480 = vector.broadcast %mul3A_479 : f32 to vector<16xf32>
      %mul3A_481 = arith.mulf %mul3A_480, %get3A_478 : vector<16xf32>
      %add3A_482 = arith.addf %mul3A_106, %mul3A_481 : vector<16xf32>
      %get3A_483 = arith.index_cast %scan3A_306 : i32 to index
      %get3A_484 = arith.constant 128 : index
      %get3A_485 = tpu.vector_load %arg12[%get3A_483, %get3A_484] {strides = array<i32>} : memref<32x512xf32, #tpu.memory_space<vmem>>, vector<1x16xf32>,
      %get3A_486 = vector.shape_cast %get3A_485 : vector<1x16xf32> to vector<16xf32>
      %mul3A_487 = arith.constant 6.000000e-01 : f32
      %mul3A_488 = vector.broadcast %mul3A_487 : f32 to vector<16xf32>
      %mul3A_489 = arith.mulf %mul3A_488, %get3A_486 : vector<16xf32>
      %add3A_490 = arith.addf %add3A_482, %mul3A_489 : vector<16xf32>
      %swap3A_491 = arith.index_cast %scan3A_306 : i32 to index
      %swap3A_492 = arith.constant 128 : index
      %swap3A_493 = tpu.vector_load %arg11[%swap3A_491, %swap3A_492] {strides = array<i32>} : memref<32x512xf32, #tpu.memory_space<vmem>>, vector<1x16xf32>,
      %swap3A_494 = vector.shape_cast %swap3A_493 : vector<1x16xf32> to vector<16xf32>
      %swap3A_495 = vector.shape_cast %add3A_490 : vector<16xf32> to vector<1x16xf32>
      tpu.vector_store %arg11[%swap3A_491, %swap3A_492], %swap3A_495 {strides = array<i32>} : memref<32x512xf32, #tpu.memory_space<vmem>>, vector<1x16xf32>,
      %get3A_496 = arith.index_cast %scan3A_306 : i32 to index
      %get3A_497 = arith.constant 144 : index
      %get3A_498 = tpu.vector_load %arg11[%get3A_496, %get3A_497] {strides = array<i32>} : memref<32x512xf32, #tpu.memory_space<vmem>>, vector<1x16xf32>,
      %get3A_499 = vector.shape_cast %get3A_498 : vector<1x16xf32> to vector<16xf32>
      %mul3A_500 = arith.constant 3.900000e-01 : f32
      %mul3A_501 = vector.broadcast %mul3A_500 : f32 to vector<16xf32>
      %mul3A_502 = arith.mulf %mul3A_501, %get3A_499 : vector<16xf32>
      %add3A_503 = arith.addf %mul3A_112, %mul3A_502 : vector<16xf32>
      %get3A_504 = arith.index_cast %scan3A_306 : i32 to index
      %get3A_505 = arith.constant 144 : index
      %get3A_506 = tpu.vector_load %arg12[%get3A_504, %get3A_505] {strides = array<i32>} : memref<32x512xf32, #tpu.memory_space<vmem>>, vector<1x16xf32>,
      %get3A_507 = vector.shape_cast %get3A_506 : vector<1x16xf32> to vector<16xf32>
      %mul3A_508 = arith.constant 6.000000e-01 : f32
      %mul3A_509 = vector.broadcast %mul3A_508 : f32 to vector<16xf32>
      %mul3A_510 = arith.mulf %mul3A_509, %get3A_507 : vector<16xf32>
      %add3A_511 = arith.addf %add3A_503, %mul3A_510 : vector<16xf32>
      %swap3A_512 = arith.index_cast %scan3A_306 : i32 to index
      %swap3A_513 = arith.constant 144 : index
      %swap3A_514 = tpu.vector_load %arg11[%swap3A_512, %swap3A_513] {strides = array<i32>} : memref<32x512xf32, #tpu.memory_space<vmem>>, vector<1x16xf32>,
      %swap3A_515 = vector.shape_cast %swap3A_514 : vector<1x16xf32> to vector<16xf32>
      %swap3A_516 = vector.shape_cast %add3A_511 : vector<16xf32> to vector<1x16xf32>
      tpu.vector_store %arg11[%swap3A_512, %swap3A_513], %swap3A_516 {strides = array<i32>} : memref<32x512xf32, #tpu.memory_space<vmem>>, vector<1x16xf32>,
      %get3A_517 = arith.index_cast %scan3A_306 : i32 to index
      %get3A_518 = arith.constant 160 : index
      %get3A_519 = tpu.vector_load %arg11[%get3A_517, %get3A_518] {strides = array<i32>} : memref<32x512xf32, #tpu.memory_space<vmem>>, vector<1x16xf32>,
      %get3A_520 = vector.shape_cast %get3A_519 : vector<1x16xf32> to vector<16xf32>
      %mul3A_521 = arith.constant 3.900000e-01 : f32
      %mul3A_522 = vector.broadcast %mul3A_521 : f32 to vector<16xf32>
      %mul3A_523 = arith.mulf %mul3A_522, %get3A_520 : vector<16xf32>
      %add3A_524 = arith.addf %mul3A_118, %mul3A_523 : vector<16xf32>
      %get3A_525 = arith.index_cast %scan3A_306 : i32 to index
      %get3A_526 = arith.constant 160 : index
      %get3A_527 = tpu.vector_load %arg12[%get3A_525, %get3A_526] {strides = array<i32>} : memref<32x512xf32, #tpu.memory_space<vmem>>, vector<1x16xf32>,
      %get3A_528 = vector.shape_cast %get3A_527 : vector<1x16xf32> to vector<16xf32>
      %mul3A_529 = arith.constant 6.000000e-01 : f32
      %mul3A_530 = vector.broadcast %mul3A_529 : f32 to vector<16xf32>
      %mul3A_531 = arith.mulf %mul3A_530, %get3A_528 : vector<16xf32>
      %add3A_532 = arith.addf %add3A_524, %mul3A_531 : vector<16xf32>
      %swap3A_533 = arith.index_cast %scan3A_306 : i32 to index
      %swap3A_534 = arith.constant 160 : index
      %swap3A_535 = tpu.vector_load %arg11[%swap3A_533, %swap3A_534] {strides = array<i32>} : memref<32x512xf32, #tpu.memory_space<vmem>>, vector<1x16xf32>,
      %swap3A_536 = vector.shape_cast %swap3A_535 : vector<1x16xf32> to vector<16xf32>
      %swap3A_537 = vector.shape_cast %add3A_532 : vector<16xf32> to vector<1x16xf32>
      tpu.vector_store %arg11[%swap3A_533, %swap3A_534], %swap3A_537 {strides = array<i32>} : memref<32x512xf32, #tpu.memory_space<vmem>>, vector<1x16xf32>,
      %get3A_538 = arith.index_cast %scan3A_306 : i32 to index
      %get3A_539 = arith.constant 176 : index
      %get3A_540 = tpu.vector_load %arg11[%get3A_538, %get3A_539] {strides = array<i32>} : memref<32x512xf32, #tpu.memory_space<vmem>>, vector<1x16xf32>,
      %get3A_541 = vector.shape_cast %get3A_540 : vector<1x16xf32> to vector<16xf32>
      %mul3A_542 = arith.constant 3.900000e-01 : f32
      %mul3A_543 = vector.broadcast %mul3A_542 : f32 to vector<16xf32>
      %mul3A_544 = arith.mulf %mul3A_543, %get3A_541 : vector<16xf32>
      %add3A_545 = arith.addf %mul3A_124, %mul3A_544 : vector<16xf32>
      %get3A_546 = arith.index_cast %scan3A_306 : i32 to index
      %get3A_547 = arith.constant 176 : index
      %get3A_548 = tpu.vector_load %arg12[%get3A_546, %get3A_547] {strides = array<i32>} : memref<32x512xf32, #tpu.memory_space<vmem>>, vector<1x16xf32>,
      %get3A_549 = vector.shape_cast %get3A_548 : vector<1x16xf32> to vector<16xf32>
      %mul3A_550 = arith.constant 6.000000e-01 : f32
      %mul3A_551 = vector.broadcast %mul3A_550 : f32 to vector<16xf32>
      %mul3A_552 = arith.mulf %mul3A_551, %get3A_549 : vector<16xf32>
      %add3A_553 = arith.addf %add3A_545, %mul3A_552 : vector<16xf32>
      %swap3A_554 = arith.index_cast %scan3A_306 : i32 to index
      %swap3A_555 = arith.constant 176 : index
      %swap3A_556 = tpu.vector_load %arg11[%swap3A_554, %swap3A_555] {strides = array<i32>} : memref<32x512xf32, #tpu.memory_space<vmem>>, vector<1x16xf32>,
      %swap3A_557 = vector.shape_cast %swap3A_556 : vector<1x16xf32> to vector<16xf32>
      %swap3A_558 = vector.shape_cast %add3A_553 : vector<16xf32> to vector<1x16xf32>
      tpu.vector_store %arg11[%swap3A_554, %swap3A_555], %swap3A_558 {strides = array<i32>} : memref<32x512xf32, #tpu.memory_space<vmem>>, vector<1x16xf32>,
      %get3A_559 = arith.index_cast %scan3A_306 : i32 to index
      %get3A_560 = arith.constant 192 : index
      %get3A_561 = tpu.vector_load %arg11[%get3A_559, %get3A_560] {strides = array<i32>} : memref<32x512xf32, #tpu.memory_space<vmem>>, vector<1x16xf32>,
      %get3A_562 = vector.shape_cast %get3A_561 : vector<1x16xf32> to vector<16xf32>
      %mul3A_563 = arith.constant 3.900000e-01 : f32
      %mul3A_564 = vector.broadcast %mul3A_563 : f32 to vector<16xf32>
      %mul3A_565 = arith.mulf %mul3A_564, %get3A_562 : vector<16xf32>
      %add3A_566 = arith.addf %mul3A_130, %mul3A_565 : vector<16xf32>
      %get3A_567 = arith.index_cast %scan3A_306 : i32 to index
      %get3A_568 = arith.constant 192 : index
      %get3A_569 = tpu.vector_load %arg12[%get3A_567, %get3A_568] {strides = array<i32>} : memref<32x512xf32, #tpu.memory_space<vmem>>, vector<1x16xf32>,
      %get3A_570 = vector.shape_cast %get3A_569 : vector<1x16xf32> to vector<16xf32>
      %mul3A_571 = arith.constant 6.000000e-01 : f32
      %mul3A_572 = vector.broadcast %mul3A_571 : f32 to vector<16xf32>
      %mul3A_573 = arith.mulf %mul3A_572, %get3A_570 : vector<16xf32>
      %add3A_574 = arith.addf %add3A_566, %mul3A_573 : vector<16xf32>
      %swap3A_575 = arith.index_cast %scan3A_306 : i32 to index
      %swap3A_576 = arith.constant 192 : index
      %swap3A_577 = tpu.vector_load %arg11[%swap3A_575, %swap3A_576] {strides = array<i32>} : memref<32x512xf32, #tpu.memory_space<vmem>>, vector<1x16xf32>,
      %swap3A_578 = vector.shape_cast %swap3A_577 : vector<1x16xf32> to vector<16xf32>
      %swap3A_579 = vector.shape_cast %add3A_574 : vector<16xf32> to vector<1x16xf32>
      tpu.vector_store %arg11[%swap3A_575, %swap3A_576], %swap3A_579 {strides = array<i32>} : memref<32x512xf32, #tpu.memory_space<vmem>>, vector<1x16xf32>,
      %get3A_580 = arith.index_cast %scan3A_306 : i32 to index
      %get3A_581 = arith.constant 208 : index
      %get3A_582 = tpu.vector_load %arg11[%get3A_580, %get3A_581] {strides = array<i32>} : memref<32x512xf32, #tpu.memory_space<vmem>>, vector<1x16xf32>,
      %get3A_583 = vector.shape_cast %get3A_582 : vector<1x16xf32> to vector<16xf32>
      %mul3A_584 = arith.constant 3.900000e-01 : f32
      %mul3A_585 = vector.broadcast %mul3A_584 : f32 to vector<16xf32>
      %mul3A_586 = arith.mulf %mul3A_585, %get3A_583 : vector<16xf32>
      %add3A_587 = arith.addf %mul3A_136, %mul3A_586 : vector<16xf32>
      %get3A_588 = arith.index_cast %scan3A_306 : i32 to index
      %get3A_589 = arith.constant 208 : index
      %get3A_590 = tpu.vector_load %arg12[%get3A_588, %get3A_589] {strides = array<i32>} : memref<32x512xf32, #tpu.memory_space<vmem>>, vector<1x16xf32>,
      %get3A_591 = vector.shape_cast %get3A_590 : vector<1x16xf32> to vector<16xf32>
      %mul3A_592 = arith.constant 6.000000e-01 : f32
      %mul3A_593 = vector.broadcast %mul3A_592 : f32 to vector<16xf32>
      %mul3A_594 = arith.mulf %mul3A_593, %get3A_591 : vector<16xf32>
      %add3A_595 = arith.addf %add3A_587, %mul3A_594 : vector<16xf32>
      %swap3A_596 = arith.index_cast %scan3A_306 : i32 to index
      %swap3A_597 = arith.constant 208 : index
      %swap3A_598 = tpu.vector_load %arg11[%swap3A_596, %swap3A_597] {strides = array<i32>} : memref<32x512xf32, #tpu.memory_space<vmem>>, vector<1x16xf32>,
      %swap3A_599 = vector.shape_cast %swap3A_598 : vector<1x16xf32> to vector<16xf32>
      %swap3A_600 = vector.shape_cast %add3A_595 : vector<16xf32> to vector<1x16xf32>
      tpu.vector_store %arg11[%swap3A_596, %swap3A_597], %swap3A_600 {strides = array<i32>} : memref<32x512xf32, #tpu.memory_space<vmem>>, vector<1x16xf32>,
      %get3A_601 = arith.index_cast %scan3A_306 : i32 to index
      %get3A_602 = arith.constant 224 : index
      %get3A_603 = tpu.vector_load %arg11[%get3A_601, %get3A_602] {strides = array<i32>} : memref<32x512xf32, #tpu.memory_space<vmem>>, vector<1x16xf32>,
      %get3A_604 = vector.shape_cast %get3A_603 : vector<1x16xf32> to vector<16xf32>
      %mul3A_605 = arith.constant 3.900000e-01 : f32
      %mul3A_606 = vector.broadcast %mul3A_605 : f32 to vector<16xf32>
      %mul3A_607 = arith.mulf %mul3A_606, %get3A_604 : vector<16xf32>
      %add3A_608 = arith.addf %mul3A_142, %mul3A_607 : vector<16xf32>
      %get3A_609 = arith.index_cast %scan3A_306 : i32 to index
      %get3A_610 = arith.constant 224 : index
      %get3A_611 = tpu.vector_load %arg12[%get3A_609, %get3A_610] {strides = array<i32>} : memref<32x512xf32, #tpu.memory_space<vmem>>, vector<1x16xf32>,
      %get3A_612 = vector.shape_cast %get3A_611 : vector<1x16xf32> to vector<16xf32>
      %mul3A_613 = arith.constant 6.000000e-01 : f32
      %mul3A_614 = vector.broadcast %mul3A_613 : f32 to vector<16xf32>
      %mul3A_615 = arith.mulf %mul3A_614, %get3A_612 : vector<16xf32>
      %add3A_616 = arith.addf %add3A_608, %mul3A_615 : vector<16xf32>
      %swap3A_617 = arith.index_cast %scan3A_306 : i32 to index
      %swap3A_618 = arith.constant 224 : index
      %swap3A_619 = tpu.vector_load %arg11[%swap3A_617, %swap3A_618] {strides = array<i32>} : memref<32x512xf32, #tpu.memory_space<vmem>>, vector<1x16xf32>,
      %swap3A_620 = vector.shape_cast %swap3A_619 : vector<1x16xf32> to vector<16xf32>
      %swap3A_621 = vector.shape_cast %add3A_616 : vector<16xf32> to vector<1x16xf32>
      tpu.vector_store %arg11[%swap3A_617, %swap3A_618], %swap3A_621 {strides = array<i32>} : memref<32x512xf32, #tpu.memory_space<vmem>>, vector<1x16xf32>,
      %get3A_622 = arith.index_cast %scan3A_306 : i32 to index
      %get3A_623 = arith.constant 240 : index
      %get3A_624 = tpu.vector_load %arg11[%get3A_622, %get3A_623] {strides = array<i32>} : memref<32x512xf32, #tpu.memory_space<vmem>>, vector<1x16xf32>,
      %get3A_625 = vector.shape_cast %get3A_624 : vector<1x16xf32> to vector<16xf32>
      %mul3A_626 = arith.constant 3.900000e-01 : f32
      %mul3A_627 = vector.broadcast %mul3A_626 : f32 to vector<16xf32>
      %mul3A_628 = arith.mulf %mul3A_627, %get3A_625 : vector<16xf32>
      %add3A_629 = arith.addf %mul3A_148, %mul3A_628 : vector<16xf32>
      %get3A_630 = arith.index_cast %scan3A_306 : i32 to index
      %get3A_631 = arith.constant 240 : index
      %get3A_632 = tpu.vector_load %arg12[%get3A_630, %get3A_631] {strides = array<i32>} : memref<32x512xf32, #tpu.memory_space<vmem>>, vector<1x16xf32>,
      %get3A_633 = vector.shape_cast %get3A_632 : vector<1x16xf32> to vector<16xf32>
      %mul3A_634 = arith.constant 6.000000e-01 : f32
      %mul3A_635 = vector.broadcast %mul3A_634 : f32 to vector<16xf32>
      %mul3A_636 = arith.mulf %mul3A_635, %get3A_633 : vector<16xf32>
      %add3A_637 = arith.addf %add3A_629, %mul3A_636 : vector<16xf32>
      %swap3A_638 = arith.index_cast %scan3A_306 : i32 to index
      %swap3A_639 = arith.constant 240 : index
      %swap3A_640 = tpu.vector_load %arg11[%swap3A_638, %swap3A_639] {strides = array<i32>} : memref<32x512xf32, #tpu.memory_space<vmem>>, vector<1x16xf32>,
      %swap3A_641 = vector.shape_cast %swap3A_640 : vector<1x16xf32> to vector<16xf32>
      %swap3A_642 = vector.shape_cast %add3A_637 : vector<16xf32> to vector<1x16xf32>
      tpu.vector_store %arg11[%swap3A_638, %swap3A_639], %swap3A_642 {strides = array<i32>} : memref<32x512xf32, #tpu.memory_space<vmem>>, vector<1x16xf32>,
      %get3A_643 = arith.index_cast %scan3A_306 : i32 to index
      %get3A_644 = arith.constant 256 : index
      %get3A_645 = tpu.vector_load %arg11[%get3A_643, %get3A_644] {strides = array<i32>} : memref<32x512xf32, #tpu.memory_space<vmem>>, vector<1x16xf32>,
      %get3A_646 = vector.shape_cast %get3A_645 : vector<1x16xf32> to vector<16xf32>
      %mul3A_647 = arith.constant 3.900000e-01 : f32
      %mul3A_648 = vector.broadcast %mul3A_647 : f32 to vector<16xf32>
      %mul3A_649 = arith.mulf %mul3A_648, %get3A_646 : vector<16xf32>
      %add3A_650 = arith.addf %mul3A_154, %mul3A_649 : vector<16xf32>
      %get3A_651 = arith.index_cast %scan3A_306 : i32 to index
      %get3A_652 = arith.constant 256 : index
      %get3A_653 = tpu.vector_load %arg12[%get3A_651, %get3A_652] {strides = array<i32>} : memref<32x512xf32, #tpu.memory_space<vmem>>, vector<1x16xf32>,
      %get3A_654 = vector.shape_cast %get3A_653 : vector<1x16xf32> to vector<16xf32>
      %mul3A_655 = arith.constant 6.000000e-01 : f32
      %mul3A_656 = vector.broadcast %mul3A_655 : f32 to vector<16xf32>
      %mul3A_657 = arith.mulf %mul3A_656, %get3A_654 : vector<16xf32>
      %add3A_658 = arith.addf %add3A_650, %mul3A_657 : vector<16xf32>
      %swap3A_659 = arith.index_cast %scan3A_306 : i32 to index
      %swap3A_660 = arith.constant 256 : index
      %swap3A_661 = tpu.vector_load %arg11[%swap3A_659, %swap3A_660] {strides = array<i32>} : memref<32x512xf32, #tpu.memory_space<vmem>>, vector<1x16xf32>,
      %swap3A_662 = vector.shape_cast %swap3A_661 : vector<1x16xf32> to vector<16xf32>
      %swap3A_663 = vector.shape_cast %add3A_658 : vector<16xf32> to vector<1x16xf32>
      tpu.vector_store %arg11[%swap3A_659, %swap3A_660], %swap3A_663 {strides = array<i32>} : memref<32x512xf32, #tpu.memory_space<vmem>>, vector<1x16xf32>,
      %get3A_664 = arith.index_cast %scan3A_306 : i32 to index
      %get3A_665 = arith.constant 272 : index
      %get3A_666 = tpu.vector_load %arg11[%get3A_664, %get3A_665] {strides = array<i32>} : memref<32x512xf32, #tpu.memory_space<vmem>>, vector<1x16xf32>,
      %get3A_667 = vector.shape_cast %get3A_666 : vector<1x16xf32> to vector<16xf32>
      %mul3A_668 = arith.constant 3.900000e-01 : f32
      %mul3A_669 = vector.broadcast %mul3A_668 : f32 to vector<16xf32>
      %mul3A_670 = arith.mulf %mul3A_669, %get3A_667 : vector<16xf32>
      %add3A_671 = arith.addf %mul3A_160, %mul3A_670 : vector<16xf32>
      %get3A_672 = arith.index_cast %scan3A_306 : i32 to index
      %get3A_673 = arith.constant 272 : index
      %get3A_674 = tpu.vector_load %arg12[%get3A_672, %get3A_673] {strides = array<i32>} : memref<32x512xf32, #tpu.memory_space<vmem>>, vector<1x16xf32>,
      %get3A_675 = vector.shape_cast %get3A_674 : vector<1x16xf32> to vector<16xf32>
      %mul3A_676 = arith.constant 6.000000e-01 : f32
      %mul3A_677 = vector.broadcast %mul3A_676 : f32 to vector<16xf32>
      %mul3A_678 = arith.mulf %mul3A_677, %get3A_675 : vector<16xf32>
      %add3A_679 = arith.addf %add3A_671, %mul3A_678 : vector<16xf32>
      %swap3A_680 = arith.index_cast %scan3A_306 : i32 to index
      %swap3A_681 = arith.constant 272 : index
      %swap3A_682 = tpu.vector_load %arg11[%swap3A_680, %swap3A_681] {strides = array<i32>} : memref<32x512xf32, #tpu.memory_space<vmem>>, vector<1x16xf32>,
      %swap3A_683 = vector.shape_cast %swap3A_682 : vector<1x16xf32> to vector<16xf32>
      %swap3A_684 = vector.shape_cast %add3A_679 : vector<16xf32> to vector<1x16xf32>
      tpu.vector_store %arg11[%swap3A_680, %swap3A_681], %swap3A_684 {strides = array<i32>} : memref<32x512xf32, #tpu.memory_space<vmem>>, vector<1x16xf32>,
      %get3A_685 = arith.index_cast %scan3A_306 : i32 to index
      %get3A_686 = arith.constant 288 : index
      %get3A_687 = tpu.vector_load %arg11[%get3A_685, %get3A_686] {strides = array<i32>} : memref<32x512xf32, #tpu.memory_space<vmem>>, vector<1x16xf32>,
      %get3A_688 = vector.shape_cast %get3A_687 : vector<1x16xf32> to vector<16xf32>
      %mul3A_689 = arith.constant 3.900000e-01 : f32
      %mul3A_690 = vector.broadcast %mul3A_689 : f32 to vector<16xf32>
      %mul3A_691 = arith.mulf %mul3A_690, %get3A_688 : vector<16xf32>
      %add3A_692 = arith.addf %mul3A_166, %mul3A_691 : vector<16xf32>
      %get3A_693 = arith.index_cast %scan3A_306 : i32 to index
      %get3A_694 = arith.constant 288 : index
      %get3A_695 = tpu.vector_load %arg12[%get3A_693, %get3A_694] {strides = array<i32>} : memref<32x512xf32, #tpu.memory_space<vmem>>, vector<1x16xf32>,
      %get3A_696 = vector.shape_cast %get3A_695 : vector<1x16xf32> to vector<16xf32>
      %mul3A_697 = arith.constant 6.000000e-01 : f32
      %mul3A_698 = vector.broadcast %mul3A_697 : f32 to vector<16xf32>
      %mul3A_699 = arith.mulf %mul3A_698, %get3A_696 : vector<16xf32>
      %add3A_700 = arith.addf %add3A_692, %mul3A_699 : vector<16xf32>
      %swap3A_701 = arith.index_cast %scan3A_306 : i32 to index
      %swap3A_702 = arith.constant 288 : index
      %swap3A_703 = tpu.vector_load %arg11[%swap3A_701, %swap3A_702] {strides = array<i32>} : memref<32x512xf32, #tpu.memory_space<vmem>>, vector<1x16xf32>,
      %swap3A_704 = vector.shape_cast %swap3A_703 : vector<1x16xf32> to vector<16xf32>
      %swap3A_705 = vector.shape_cast %add3A_700 : vector<16xf32> to vector<1x16xf32>
      tpu.vector_store %arg11[%swap3A_701, %swap3A_702], %swap3A_705 {strides = array<i32>} : memref<32x512xf32, #tpu.memory_space<vmem>>, vector<1x16xf32>,
      %get3A_706 = arith.index_cast %scan3A_306 : i32 to index
      %get3A_707 = arith.constant 304 : index
      %get3A_708 = tpu.vector_load %arg11[%get3A_706, %get3A_707] {strides = array<i32>} : memref<32x512xf32, #tpu.memory_space<vmem>>, vector<1x16xf32>,
      %get3A_709 = vector.shape_cast %get3A_708 : vector<1x16xf32> to vector<16xf32>
      %mul3A_710 = arith.constant 3.900000e-01 : f32
      %mul3A_711 = vector.broadcast %mul3A_710 : f32 to vector<16xf32>
      %mul3A_712 = arith.mulf %mul3A_711, %get3A_709 : vector<16xf32>
      %add3A_713 = arith.addf %mul3A_172, %mul3A_712 : vector<16xf32>
      %get3A_714 = arith.index_cast %scan3A_306 : i32 to index
      %get3A_715 = arith.constant 304 : index
      %get3A_716 = tpu.vector_load %arg12[%get3A_714, %get3A_715] {strides = array<i32>} : memref<32x512xf32, #tpu.memory_space<vmem>>, vector<1x16xf32>,
      %get3A_717 = vector.shape_cast %get3A_716 : vector<1x16xf32> to vector<16xf32>
      %mul3A_718 = arith.constant 6.000000e-01 : f32
      %mul3A_719 = vector.broadcast %mul3A_718 : f32 to vector<16xf32>
      %mul3A_720 = arith.mulf %mul3A_719, %get3A_717 : vector<16xf32>
      %add3A_721 = arith.addf %add3A_713, %mul3A_720 : vector<16xf32>
      %swap3A_722 = arith.index_cast %scan3A_306 : i32 to index
      %swap3A_723 = arith.constant 304 : index
      %swap3A_724 = tpu.vector_load %arg11[%swap3A_722, %swap3A_723] {strides = array<i32>} : memref<32x512xf32, #tpu.memory_space<vmem>>, vector<1x16xf32>,
      %swap3A_725 = vector.shape_cast %swap3A_724 : vector<1x16xf32> to vector<16xf32>
      %swap3A_726 = vector.shape_cast %add3A_721 : vector<16xf32> to vector<1x16xf32>
      tpu.vector_store %arg11[%swap3A_722, %swap3A_723], %swap3A_726 {strides = array<i32>} : memref<32x512xf32, #tpu.memory_space<vmem>>, vector<1x16xf32>,
      %get3A_727 = arith.index_cast %scan3A_306 : i32 to index
      %get3A_728 = arith.constant 320 : index
      %get3A_729 = tpu.vector_load %arg11[%get3A_727, %get3A_728] {strides = array<i32>} : memref<32x512xf32, #tpu.memory_space<vmem>>, vector<1x16xf32>,
      %get3A_730 = vector.shape_cast %get3A_729 : vector<1x16xf32> to vector<16xf32>
      %mul3A_731 = arith.constant 3.900000e-01 : f32
      %mul3A_732 = vector.broadcast %mul3A_731 : f32 to vector<16xf32>
      %mul3A_733 = arith.mulf %mul3A_732, %get3A_730 : vector<16xf32>
      %add3A_734 = arith.addf %mul3A_178, %mul3A_733 : vector<16xf32>
      %get3A_735 = arith.index_cast %scan3A_306 : i32 to index
      %get3A_736 = arith.constant 320 : index
      %get3A_737 = tpu.vector_load %arg12[%get3A_735, %get3A_736] {strides = array<i32>} : memref<32x512xf32, #tpu.memory_space<vmem>>, vector<1x16xf32>,
      %get3A_738 = vector.shape_cast %get3A_737 : vector<1x16xf32> to vector<16xf32>
      %mul3A_739 = arith.constant 6.000000e-01 : f32
      %mul3A_740 = vector.broadcast %mul3A_739 : f32 to vector<16xf32>
      %mul3A_741 = arith.mulf %mul3A_740, %get3A_738 : vector<16xf32>
      %add3A_742 = arith.addf %add3A_734, %mul3A_741 : vector<16xf32>
      %swap3A_743 = arith.index_cast %scan3A_306 : i32 to index
      %swap3A_744 = arith.constant 320 : index
      %swap3A_745 = tpu.vector_load %arg11[%swap3A_743, %swap3A_744] {strides = array<i32>} : memref<32x512xf32, #tpu.memory_space<vmem>>, vector<1x16xf32>,
      %swap3A_746 = vector.shape_cast %swap3A_745 : vector<1x16xf32> to vector<16xf32>
      %swap3A_747 = vector.shape_cast %add3A_742 : vector<16xf32> to vector<1x16xf32>
      tpu.vector_store %arg11[%swap3A_743, %swap3A_744], %swap3A_747 {strides = array<i32>} : memref<32x512xf32, #tpu.memory_space<vmem>>, vector<1x16xf32>,
      %get3A_748 = arith.index_cast %scan3A_306 : i32 to index
      %get3A_749 = arith.constant 336 : index
      %get3A_750 = tpu.vector_load %arg11[%get3A_748, %get3A_749] {strides = array<i32>} : memref<32x512xf32, #tpu.memory_space<vmem>>, vector<1x16xf32>,
      %get3A_751 = vector.shape_cast %get3A_750 : vector<1x16xf32> to vector<16xf32>
      %mul3A_752 = arith.constant 3.900000e-01 : f32
      %mul3A_753 = vector.broadcast %mul3A_752 : f32 to vector<16xf32>
      %mul3A_754 = arith.mulf %mul3A_753, %get3A_751 : vector<16xf32>
      %add3A_755 = arith.addf %mul3A_184, %mul3A_754 : vector<16xf32>
      %get3A_756 = arith.index_cast %scan3A_306 : i32 to index
      %get3A_757 = arith.constant 336 : index
      %get3A_758 = tpu.vector_load %arg12[%get3A_756, %get3A_757] {strides = array<i32>} : memref<32x512xf32, #tpu.memory_space<vmem>>, vector<1x16xf32>,
      %get3A_759 = vector.shape_cast %get3A_758 : vector<1x16xf32> to vector<16xf32>
      %mul3A_760 = arith.constant 6.000000e-01 : f32
      %mul3A_761 = vector.broadcast %mul3A_760 : f32 to vector<16xf32>
      %mul3A_762 = arith.mulf %mul3A_761, %get3A_759 : vector<16xf32>
      %add3A_763 = arith.addf %add3A_755, %mul3A_762 : vector<16xf32>
      %swap3A_764 = arith.index_cast %scan3A_306 : i32 to index
      %swap3A_765 = arith.constant 336 : index
      %swap3A_766 = tpu.vector_load %arg11[%swap3A_764, %swap3A_765] {strides = array<i32>} : memref<32x512xf32, #tpu.memory_space<vmem>>, vector<1x16xf32>,
      %swap3A_767 = vector.shape_cast %swap3A_766 : vector<1x16xf32> to vector<16xf32>
      %swap3A_768 = vector.shape_cast %add3A_763 : vector<16xf32> to vector<1x16xf32>
      tpu.vector_store %arg11[%swap3A_764, %swap3A_765], %swap3A_768 {strides = array<i32>} : memref<32x512xf32, #tpu.memory_space<vmem>>, vector<1x16xf32>,
      %get3A_769 = arith.index_cast %scan3A_306 : i32 to index
      %get3A_770 = arith.constant 352 : index
      %get3A_771 = tpu.vector_load %arg11[%get3A_769, %get3A_770] {strides = array<i32>} : memref<32x512xf32, #tpu.memory_space<vmem>>, vector<1x16xf32>,
      %get3A_772 = vector.shape_cast %get3A_771 : vector<1x16xf32> to vector<16xf32>
      %mul3A_773 = arith.constant 3.900000e-01 : f32
      %mul3A_774 = vector.broadcast %mul3A_773 : f32 to vector<16xf32>
      %mul3A_775 = arith.mulf %mul3A_774, %get3A_772 : vector<16xf32>
      %add3A_776 = arith.addf %mul3A_190, %mul3A_775 : vector<16xf32>
      %get3A_777 = arith.index_cast %scan3A_306 : i32 to index
      %get3A_778 = arith.constant 352 : index
      %get3A_779 = tpu.vector_load %arg12[%get3A_777, %get3A_778] {strides = array<i32>} : memref<32x512xf32, #tpu.memory_space<vmem>>, vector<1x16xf32>,
      %get3A_780 = vector.shape_cast %get3A_779 : vector<1x16xf32> to vector<16xf32>
      %mul3A_781 = arith.constant 6.000000e-01 : f32
      %mul3A_782 = vector.broadcast %mul3A_781 : f32 to vector<16xf32>
      %mul3A_783 = arith.mulf %mul3A_782, %get3A_780 : vector<16xf32>
      %add3A_784 = arith.addf %add3A_776, %mul3A_783 : vector<16xf32>
      %swap3A_785 = arith.index_cast %scan3A_306 : i32 to index
      %swap3A_786 = arith.constant 352 : index
      %swap3A_787 = tpu.vector_load %arg11[%swap3A_785, %swap3A_786] {strides = array<i32>} : memref<32x512xf32, #tpu.memory_space<vmem>>, vector<1x16xf32>,
      %swap3A_788 = vector.shape_cast %swap3A_787 : vector<1x16xf32> to vector<16xf32>
      %swap3A_789 = vector.shape_cast %add3A_784 : vector<16xf32> to vector<1x16xf32>
      tpu.vector_store %arg11[%swap3A_785, %swap3A_786], %swap3A_789 {strides = array<i32>} : memref<32x512xf32, #tpu.memory_space<vmem>>, vector<1x16xf32>,
      %get3A_790 = arith.index_cast %scan3A_306 : i32 to index
      %get3A_791 = arith.constant 368 : index
      %get3A_792 = tpu.vector_load %arg11[%get3A_790, %get3A_791] {strides = array<i32>} : memref<32x512xf32, #tpu.memory_space<vmem>>, vector<1x16xf32>,
      %get3A_793 = vector.shape_cast %get3A_792 : vector<1x16xf32> to vector<16xf32>
      %mul3A_794 = arith.constant 3.900000e-01 : f32
      %mul3A_795 = vector.broadcast %mul3A_794 : f32 to vector<16xf32>
      %mul3A_796 = arith.mulf %mul3A_795, %get3A_793 : vector<16xf32>
      %add3A_797 = arith.addf %mul3A_196, %mul3A_796 : vector<16xf32>
      %get3A_798 = arith.index_cast %scan3A_306 : i32 to index
      %get3A_799 = arith.constant 368 : index
      %get3A_800 = tpu.vector_load %arg12[%get3A_798, %get3A_799] {strides = array<i32>} : memref<32x512xf32, #tpu.memory_space<vmem>>, vector<1x16xf32>,
      %get3A_801 = vector.shape_cast %get3A_800 : vector<1x16xf32> to vector<16xf32>
      %mul3A_802 = arith.constant 6.000000e-01 : f32
      %mul3A_803 = vector.broadcast %mul3A_802 : f32 to vector<16xf32>
      %mul3A_804 = arith.mulf %mul3A_803, %get3A_801 : vector<16xf32>
      %add3A_805 = arith.addf %add3A_797, %mul3A_804 : vector<16xf32>
      %swap3A_806 = arith.index_cast %scan3A_306 : i32 to index
      %swap3A_807 = arith.constant 368 : index
      %swap3A_808 = tpu.vector_load %arg11[%swap3A_806, %swap3A_807] {strides = array<i32>} : memref<32x512xf32, #tpu.memory_space<vmem>>, vector<1x16xf32>,
      %swap3A_809 = vector.shape_cast %swap3A_808 : vector<1x16xf32> to vector<16xf32>
      %swap3A_810 = vector.shape_cast %add3A_805 : vector<16xf32> to vector<1x16xf32>
      tpu.vector_store %arg11[%swap3A_806, %swap3A_807], %swap3A_810 {strides = array<i32>} : memref<32x512xf32, #tpu.memory_space<vmem>>, vector<1x16xf32>,
      %get3A_811 = arith.index_cast %scan3A_306 : i32 to index
      %get3A_812 = arith.constant 384 : index
      %get3A_813 = tpu.vector_load %arg11[%get3A_811, %get3A_812] {strides = array<i32>} : memref<32x512xf32, #tpu.memory_space<vmem>>, vector<1x16xf32>,
      %get3A_814 = vector.shape_cast %get3A_813 : vector<1x16xf32> to vector<16xf32>
      %mul3A_815 = arith.constant 3.900000e-01 : f32
      %mul3A_816 = vector.broadcast %mul3A_815 : f32 to vector<16xf32>
      %mul3A_817 = arith.mulf %mul3A_816, %get3A_814 : vector<16xf32>
      %add3A_818 = arith.addf %mul3A_202, %mul3A_817 : vector<16xf32>
      %get3A_819 = arith.index_cast %scan3A_306 : i32 to index
      %get3A_820 = arith.constant 384 : index
      %get3A_821 = tpu.vector_load %arg12[%get3A_819, %get3A_820] {strides = array<i32>} : memref<32x512xf32, #tpu.memory_space<vmem>>, vector<1x16xf32>,
      %get3A_822 = vector.shape_cast %get3A_821 : vector<1x16xf32> to vector<16xf32>
      %mul3A_823 = arith.constant 6.000000e-01 : f32
      %mul3A_824 = vector.broadcast %mul3A_823 : f32 to vector<16xf32>
      %mul3A_825 = arith.mulf %mul3A_824, %get3A_822 : vector<16xf32>
      %add3A_826 = arith.addf %add3A_818, %mul3A_825 : vector<16xf32>
      %swap3A_827 = arith.index_cast %scan3A_306 : i32 to index
      %swap3A_828 = arith.constant 384 : index
      %swap3A_829 = tpu.vector_load %arg11[%swap3A_827, %swap3A_828] {strides = array<i32>} : memref<32x512xf32, #tpu.memory_space<vmem>>, vector<1x16xf32>,
      %swap3A_830 = vector.shape_cast %swap3A_829 : vector<1x16xf32> to vector<16xf32>
      %swap3A_831 = vector.shape_cast %add3A_826 : vector<16xf32> to vector<1x16xf32>
      tpu.vector_store %arg11[%swap3A_827, %swap3A_828], %swap3A_831 {strides = array<i32>} : memref<32x512xf32, #tpu.memory_space<vmem>>, vector<1x16xf32>,
      %get3A_832 = arith.index_cast %scan3A_306 : i32 to index
      %get3A_833 = arith.constant 400 : index
      %get3A_834 = tpu.vector_load %arg11[%get3A_832, %get3A_833] {strides = array<i32>} : memref<32x512xf32, #tpu.memory_space<vmem>>, vector<1x16xf32>,
      %get3A_835 = vector.shape_cast %get3A_834 : vector<1x16xf32> to vector<16xf32>
      %mul3A_836 = arith.constant 3.900000e-01 : f32
      %mul3A_837 = vector.broadcast %mul3A_836 : f32 to vector<16xf32>
      %mul3A_838 = arith.mulf %mul3A_837, %get3A_835 : vector<16xf32>
      %add3A_839 = arith.addf %mul3A_208, %mul3A_838 : vector<16xf32>
      %get3A_840 = arith.index_cast %scan3A_306 : i32 to index
      %get3A_841 = arith.constant 400 : index
      %get3A_842 = tpu.vector_load %arg12[%get3A_840, %get3A_841] {strides = array<i32>} : memref<32x512xf32, #tpu.memory_space<vmem>>, vector<1x16xf32>,
      %get3A_843 = vector.shape_cast %get3A_842 : vector<1x16xf32> to vector<16xf32>
      %mul3A_844 = arith.constant 6.000000e-01 : f32
      %mul3A_845 = vector.broadcast %mul3A_844 : f32 to vector<16xf32>
      %mul3A_846 = arith.mulf %mul3A_845, %get3A_843 : vector<16xf32>
      %add3A_847 = arith.addf %add3A_839, %mul3A_846 : vector<16xf32>
      %swap3A_848 = arith.index_cast %scan3A_306 : i32 to index
      %swap3A_849 = arith.constant 400 : index
      %swap3A_850 = tpu.vector_load %arg11[%swap3A_848, %swap3A_849] {strides = array<i32>} : memref<32x512xf32, #tpu.memory_space<vmem>>, vector<1x16xf32>,
      %swap3A_851 = vector.shape_cast %swap3A_850 : vector<1x16xf32> to vector<16xf32>
      %swap3A_852 = vector.shape_cast %add3A_847 : vector<16xf32> to vector<1x16xf32>
      tpu.vector_store %arg11[%swap3A_848, %swap3A_849], %swap3A_852 {strides = array<i32>} : memref<32x512xf32, #tpu.memory_space<vmem>>, vector<1x16xf32>,
      %get3A_853 = arith.index_cast %scan3A_306 : i32 to index
      %get3A_854 = arith.constant 416 : index
      %get3A_855 = tpu.vector_load %arg11[%get3A_853, %get3A_854] {strides = array<i32>} : memref<32x512xf32, #tpu.memory_space<vmem>>, vector<1x16xf32>,
      %get3A_856 = vector.shape_cast %get3A_855 : vector<1x16xf32> to vector<16xf32>
      %mul3A_857 = arith.constant 3.900000e-01 : f32
      %mul3A_858 = vector.broadcast %mul3A_857 : f32 to vector<16xf32>
      %mul3A_859 = arith.mulf %mul3A_858, %get3A_856 : vector<16xf32>
      %add3A_860 = arith.addf %mul3A_214, %mul3A_859 : vector<16xf32>
      %get3A_861 = arith.index_cast %scan3A_306 : i32 to index
      %get3A_862 = arith.constant 416 : index
      %get3A_863 = tpu.vector_load %arg12[%get3A_861, %get3A_862] {strides = array<i32>} : memref<32x512xf32, #tpu.memory_space<vmem>>, vector<1x16xf32>,
      %get3A_864 = vector.shape_cast %get3A_863 : vector<1x16xf32> to vector<16xf32>
      %mul3A_865 = arith.constant 6.000000e-01 : f32
      %mul3A_866 = vector.broadcast %mul3A_865 : f32 to vector<16xf32>
      %mul3A_867 = arith.mulf %mul3A_866, %get3A_864 : vector<16xf32>
      %add3A_868 = arith.addf %add3A_860, %mul3A_867 : vector<16xf32>
      %swap3A_869 = arith.index_cast %scan3A_306 : i32 to index
      %swap3A_870 = arith.constant 416 : index
      %swap3A_871 = tpu.vector_load %arg11[%swap3A_869, %swap3A_870] {strides = array<i32>} : memref<32x512xf32, #tpu.memory_space<vmem>>, vector<1x16xf32>,
      %swap3A_872 = vector.shape_cast %swap3A_871 : vector<1x16xf32> to vector<16xf32>
      %swap3A_873 = vector.shape_cast %add3A_868 : vector<16xf32> to vector<1x16xf32>
      tpu.vector_store %arg11[%swap3A_869, %swap3A_870], %swap3A_873 {strides = array<i32>} : memref<32x512xf32, #tpu.memory_space<vmem>>, vector<1x16xf32>,
      %get3A_874 = arith.index_cast %scan3A_306 : i32 to index
      %get3A_875 = arith.constant 432 : index
      %get3A_876 = tpu.vector_load %arg11[%get3A_874, %get3A_875] {strides = array<i32>} : memref<32x512xf32, #tpu.memory_space<vmem>>, vector<1x16xf32>,
      %get3A_877 = vector.shape_cast %get3A_876 : vector<1x16xf32> to vector<16xf32>
      %mul3A_878 = arith.constant 3.900000e-01 : f32
      %mul3A_879 = vector.broadcast %mul3A_878 : f32 to vector<16xf32>
      %mul3A_880 = arith.mulf %mul3A_879, %get3A_877 : vector<16xf32>
      %add3A_881 = arith.addf %mul3A_220, %mul3A_880 : vector<16xf32>
      %get3A_882 = arith.index_cast %scan3A_306 : i32 to index
      %get3A_883 = arith.constant 432 : index
      %get3A_884 = tpu.vector_load %arg12[%get3A_882, %get3A_883] {strides = array<i32>} : memref<32x512xf32, #tpu.memory_space<vmem>>, vector<1x16xf32>,
      %get3A_885 = vector.shape_cast %get3A_884 : vector<1x16xf32> to vector<16xf32>
      %mul3A_886 = arith.constant 6.000000e-01 : f32
      %mul3A_887 = vector.broadcast %mul3A_886 : f32 to vector<16xf32>
      %mul3A_888 = arith.mulf %mul3A_887, %get3A_885 : vector<16xf32>
      %add3A_889 = arith.addf %add3A_881, %mul3A_888 : vector<16xf32>
      %swap3A_890 = arith.index_cast %scan3A_306 : i32 to index
      %swap3A_891 = arith.constant 432 : index
      %swap3A_892 = tpu.vector_load %arg11[%swap3A_890, %swap3A_891] {strides = array<i32>} : memref<32x512xf32, #tpu.memory_space<vmem>>, vector<1x16xf32>,
      %swap3A_893 = vector.shape_cast %swap3A_892 : vector<1x16xf32> to vector<16xf32>
      %swap3A_894 = vector.shape_cast %add3A_889 : vector<16xf32> to vector<1x16xf32>
      tpu.vector_store %arg11[%swap3A_890, %swap3A_891], %swap3A_894 {strides = array<i32>} : memref<32x512xf32, #tpu.memory_space<vmem>>, vector<1x16xf32>,
      %get3A_895 = arith.index_cast %scan3A_306 : i32 to index
      %get3A_896 = arith.constant 448 : index
      %get3A_897 = tpu.vector_load %arg11[%get3A_895, %get3A_896] {strides = array<i32>} : memref<32x512xf32, #tpu.memory_space<vmem>>, vector<1x16xf32>,
      %get3A_898 = vector.shape_cast %get3A_897 : vector<1x16xf32> to vector<16xf32>
      %mul3A_899 = arith.constant 3.900000e-01 : f32
      %mul3A_900 = vector.broadcast %mul3A_899 : f32 to vector<16xf32>
      %mul3A_901 = arith.mulf %mul3A_900, %get3A_898 : vector<16xf32>
      %add3A_902 = arith.addf %mul3A_226, %mul3A_901 : vector<16xf32>
      %get3A_903 = arith.index_cast %scan3A_306 : i32 to index
      %get3A_904 = arith.constant 448 : index
      %get3A_905 = tpu.vector_load %arg12[%get3A_903, %get3A_904] {strides = array<i32>} : memref<32x512xf32, #tpu.memory_space<vmem>>, vector<1x16xf32>,
      %get3A_906 = vector.shape_cast %get3A_905 : vector<1x16xf32> to vector<16xf32>
      %mul3A_907 = arith.constant 6.000000e-01 : f32
      %mul3A_908 = vector.broadcast %mul3A_907 : f32 to vector<16xf32>
      %mul3A_909 = arith.mulf %mul3A_908, %get3A_906 : vector<16xf32>
      %add3A_910 = arith.addf %add3A_902, %mul3A_909 : vector<16xf32>
      %swap3A_911 = arith.index_cast %scan3A_306 : i32 to index
      %swap3A_912 = arith.constant 448 : index
      %swap3A_913 = tpu.vector_load %arg11[%swap3A_911, %swap3A_912] {strides = array<i32>} : memref<32x512xf32, #tpu.memory_space<vmem>>, vector<1x16xf32>,
      %swap3A_914 = vector.shape_cast %swap3A_913 : vector<1x16xf32> to vector<16xf32>
      %swap3A_915 = vector.shape_cast %add3A_910 : vector<16xf32> to vector<1x16xf32>
      tpu.vector_store %arg11[%swap3A_911, %swap3A_912], %swap3A_915 {strides = array<i32>} : memref<32x512xf32, #tpu.memory_space<vmem>>, vector<1x16xf32>,
      %get3A_916 = arith.index_cast %scan3A_306 : i32 to index
      %get3A_917 = arith.constant 464 : index
      %get3A_918 = tpu.vector_load %arg11[%get3A_916, %get3A_917] {strides = array<i32>} : memref<32x512xf32, #tpu.memory_space<vmem>>, vector<1x16xf32>,
      %get3A_919 = vector.shape_cast %get3A_918 : vector<1x16xf32> to vector<16xf32>
      %mul3A_920 = arith.constant 3.900000e-01 : f32
      %mul3A_921 = vector.broadcast %mul3A_920 : f32 to vector<16xf32>
      %mul3A_922 = arith.mulf %mul3A_921, %get3A_919 : vector<16xf32>
      %add3A_923 = arith.addf %mul3A_232, %mul3A_922 : vector<16xf32>
      %get3A_924 = arith.index_cast %scan3A_306 : i32 to index
      %get3A_925 = arith.constant 464 : index
      %get3A_926 = tpu.vector_load %arg12[%get3A_924, %get3A_925] {strides = array<i32>} : memref<32x512xf32, #tpu.memory_space<vmem>>, vector<1x16xf32>,
      %get3A_927 = vector.shape_cast %get3A_926 : vector<1x16xf32> to vector<16xf32>
      %mul3A_928 = arith.constant 6.000000e-01 : f32
      %mul3A_929 = vector.broadcast %mul3A_928 : f32 to vector<16xf32>
      %mul3A_930 = arith.mulf %mul3A_929, %get3A_927 : vector<16xf32>
      %add3A_931 = arith.addf %add3A_923, %mul3A_930 : vector<16xf32>
      %swap3A_932 = arith.index_cast %scan3A_306 : i32 to index
      %swap3A_933 = arith.constant 464 : index
      %swap3A_934 = tpu.vector_load %arg11[%swap3A_932, %swap3A_933] {strides = array<i32>} : memref<32x512xf32, #tpu.memory_space<vmem>>, vector<1x16xf32>,
      %swap3A_935 = vector.shape_cast %swap3A_934 : vector<1x16xf32> to vector<16xf32>
      %swap3A_936 = vector.shape_cast %add3A_931 : vector<16xf32> to vector<1x16xf32>
      tpu.vector_store %arg11[%swap3A_932, %swap3A_933], %swap3A_936 {strides = array<i32>} : memref<32x512xf32, #tpu.memory_space<vmem>>, vector<1x16xf32>,
      %get3A_937 = arith.index_cast %scan3A_306 : i32 to index
      %get3A_938 = arith.constant 480 : index
      %get3A_939 = tpu.vector_load %arg11[%get3A_937, %get3A_938] {strides = array<i32>} : memref<32x512xf32, #tpu.memory_space<vmem>>, vector<1x16xf32>,
      %get3A_940 = vector.shape_cast %get3A_939 : vector<1x16xf32> to vector<16xf32>
      %mul3A_941 = arith.constant 3.900000e-01 : f32
      %mul3A_942 = vector.broadcast %mul3A_941 : f32 to vector<16xf32>
      %mul3A_943 = arith.mulf %mul3A_942, %get3A_940 : vector<16xf32>
      %add3A_944 = arith.addf %mul3A_238, %mul3A_943 : vector<16xf32>
      %get3A_945 = arith.index_cast %scan3A_306 : i32 to index
      %get3A_946 = arith.constant 480 : index
      %get3A_947 = tpu.vector_load %arg12[%get3A_945, %get3A_946] {strides = array<i32>} : memref<32x512xf32, #tpu.memory_space<vmem>>, vector<1x16xf32>,
      %get3A_948 = vector.shape_cast %get3A_947 : vector<1x16xf32> to vector<16xf32>
      %mul3A_949 = arith.constant 6.000000e-01 : f32
      %mul3A_950 = vector.broadcast %mul3A_949 : f32 to vector<16xf32>
      %mul3A_951 = arith.mulf %mul3A_950, %get3A_948 : vector<16xf32>
      %add3A_952 = arith.addf %add3A_944, %mul3A_951 : vector<16xf32>
      %swap3A_953 = arith.index_cast %scan3A_306 : i32 to index
      %swap3A_954 = arith.constant 480 : index
      %swap3A_955 = tpu.vector_load %arg11[%swap3A_953, %swap3A_954] {strides = array<i32>} : memref<32x512xf32, #tpu.memory_space<vmem>>, vector<1x16xf32>,
      %swap3A_956 = vector.shape_cast %swap3A_955 : vector<1x16xf32> to vector<16xf32>
      %swap3A_957 = vector.shape_cast %add3A_952 : vector<16xf32> to vector<1x16xf32>
      tpu.vector_store %arg11[%swap3A_953, %swap3A_954], %swap3A_957 {strides = array<i32>} : memref<32x512xf32, #tpu.memory_space<vmem>>, vector<1x16xf32>,
      %get3A_958 = arith.index_cast %scan3A_306 : i32 to index
      %get3A_959 = arith.constant 496 : index
      %get3A_960 = tpu.vector_load %arg11[%get3A_958, %get3A_959] {strides = array<i32>} : memref<32x512xf32, #tpu.memory_space<vmem>>, vector<1x16xf32>,
      %get3A_961 = vector.shape_cast %get3A_960 : vector<1x16xf32> to vector<16xf32>
      %mul3A_962 = arith.constant 3.900000e-01 : f32
      %mul3A_963 = vector.broadcast %mul3A_962 : f32 to vector<16xf32>
      %mul3A_964 = arith.mulf %mul3A_963, %get3A_961 : vector<16xf32>
      %add3A_965 = arith.addf %mul3A_244, %mul3A_964 : vector<16xf32>
      %get3A_966 = arith.index_cast %scan3A_306 : i32 to index
      %get3A_967 = arith.constant 496 : index
      %get3A_968 = tpu.vector_load %arg12[%get3A_966, %get3A_967] {strides = array<i32>} : memref<32x512xf32, #tpu.memory_space<vmem>>, vector<1x16xf32>,
      %get3A_969 = vector.shape_cast %get3A_968 : vector<1x16xf32> to vector<16xf32>
      %mul3A_970 = arith.constant 6.000000e-01 : f32
      %mul3A_971 = vector.broadcast %mul3A_970 : f32 to vector<16xf32>
      %mul3A_972 = arith.mulf %mul3A_971, %get3A_969 : vector<16xf32>
      %add3A_973 = arith.addf %add3A_965, %mul3A_972 : vector<16xf32>
      %swap3A_974 = arith.index_cast %scan3A_306 : i32 to index
      %swap3A_975 = arith.constant 496 : index
      %swap3A_976 = tpu.vector_load %arg11[%swap3A_974, %swap3A_975] {strides = array<i32>} : memref<32x512xf32, #tpu.memory_space<vmem>>, vector<1x16xf32>,
      %swap3A_977 = vector.shape_cast %swap3A_976 : vector<1x16xf32> to vector<16xf32>
      %swap3A_978 = vector.shape_cast %add3A_973 : vector<16xf32> to vector<1x16xf32>
      tpu.vector_store %arg11[%swap3A_974, %swap3A_975], %swap3A_978 {strides = array<i32>} : memref<32x512xf32, #tpu.memory_space<vmem>>, vector<1x16xf32>,
    }
    %scan3A_273 = arith.constant 16 : i32
    %add3A_274 = arith.constant 16 : i32
    %add3A_275 = arith.addi %mul3A_2, %add3A_274 : i32
    %dma_start3A_276 = arith.constant 16 : i32
    %dma_start3A_277 = arith.constant 0 : i32
    %dma_start3A_278 = tpu.memref_slice %arg11[%dma_start3A_276, %dma_start3A_277] : memref<32x512xf32, #tpu.memory_space<vmem>> -> memref<16x512xf32, #tpu.memory_space<vmem>>
    %dma_start3A_279 = arith.constant 0 : i32
    %dma_start3A_280 = tpu.memref_slice %arg6[%add3A_275, %dma_start3A_279] : memref<1024x512xf32, #tpu.memory_space<hbm>> -> memref<16x512xf32, #tpu.memory_space<hbm>>
    %dma_start3A_281 = arith.constant 0 : i32
    %dma_start3A_282 = tpu.memref_slice %arg6[%add3A_275, %dma_start3A_281] : memref<1024x512xf32, #tpu.memory_space<hbm>> -> memref<16x512xf32, #tpu.memory_space<hbm>>
    %dma_start3A_283 = arith.constant 16 : i32
    %dma_start3A_284 = arith.constant 0 : i32
    %dma_start3A_285 = tpu.memref_slice %arg11[%dma_start3A_283, %dma_start3A_284] : memref<32x512xf32, #tpu.memory_space<vmem>> -> memref<16x512xf32, #tpu.memory_space<vmem>>
    tpu.enqueue_dma source(%dma_start3A_285 : memref<16x512xf32, #tpu.memory_space<vmem>>) target(%dma_start3A_282 : memref<16x512xf32, #tpu.memory_space<hbm>>) target_semaphore(%arg17 : memref<!tpu.dma_semaphore, #tpu.memory_space<semaphore_mem>>)
    %dma_wait3A_286 = arith.constant 0 : i32
    %dma_wait3A_287 = arith.constant 0 : i32
    %dma_wait3A_288 = tpu.memref_slice %arg11[%dma_wait3A_286, %dma_wait3A_287] : memref<32x512xf32, #tpu.memory_space<vmem>> -> memref<16x512xf32, #tpu.memory_space<vmem>>
    %dma_wait3A_289 = arith.constant 0 : i32
    %dma_wait3A_290 = tpu.memref_slice %arg6[%add3A_257, %dma_wait3A_289] : memref<1024x512xf32, #tpu.memory_space<hbm>> -> memref<16x512xf32, #tpu.memory_space<hbm>>
    %dma_wait3A_291 = arith.constant 0 : i32
    %dma_wait3A_292 = tpu.memref_slice %arg6[%add3A_257, %dma_wait3A_291] : memref<1024x512xf32, #tpu.memory_space<hbm>> -> memref<16x512xf32, #tpu.memory_space<hbm>>
    %dma_wait3A_293 = arith.constant 0 : i32
    %dma_wait3A_294 = arith.constant 0 : i32
    %dma_wait3A_295 = tpu.memref_slice %arg11[%dma_wait3A_293, %dma_wait3A_294] : memref<32x512xf32, #tpu.memory_space<vmem>> -> memref<16x512xf32, #tpu.memory_space<vmem>>
    tpu.wait_dma2 semaphore(%arg17 : memref<!tpu.dma_semaphore, #tpu.memory_space<semaphore_mem>>) src(%dma_wait3A_295 : memref<16x512xf32, #tpu.memory_space<vmem>>) dst(%dma_wait3A_292 : memref<16x512xf32, #tpu.memory_space<hbm>>)
    %dma_wait3A_296 = arith.constant 16 : i32
    %dma_wait3A_297 = arith.constant 0 : i32
    %dma_wait3A_298 = tpu.memref_slice %arg11[%dma_wait3A_296, %dma_wait3A_297] : memref<32x512xf32, #tpu.memory_space<vmem>> -> memref<16x512xf32, #tpu.memory_space<vmem>>
    %dma_wait3A_299 = arith.constant 0 : i32
    %dma_wait3A_300 = tpu.memref_slice %arg6[%add3A_275, %dma_wait3A_299] : memref<1024x512xf32, #tpu.memory_space<hbm>> -> memref<16x512xf32, #tpu.memory_space<hbm>>
    %dma_wait3A_301 = arith.constant 0 : i32
    %dma_wait3A_302 = tpu.memref_slice %arg6[%add3A_275, %dma_wait3A_301] : memref<1024x512xf32, #tpu.memory_space<hbm>> -> memref<16x512xf32, #tpu.memory_space<hbm>>
    %dma_wait3A_303 = arith.constant 16 : i32
    %dma_wait3A_304 = arith.constant 0 : i32
    %dma_wait3A_305 = tpu.memref_slice %arg11[%dma_wait3A_303, %dma_wait3A_304] : memref<32x512xf32, #tpu.memory_space<vmem>> -> memref<16x512xf32, #tpu.memory_space<vmem>>
    tpu.wait_dma2 semaphore(%arg17 : memref<!tpu.dma_semaphore, #tpu.memory_space<semaphore_mem>>) src(%dma_wait3A_305 : memref<16x512xf32, #tpu.memory_space<vmem>>) dst(%dma_wait3A_302 : memref<16x512xf32, #tpu.memory_space<hbm>>)
    return
  }
}

</mosaic_0001>

<sc_bundles>
// kernel: kernel.3.cloned.1.call-start
scs
__scs_entry_jumppad:
0x0: {  	(pc) =	sbr.rel $0x88, $3  }
0x1: {  	(tag) =	ssettag $0x0;
	lr =	simm.s32 $0x1  }
0x2: {  	[smem:$0x3F9D] =	sst lr;
	_ =	strace $0xD0000000  }
0x3: {  	_ = 	snop  }
0x4: {  	_ = 	snop  }
0x5: {  	_ = 	snop  }
0x6: {  	_ = 	snop  }
0x7: {  	_ = 	snop  }
__scs_overlays_trampoline_lowered:
0x8: {  	[smem:$0x3FAC] =	sst s0  }
0x9: {  	[smem:$0x3FAD] =	sst s1  }
0xa: {  	[smem:$0x3FAE] =	sst s2  }
0xb: {  	[smem:$0x3FAF] =	sst s3  }
0xc: {  	[smem:$0x3FB0] =	sst s4  }
0xd: {  	[smem:$0x3FB1] =	sst s5  }
0xe: {  	[smem:$0x3FB2] =	sst s6  }
0xf: {  	[smem:$0x3FB3] =	sst s7  }
0x10: {  	[smem:$0x3FB4] =	sst s8  }
0x11: {  	[smem:$0x3FB5] =	sst s9;
	s0 =	simm.s32 @!p0 $0x0  }
0x12: {  	s1 =	sld [smem:$0x3F9B];
	s0 =	simm.s32 @p0 $0x1  }
0x13: {  	[smem:$0x3FB6] =	sst s0;
	s0 =	simm.s32 @!p1 $0x0  }
0x14: {  	s2 =	sld [smem:$0x3F9A];
	s0 =	simm.s32 @p1 $0x1  }
0x15: {  	[smem:$0x3FB7] =	sst s0;
	s0 =	simm.s32 @!p2 $0x0  }
0x16: {  	s3 =	sld [smem:$0x3FDB];
	s0 =	simm.s32 @p2 $0x1  }
0x17: {  	s4 =	simm.s32 $0x1BF5;
	[smem:$0x3FB9] =	sst s0  }
0x18: {  	s0 =	sld [smem:$0x3F9C];
	_ =	swait.ge [sflag:s4], $0x0  }
0x19: {  	s7 =	sld [smem:$0x3F9D]  }
0x1a: {  	s8 =	sadd.s32 $0xFFFFE003, lr  }
0x1b: {  	s9 =	sadd.s32 $0xFFFFFEF7, lr;
	s5 =	simm.s32 $0xFFFFFFFF;
	p2 =	slt.u32 s8, $0xFFFFF086  }
0x1c: {  	p1 =	slt.u32 s9, $0xF7A;
	s5 =	simm.s32 @!p2 $0x0  }
0x1d: {  	s5 =	simm.s32 @p1 $0x1;
	p0 =	seq.s32 s7, s2  }
0x1e: {  	s7 =	smul.u32 @!p0 $0xF7A, s2;
	p2 =	seq.s32 @!p0 s5, $0x0  }
0x1f: {  	s9 =	smul.u32 $0xF7A, s1;
	s8 =	simm.s32 @!p0 $0x1BF5;
	p2 =	por !p2, p0  }
0x20: {  	[sflag:s8] =	ssyncset.s32 @!p0 $0xFFFFF086;
	s6 =	sadd.s32 @!p0 s3, s7;
	s7 =	simm.s32 @!p0 $0x108  }
0x21: {  	s3 =	sadd.s32 s3, s9;
	s6 =	sadd.s32 @!p0 $0x88, s6;
	s7 =	simm.s32 @p2 $0x1082  }
0x22: {  	[simem:s7], [sflag:s8] =	dma.local @!p0 [hbm:s6], $0xF7A  }
0x23: {  	s9 =	sor.u32 $0xD0000000, s2;
	s6 =	simm.s32 $0x108;
	_ =	swait.ge @!p0 [sflag:s8], $0x0  }
0x24: {  	s3 =	sadd.s32 $0x88, s3;
	s6 =	simm.s32 @!p1 $0x1082;
	[sflag:s4] =	ssyncset.s32 $0xFFFFF086  }
0x25: {  	[simem:s6], [sflag:s4] =	dma.local [hbm:s3], $0xF7A  }
0x26: {  	[smem:$0x3F9D] =	sst s1;
	(tag) =	ssettag s2;
	_ =	strace s9  }
0x27: {  	s1 =	sld [smem:$0x3FAD]  }
0x28: {  	s2 =	sld [smem:$0x3FAE]  }
0x29: {  	s4 =	sld [smem:$0x3FB0]  }
0x2a: {  	p0 =	seq.s32 s5, $0x0;
	s5 =	sld [smem:$0x3FB1]  }
0x2b: {  	s6 =	sld [smem:$0x3FB2]  }
0x2c: {  	s7 =	sld [smem:$0x3FB3]  }
0x2d: {  	s3 =	simm.s32 $0x108;
	s8 =	sld [smem:$0x3FB4]  }
0x2e: {  	s3 =	simm.s32 @!p0 $0x1082;
	s9 =	sld [smem:$0x3FB5]  }
0x2f: {  	lr =	sadd.s32 s0, s3;
	s0 =	sld [smem:$0x3FAC]  }
0x30: {  	s3 =	sld [smem:$0x3FAF]  }
0x31: {  	[smem:$0x3FB8] =	sst s10  }
0x32: {  	s10 =	sld [smem:$0x3FB6];
	_ =	sdelay $0x3  }
0x33: {  	p0 =	seq.s32 s10, $0x1;
	s10 =	sld [smem:$0x3FB8];
	_ =	sdelay $0x3  }
0x34: {  	[smem:$0x3FB8] =	sst s10  }
0x35: {  	s10 =	sld [smem:$0x3FB7];
	_ =	sdelay $0x3  }
0x36: {  	p1 =	seq.s32 s10, $0x1;
	s10 =	sld [smem:$0x3FB8];
	_ =	sdelay $0x3  }
0x37: {  	[smem:$0x3FB8] =	sst s10  }
0x38: {  	s10 =	sld [smem:$0x3FB9]  }
0x39: {  	_ = 	snop;
	(pc) =	sbr.ind lr, $3  }
0x3a: {  	_ = 	snop  }
0x3b: {  	_ = 	snop  }
0x3c: {  	p2 =	seq.s32 s10, $0x1;
	s10 =	sld [smem:$0x3FB8]  }
0x3d: {  	_ =	shalt  }
0x3e: {  	_ =	shalt  }
0x3f: {  	_ =	shalt  }
0x40: {  	_ =	shalt  }
0x41: {  	_ =	shalt  }
0x42: {  	_ =	shalt  }
0x43: {  	_ =	shalt  }
0x44: {  	_ =	shalt  }
0x45: {  	_ =	shalt  }
0x46: {  	_ =	shalt  }
0x47: {  	_ =	shalt  }
0x48: {  	_ =	shalt  }
0x49: {  	_ =	shalt  }
0x4a: {  	_ =	shalt  }
0x4b: {  	_ =	shalt  }
0x4c: {  	_ =	shalt  }
0x4d: {  	_ =	shalt  }
0x4e: {  	_ =	shalt  }
0x4f: {  	_ =	shalt  }
0x50: {  	_ =	shalt  }
0x51: {  	_ =	shalt  }
0x52: {  	_ =	shalt  }
0x53: {  	_ =	shalt  }
0x54: {  	_ =	shalt  }
0x55: {  	_ =	shalt  }
0x56: {  	_ =	shalt  }
0x57: {  	_ =	shalt  }
0x58: {  	_ =	shalt  }
0x59: {  	_ =	shalt  }
0x5a: {  	_ =	shalt  }
0x5b: {  	_ =	shalt  }
0x5c: {  	_ =	shalt  }
0x5d: {  	_ =	shalt  }
0x5e: {  	_ =	shalt  }
0x5f: {  	_ =	shalt  }
0x60: {  	_ =	shalt  }
0x61: {  	_ =	shalt  }
0x62: {  	_ =	shalt  }
0x63: {  	_ =	shalt  }
0x64: {  	_ =	shalt  }
0x65: {  	_ =	shalt  }
0x66: {  	_ =	shalt  }
0x67: {  	_ =	shalt  }
0x68: {  	_ =	shalt  }
0x69: {  	_ =	shalt  }
0x6a: {  	_ =	shalt  }
0x6b: {  	_ =	shalt  }
0x6c: {  	_ =	shalt  }
0x6d: {  	_ =	shalt  }
0x6e: {  	_ =	shalt  }
0x6f: {  	_ =	shalt  }
0x70: {  	_ =	shalt  }
0x71: {  	_ =	shalt  }
0x72: {  	_ =	shalt  }
0x73: {  	_ =	shalt  }
0x74: {  	_ =	shalt  }
0x75: {  	_ =	shalt  }
0x76: {  	_ =	shalt  }
0x77: {  	_ =	shalt  }
0x78: {  	_ =	shalt  }
0x79: {  	_ =	shalt  }
0x7a: {  	_ =	shalt  }
0x7b: {  	_ =	shalt  }
0x7c: {  	_ =	shalt  }
0x7d: {  	_ =	shalt  }
0x7e: {  	_ =	shalt  }
0x7f: {  	_ =	shalt  }
0x80: {  	_ =	shalt  }
0x81: {  	_ =	shalt  }
0x82: {  	_ =	shalt  }
0x83: {  	_ =	shalt  }
0x84: {  	_ =	shalt  }
0x85: {  	_ =	shalt  }
0x86: {  	_ =	shalt  }
0x87: {  	_ =	shalt  }
.Lfunc_end0:
.L_simem_size_0:
called_computation_lowered:
.L_overlay_start_0:
0x88: {  	s2 =	sld [smem:$0x3FD9]  }
0x89: {  	s3 =	sld [smem:$0x3FFE];
	_ =	sdelay $0x1  }
0x8a: {  	s1 =	srdreg.scid  }
0x8b: {  	s0 =	sand.u32 $0x1, s1  }
0x8c: {  	s18 =	sshll.u32 s0, $0xA;
	s2 =	sadd.s32 s3, s2  }
0x8d: {  	s2 =	sadd.s32 s2, s18  }
0x8e: {  	[smem:$0x3FC4] =	sst s2  }
0x8f: {  	_ = 	snop  }
0x90: {  	s2 =	sld [smem:$0x3FC9]  }
0x91: {  	s19 =	sld [smem:$0x3FC8]  }
0x92: {  	s4 =	sld [smem:$0x3FC7]  }
0x93: {  	s5 =	sld [smem:$0x3FC6]  }
0x94: {  	s6 =	sld [smem:$0x3FD0];
	(tm) =	ssettm $0x1  }
0x95: {  	s7 =	sld [smem:$0x3FFB];
	_ =	sdelay $0x3  }
0x96: {  	_ =	strace s7  }
0x97: {  	s7 =	sld [smem:$0x3FFC];
	_ =	sdelay $0x3  }
0x98: {  	_ =	strace s7  }
0x99: {  	s7 =	sld [smem:$0x3FFD];
	_ =	sdelay $0x3  }
0x9a: {  	_ =	strace s7  }
0x9b: {  	_ =	strace $0x8FFFFFFF  }
0x9c: {  	s20 =	sld [smem:$0x3FDB];
	_ =	sdelay $0x1  }
0x9d: {  	s8 =	simm.s32 $_scs_section_size  }
0x9e: {  	s9 =	simm.s32 $_size__tile_overlayer_lowered;
	s10 =	simm.s32 $_tile_overlayer_lowered  }
0x9f: {  	s23 =	simm.s32 $0x1BFF;
	s22 =	sshll.u32 s10, $0x1;
	s7 =	sadd.s32 s8, s20  }
0xa0: {  	s11 =	simm.s32 $0x0;
	s21 =	sshll.u32 s9, $0x1;
	s9 =	sadd.s32 s22, s7  }
0xa1: {  	[timem:s11], [sflag:s23] =	dma.local [hbm:s9], s21  }
0xa2: {  	_ =	swait.ge [sflag:s23], s21  }
0xa3: {  	s8 =	ssub.s32 $0x0, s21;
	[sflag:s23] =	ssyncset.done $0x0  }
0xa4: {  	[sflag:s23] =	ssyncadd.s32 s8;
	_ =	sdelay $0x1  }
0xa5: {  	s24 =	simm.s32 $0x1B8B  }
0xa6: {  	_ =	swait.ge [sflag:s24], $0x1  }
0xa7: {  	[sflag:s24] =	ssyncset.done $0x0  }
0xa8: {  	s25 =	simm.s32 $0x1B8E;
	[sflag:s24] =	ssyncadd.s32 $0xFFFFFFFF  }
0xa9: {  	s26 =	simm.s32 $execute0_lowered;
	[smem:$0x3FD2] =	sst s25  }
0xaa: {  	s8 =	sshll.u32 s26, $0x1;
	_ =	strace $0x80000046;
	[dreg:$0x1] =	wrdreg $0xFFFFFFFF  }
0xab: {  	s28 =	simm.s32 $_size_execute0_lowered;
	s7 =	sadd.s32 s7, s8;
	[dreg:$0x0] =	wrdreg $0x0  }
0xac: {  	s8 =	sshll.u32 s28, $0x1;
	[dreg:$0x2] =	wrdreg s7  }
0xad: {  	[dreg:$0x3] =	wrdreg s8  }
0xae: {  	[dreg:$0x4] =	wrdreg $0xC0  }
0xaf: {  	_ =	task [dreg:s11], $0x5FFFF  }
0xb0: {  	[dreg:$0x1] =	wrdreg $0xFFFFFFFF  }
0xb1: {  	[dreg:$0x0] =	wrdreg $0x60  }
0xb2: {  	[dreg:$0x2] =	wrdreg s2  }
0xb3: {  	[dreg:$0x3] =	wrdreg s19  }
0xb4: {  	[dreg:$0x4] =	wrdreg s4  }
0xb5: {  	[dreg:$0x5] =	wrdreg s5  }
0xb6: {  	[dreg:$0x6] =	wrdreg s6  }
0xb7: {  	[dreg:$0x7] =	wrdreg $0x9  }
0xb8: {  	_ =	task.clear_ibuf [dreg:s11], $0x8FFFF;
	_ =	strace $0x90000046  }
0xb9: {  	s29 =	simm.s32 $0x9;
	_ =	strace $0x80000048  }
0xba: {  	_ =	swait.ge [sflag:s29], $0x1  }
0xbb: {  	[sflag:s29] =	ssyncadd.s32 $0xFFFFFFFF  }
0xbc: {  	_ =	strace $0x90000048  }
0xbd: {  	_ =	sfence  }
0xbe: {  	s30 =	sld [smem:$0x0];
	_ =	sdelay $0x2  }
0xbf: {  	s31 =	sshll.u32 s1, $0xD;
	s1 =	sshrl.u32 s1, $0x2  }
0xc0: {  	s3 =	sand.u32 $0x4000, s31;
	s1 =	sadd.s32 s1, s30  }
0xc1: {  	s0 =	sor.u32 s3, s0;
	s1 =	sshll.u32 s1, $0x11  }
0xc2: {  	s0 =	sor.u32 s1, s0  }
0xc3: {  	s0 =	sadd.s32 $0x8F2B, s0  }
0xc4: {  	[sflag:s0] =	ssyncadd.remote.s32 $0x1  }
0xc5: {  	_ =	sfence.sel $0xFFFF  }
0xc6: {  	[dreg:$0x0] =	wrdreg $0xFFFFFFFF;
	(pc) =	sbr.abs _section_cstart, $3  }
0xc7: {  	[dreg:$0x1] =	wrdreg $0xFFFFFFFF  }
0xc8: {  	_ =	task.clear_ibuf [dreg:s11], $0x2FFFF;
	_ =	strace $0x9FFFFFFF  }
0xc9: {  	(tm) =	ssettm $0x7FFFFFFF  }
tec
execute0_lowered:
.L_overlay_start_1:
0x0: {  	(tag) =	ssettag $0x1  }
0x1: {  	s0 =	rddreg [dreg:$0x0]  }
0x2: {  	s2 =	rddreg [dreg:$0x2]  }
0x3: {  	s1 =	srdreg.scid;
	s4 =	rddreg [dreg:$0x3]  }
0x4: {  	s6 =	stileid.u32;
	s9 =	rddreg [dreg:$0x4]  }
0x5: {  	s15 =	simm.s32 $0x2;
	s16 =	simm.s32 $0x380;
	s20 =	simm.s32 $0x2380  }
0x6: {  	s24 =	simm.s32 $0x4380;
	s25 =	simm.s32 $0x4B80;
	s28 =	simm.s32 $0x5B80  }
0x7: {  	s29 =	simm.s32 $0x6380;
	s30 =	simm.s32 $0x6B80;
	s31 =	simm.s32 $0x7380  }
0x8: {  	s13 =	simm.s32 $0x4;
	s14 =	simm.s32 $0x5;
	s17 =	simm.s32 $0x0  }
0x9: {  	s1 =	sand.u32 $0x1, s1;
	s3 =	sshll.u32 s6, $0x6;
	s26 =	sshll.u32 s6, $0x9  }
0xa: {  	s8 =	sadd.s32 $0x100, s2;
	s10 =	sadd.s32 $0x100, s4;
	s5 =	sshll.u32 s1, $0x5  }
0xb: {  	s1 =	ssub.s32 $0x2, s1;
	s3 =	sor.u32 s5, s3;
	s5 =	simm.s32 $0x0  }
0xc: {  	v2 =	vlaneseq.u32;
	s7 =	sshrl.u32 s1, $0x1;
	s6 =	sor.u32 s26, s3;
	[smem:$0x7FF] =	sst s5  }
0xd: {  	v1 =	vshrl.u32 v2, $0x3;
	s1 =	ssub.s32 s1, s7;
	s3 =	sshll.u32 s3, $0x6;
	s26 =	simm.s32 $0x5380  }
0xe: {  	v0 =	vand.u32 $0x7, v2;
	v62 =	vmul.u32 $0x8, v1;
	s6 =	sand.u32 $0x1C60, s6;
	_ =	strace $0x80000047;
	s9 =	sadd.s32 s9, s3  }
0xf: {  	s12 =	smax.u32 s1, $0x1;
	[tilespmem:$0x1FFD0] =	vst v0;
	s3 =	simm.s32 $0x7B80;
	s6 =	sshrl.u32 s6, $0x3  }
0x10: {  	v63 =	vor.u32 $0x8, v2;
	s1 =	simm.s32 $0x3;
	[tilespmem:$0x1FFE0] =	vst v62;
	s11 =	sadd.s32 $0x400, s9;
	s0 =	sadd.s32 s6, s0  }
0x11: {  	vm0 =	vmmov $0xffff;
	[tilespmem:$0x1FFF0] =	vst v63;
	s6 =	sadd.s32 $0x1800, s0;
	s7 =	sadd.s32 $0x1810, s0;
	s0 =	simm.s32 $0x1  }
.LBB2_1:
0x12: {  	s18 =	rddreg [dreg:$0x1];
	s19 =	simm.s32 $0x180  }
0x13: {  	[tilespmem:s19], [sflag:$0x1] =	stream.linear.gather [hbm4b:s18+s5], $0x200, $0x38;
	[tilespmem:$0x8380] =	vst v63  }
0x14: {  	_ = 	snop  }
0x15: {  	[tilespmem:s5], [sflag:$0x2] =	stream.linear.gather [hbm4b:s6+s5], $0x20, $0x38;
	[tilespmem:$0x8380] =	vst v63  }
0x16: {  	s23 =	simm.s32 $0x80  }
0x17: {  	[tilespmem:s23], [sflag:$0x2] =	stream.linear.gather [hbm4b:s7+s5], $0x20, $0x38;
	[tilespmem:$0x8380] =	vst v63  }
0x18: {  	_ =	swait.ge [sflag:s15], $0x20  }
0x19: {  	[sflag:s15] =	ssyncset.done $0x0  }
0x1a: {  	[sflag:s15] =	ssyncadd.s32 $0xFFFFFFE0  }
0x1b: {  	_ =	swait.ge [sflag:s15], $0x20  }
0x1c: {  	[sflag:s15] =	ssyncset.done $0x0  }
0x1d: {  	[sflag:s15] =	ssyncadd.s32 $0xFFFFFFE0  }
0x1e: {  	v3 =	vld [tilespmem:$0x80];
	_ =	sdelay $0x1  }
0x1f: {  	v0 =	vld [tilespmem:$0x1FFD0]  }
0x20: {  	v1 =	vld [tilespmem:$0x1FFE0]  }
0x21: {  	v2 =	vld [tilespmem:$0x1FFF0]  }
0x22: {  	v4 =	vld [tilespmem:$0x0];
	v5 =	vshll.u32 v3, $0x2  }
0x23: {  	v6 =	vld [tilespmem:$0x80];
	v3 =	vand.u32 $0x7, v3;
	v5 =	vand.u32 $0xFFFFFFE0, v5  }
0x24: {  	v7 =	vld [tilespmem:$0x10];
	v3 =	vor.u32 v3, v5  }
0x25: {  	v53 =	vld [tilespmem:$0x90];
	v8 =	vperm.xlane v3, v0;
	_ =	sdelay $0x1  }
0x26: {  	v8 =	vadd.s32 v1, v8  }
0x27: {  	v4 =	vshll.u32 v4, $0x9  }
0x28: {  	v54 =	vshll.u32 v7, $0x9;
	v4 =	vadd.s32 v6, v4;
	v3 =	vperm.xlane v3, v2  }
0x29: {  	v55 =	vadd.s32 v53, v54;
	[tilespmem:$0x100] =	vst v4  }
0x2a: {  	[tilespmem:$0x110] =	vst v55;
	v3 =	vadd.s32 v1, v3  }
0x2b: {  	[tilespmem:s16], [sflag:$0x3] =	stream.indirect_vreg.gather [hbm4b:s2+s5], $0x80, v8, vm0, $0xb8;
	[tilespmem:$0x8380] =	vst v63  }
0x2c: {  	s19 =	simm.s32 $0xB80  }
0x2d: {  	[tilespmem:s19], [sflag:$0x3] =	stream.indirect_vreg.gather [hbm4b:s8+s5], $0x80, v8, vm0, $0xb8;
	[tilespmem:$0x8380] =	vst v63  }
0x2e: {  	s21 =	simm.s32 $0x1380  }
0x2f: {  	[tilespmem:s21], [sflag:$0x3] =	stream.indirect_vreg.gather [hbm4b:s2+s5], $0x80, v3, vm0, $0xb8;
	[tilespmem:$0x8380] =	vst v63  }
0x30: {  	s22 =	simm.s32 $0x1B80  }
0x31: {  	[tilespmem:s22], [sflag:$0x3] =	stream.indirect_vreg.gather [hbm4b:s8+s5], $0x80, v3, vm0, $0xb8;
	[tilespmem:$0x8380] =	vst v63  }
0x32: {  	v3 =	vld [tilespmem:$0x90];
	_ =	sdelay $0x4  }
0x33: {  	v56 =	vshll.u32 v3, $0x2  }
0x34: {  	v3 =	vand.u32 $0x7, v3;
	v4 =	vand.u32 $0xFFFFFFE0, v56  }
0x35: {  	v3 =	vor.u32 v3, v4  }
0x36: {  	v4 =	vperm.xlane v3, v0;
	_ =	sdelay $0x1  }
0x37: {  	v4 =	vadd.s32 v1, v4;
	_ =	sdelay $0x1  }
0x38: {  	v3 =	vperm.xlane v3, v2;
	_ =	sdelay $0x1  }
0x39: {  	v3 =	vadd.s32 v1, v3  }
0x3a: {  	[tilespmem:s20], [sflag:$0x3] =	stream.indirect_vreg.gather [hbm4b:s2+s5], $0x80, v4, vm0, $0xb8;
	[tilespmem:$0x8380] =	vst v63  }
0x3b: {  	s23 =	simm.s32 $0x2B80  }
0x3c: {  	[tilespmem:s23], [sflag:$0x3] =	stream.indirect_vreg.gather [hbm4b:s8+s5], $0x80, v4, vm0, $0xb8;
	[tilespmem:$0x8380] =	vst v63  }
0x3d: {  	s19 =	simm.s32 $0x3380  }
0x3e: {  	[tilespmem:s19], [sflag:$0x3] =	stream.indirect_vreg.gather [hbm4b:s2+s5], $0x80, v3, vm0, $0xb8;
	[tilespmem:$0x8380] =	vst v63  }
0x3f: {  	s21 =	simm.s32 $0x3B80  }
0x40: {  	[tilespmem:s21], [sflag:$0x3] =	stream.indirect_vreg.gather [hbm4b:s8+s5], $0x80, v3, vm0, $0xb8;
	[tilespmem:$0x8380] =	vst v63  }
0x41: {  	v3 =	vld [tilespmem:$0x100];
	_ =	sdelay $0x4  }
0x42: {  	v57 =	vshll.u32 v3, $0x2  }
0x43: {  	v3 =	vand.u32 $0x7, v3;
	v4 =	vand.u32 $0xFFFFFFE0, v57  }
0x44: {  	v3 =	vor.u32 v3, v4  }
0x45: {  	v4 =	vperm.xlane v3, v0;
	_ =	sdelay $0x1  }
0x46: {  	v4 =	vadd.s32 v1, v4;
	_ =	sdelay $0x1  }
0x47: {  	v3 =	vperm.xlane v3, v2;
	_ =	sdelay $0x1  }
0x48: {  	v3 =	vadd.s32 v1, v3  }
0x49: {  	[tilespmem:s24], [sflag:$0x4] =	stream.indirect_vreg.gather [hbm4b:s4+s5], $0x80, v4, vm0, $0xb8;
	[tilespmem:$0x8380] =	vst v63  }
0x4a: {  	_ = 	snop  }
0x4b: {  	[tilespmem:s25], [sflag:$0x4] =	stream.indirect_vreg.gather [hbm4b:s10+s5], $0x80, v4, vm0, $0xb8;
	[tilespmem:$0x8380] =	vst v63  }
0x4c: {  	_ = 	snop  }
0x4d: {  	[tilespmem:s26], [sflag:$0x4] =	stream.indirect_vreg.gather [hbm4b:s4+s5], $0x80, v3, vm0, $0xb8;
	[tilespmem:$0x8380] =	vst v63  }
0x4e: {  	_ = 	snop  }
0x4f: {  	[tilespmem:s28], [sflag:$0x4] =	stream.indirect_vreg.gather [hbm4b:s10+s5], $0x80, v3, vm0, $0xb8;
	[tilespmem:$0x8380] =	vst v63  }
0x50: {  	v3 =	vld [tilespmem:$0x110];
	_ =	sdelay $0x4  }
0x51: {  	v58 =	vshll.u32 v3, $0x2  }
0x52: {  	v3 =	vand.u32 $0x7, v3;
	v4 =	vand.u32 $0xFFFFFFE0, v58  }
0x53: {  	v3 =	vor.u32 v3, v4  }
0x54: {  	v4 =	vperm.xlane v3, v0;
	_ =	sdelay $0x1  }
0x55: {  	v4 =	vadd.s32 v1, v4;
	_ =	sdelay $0x1  }
0x56: {  	v3 =	vperm.xlane v3, v2;
	_ =	sdelay $0x1  }
0x57: {  	v3 =	vadd.s32 v1, v3  }
0x58: {  	[tilespmem:s29], [sflag:$0x4] =	stream.indirect_vreg.gather [hbm4b:s4+s5], $0x80, v4, vm0, $0xb8;
	[tilespmem:$0x8380] =	vst v63  }
0x59: {  	_ = 	snop  }
0x5a: {  	[tilespmem:s30], [sflag:$0x4] =	stream.indirect_vreg.gather [hbm4b:s10+s5], $0x80, v4, vm0, $0xb8;
	[tilespmem:$0x8380] =	vst v63  }
0x5b: {  	_ = 	snop  }
0x5c: {  	[tilespmem:s31], [sflag:$0x4] =	stream.indirect_vreg.gather [hbm4b:s4+s5], $0x80, v3, vm0, $0xb8;
	[tilespmem:$0x8380] =	vst v63  }
0x5d: {  	_ = 	snop  }
0x5e: {  	[tilespmem:s3], [sflag:$0x4] =	stream.indirect_vreg.gather [hbm4b:s10+s5], $0x80, v3, vm0, $0xb8;
	[tilespmem:$0x8380] =	vst v63  }
0x5f: {  	_ =	swait.ge [sflag:s0], $0x200  }
0x60: {  	[sflag:s0] =	ssyncset.done $0x0  }
0x61: {  	[sflag:s0] =	ssyncadd.s32 $0xFFFFFE00  }
0x62: {  	v59 =	vld [tilespmem:$0x180]  }
0x63: {  	v60 =	vld [tilespmem:$0x190]  }
0x64: {  	v61 =	vld [tilespmem:$0x1A0]  }
0x65: {  	v62 =	vld [tilespmem:$0x1B0]  }
0x66: {  	v63 =	vld [tilespmem:$0x1C0]  }
0x67: {  	v8 =	vld [tilespmem:$0x1D0]  }
0x68: {  	v10 =	vld [tilespmem:$0x1E0]  }
0x69: {  	v11 =	vld [tilespmem:$0x1F0]  }
0x6a: {  	v13 =	vld [tilespmem:$0x200]  }
0x6b: {  	v14 =	vld [tilespmem:$0x210]  }
0x6c: {  	v16 =	vld [tilespmem:$0x220]  }
0x6d: {  	v18 =	vld [tilespmem:$0x230]  }
0x6e: {  	v19 =	vld [tilespmem:$0x240]  }
0x6f: {  	v21 =	vld [tilespmem:$0x250]  }
0x70: {  	v22 =	vld [tilespmem:$0x260]  }
0x71: {  	v24 =	vld [tilespmem:$0x270]  }
0x72: {  	v25 =	vld [tilespmem:$0x280]  }
0x73: {  	v27 =	vld [tilespmem:$0x290]  }
0x74: {  	v29 =	vld [tilespmem:$0x2A0]  }
0x75: {  	v30 =	vld [tilespmem:$0x2B0]  }
0x76: {  	v31 =	vld [tilespmem:$0x2C0]  }
0x77: {  	v33 =	vld [tilespmem:$0x2D0]  }
0x78: {  	v34 =	vld [tilespmem:$0x2E0]  }
0x79: {  	v35 =	vld [tilespmem:$0x2F0]  }
0x7a: {  	v36 =	vld [tilespmem:$0x300]  }
0x7b: {  	v37 =	vld [tilespmem:$0x310]  }
0x7c: {  	v38 =	vld [tilespmem:$0x320]  }
0x7d: {  	v39 =	vld [tilespmem:$0x330]  }
0x7e: {  	v40 =	vld [tilespmem:$0x340]  }
0x7f: {  	v41 =	vld [tilespmem:$0x350]  }
0x80: {  	v42 =	vld [tilespmem:$0x360]  }
0x81: {  	v43 =	vld [tilespmem:$0x370];
	_ =	swait.ge [sflag:s1], $0x4000  }
0x82: {  	[sflag:s1] =	ssyncset.done $0x0  }
0x83: {  	[sflag:s1] =	ssyncadd.s32 $0xFFFFC000  }
0x84: {  	_ =	swait.ge [sflag:s13], $0x4000  }
0x85: {  	s22 =	sand.u32 $0x1000, s5;
	s23 =	sand.u32 $0x380, s5;
	[sflag:s13] =	ssyncset.done $0x0  }
0x86: {  	s18 =	sor.u32 s23, s22;
	[sflag:s13] =	ssyncadd.s32 $0xFFFFC000  }
0x87: {  	v9 =	vmul.f32 $9.999999770e-03, v8;
	v8 =	vld [tilespmem:s18+$0x47C0];
	_ =	sdelay $0x4  }
0x88: {  	[tilespmem:$0x1FF60] =	vst v8;
	v8 =	vmul.f32 $9.999999770e-03, v18;
	_ =	sdelay $0x1  }
0x89: {  	v44 =	vld [tilespmem:s18+$0x4380];
	[tilespmem:$0x1FF70] =	vst v8;
	v8 =	vmul.f32 $9.999999770e-03, v19  }
0x8a: {  	v45 =	vld [tilespmem:s18+$0x4390]  }
0x8b: {  	v46 =	vld [tilespmem:s18+$0x43A0];
	[tilespmem:$0x1FF80] =	vst v8;
	v8 =	vmul.f32 $9.999999770e-03, v21  }
0x8c: {  	v47 =	vld [tilespmem:s18+$0x43B0]  }
0x8d: {  	v48 =	vld [tilespmem:s18+$0x43C0];
	[tilespmem:$0x1FF90] =	vst v8;
	v8 =	vmul.f32 $9.999999770e-03, v22  }
0x8e: {  	v49 =	vld [tilespmem:s18+$0x43D0]  }
0x8f: {  	v50 =	vld [tilespmem:s18+$0x43E0];
	[tilespmem:$0x1FFA0] =	vst v8;
	v8 =	vmul.f32 $9.999999770e-03, v24  }
0x90: {  	v1 =	vld [tilespmem:s18+$0x43F0]  }
0x91: {  	v2 =	vld [tilespmem:s18+$0x4780];
	[tilespmem:$0x1FFB0] =	vst v8;
	v8 =	vmul.f32 $9.999999770e-03, v25  }
0x92: {  	v0 =	vld [tilespmem:s18+$0x4790]  }
0x93: {  	v17 =	vld [tilespmem:s18+$0x47A0];
	[tilespmem:$0x1FFC0] =	vst v8;
	v8 =	vmul.f32 $9.999999770e-03, v36  }
0x94: {  	v55 =	vld [tilespmem:s18+$0x47B0]  }
0x95: {  	v57 =	vld [tilespmem:s18+$0x47D0];
	[tilespmem:$0x1FEE0] =	vst v8;
	v8 =	vmul.f32 $9.999999770e-03, v37  }
0x96: {  	v58 =	vld [tilespmem:s18+$0x47E0]  }
0x97: {  	v26 =	vmul.f32 $9.999999770e-03, v16;
	v16 =	vld [tilespmem:s18+$0x47F0];
	[tilespmem:$0x1FEF0] =	vst v8;
	v8 =	vmul.f32 $9.999999770e-03, v38  }
0x98: {  	v15 =	vld [tilespmem:s18+$0x4B80]  }
0x99: {  	v5 =	vmul.f32 $9.999999770e-03, v61;
	v61 =	vld [tilespmem:s18+$0x4B90];
	[tilespmem:$0x1FF00] =	vst v8;
	v8 =	vmul.f32 $9.999999770e-03, v39  }
0x9a: {  	v6 =	vmul.f32 $9.999999770e-03, v62;
	v62 =	vld [tilespmem:s18+$0x4BA0]  }
0x9b: {  	v7 =	vmul.f32 $9.999999770e-03, v63;
	v63 =	vld [tilespmem:s18+$0x4BB0];
	[tilespmem:$0x1FF10] =	vst v8;
	v8 =	vmul.f32 $9.999999770e-03, v40  }
0x9c: {  	v54 =	vld [tilespmem:s18+$0x4BC0]  }
0x9d: {  	v56 =	vld [tilespmem:s18+$0x4BD0];
	[tilespmem:$0x1FF20] =	vst v8;
	v8 =	vmul.f32 $9.999999770e-03, v41  }
0x9e: {  	v32 =	vmul.f32 $9.999999770e-03, v31;
	v31 =	vmul.f32 $9.999999770e-03, v35;
	v35 =	vld [tilespmem:s18+$0x390]  }
0x9f: {  	v3 =	vmul.f32 $9.999999770e-03, v59;
	v59 =	vld [tilespmem:s18+$0x4BE0];
	[tilespmem:$0x1FF30] =	vst v8;
	v8 =	vmul.f32 $9.999999770e-03, v42  }
0xa0: {  	v4 =	vmul.f32 $9.999999770e-03, v60;
	v41 =	vmul.f32 $6.000000240e-01, v45;
	v45 =	vld [tilespmem:s18+$0x3C0]  }
0xa1: {  	v10 =	vmul.f32 $9.999999770e-03, v10;
	[tilespmem:$0x1FF40] =	vst v8;
	v8 =	vmul.f32 $9.999999770e-03, v43;
	v43 =	vld [tilespmem:s18+$0x3A0]  }
0xa2: {  	v60 =	vmul.f32 $9.999999770e-03, v11;
	v23 =	vmul.f32 $9.999999770e-03, v14;
	v37 =	vld [tilespmem:s18+$0x380]  }
0xa3: {  	v52 =	vld [tilespmem:s18+$0x4BF0];
	v51 =	vmul.f32 $6.000000240e-01, v50;
	v38 =	vmul.f32 $3.899999860e-01, v35  }
0xa4: {  	v53 =	vmul.f32 $6.000000240e-01, v1;
	v21 =	vmul.f32 $6.000000240e-01, v2;
	v35 =	vld [tilespmem:s18+$0x3D0]  }
0xa5: {  	v38 =	vadd.f32 v38, v4;
	v40 =	vmul.f32 $6.000000240e-01, v48;
	v42 =	vmul.f32 $6.000000240e-01, v46;
	v46 =	vld [tilespmem:s18+$0x3B0]  }
0xa6: {  	v48 =	vld [tilespmem:s18+$0x4FA0];
	v2 =	vmul.f32 $3.899999860e-01, v45;
	v43 =	vmul.f32 $3.899999860e-01, v43  }
0xa7: {  	v22 =	vmul.f32 $6.000000240e-01, v0;
	v37 =	vmul.f32 $3.899999860e-01, v37;
	v38 =	vadd.f32 v41, v38;
	v41 =	vld [tilespmem:s18+$0x3F0]  }
0xa8: {  	v12 =	vmovc v4;
	v24 =	vmul.f32 $6.000000240e-01, v55;
	v2 =	vadd.f32 v2, v7;
	v4 =	vadd.f32 v43, v5;
	v43 =	vld [tilespmem:s18+$0x3E0]  }
0xa9: {  	v50 =	vld [tilespmem:s18+$0x4F90];
	v39 =	vmul.f32 $6.000000240e-01, v44;
	v44 =	vmul.f32 $6.000000240e-01, v47;
	v37 =	vadd.f32 v37, v3  }
0xaa: {  	v1 =	vmul.f32 $3.899999860e-01, v35;
	v46 =	vmul.f32 $3.899999860e-01, v46;
	v35 =	vadd.f32 v40, v2;
	v2 =	vld [tilespmem:s18+$0x790]  }
0xab: {  	v11 =	vmov v3;
	v0 =	vld [tilespmem:s18+$0x780];
	v47 =	vmul.f32 $6.000000240e-01, v49;
	v3 =	vmul.f32 $6.000000240e-01, v15  }
0xac: {  	v55 =	vld [tilespmem:s18+$0x4FB0];
	v37 =	vadd.f32 v39, v37;
	[tilespmem:s18+$0x390] =	vst v38;
	v38 =	vmul.f32 $6.000000240e-01, v48;
	v39 =	vadd.f32 v46, v6  }
0xad: {  	v14 =	vmovc v6;
	v49 =	vld [tilespmem:s18+$0x4F80];
	v15 =	vmovc v7;
	v1 =	vadd.f32 v1, v9;
	v7 =	vmul.f32 $3.899999860e-01, v41;
	v6 =	vmul.f32 $3.899999860e-01, v43  }
0xae: {  	v48 =	vld [tilespmem:s18+$0x7D0];
	v41 =	vmul.f32 $6.000000240e-01, v52;
	v44 =	vadd.f32 v44, v39;
	v36 =	vadd.f32 v42, v4  }
0xaf: {  	v52 =	vld [tilespmem:s18+$0x7B0];
	v42 =	vmul.f32 $6.000000240e-01, v59;
	v2 =	vmul.f32 $3.899999860e-01, v2;
	v59 =	vadd.f32 v6, v10  }
0xb0: {  	v1 =	vadd.f32 v47, v1;
	v43 =	vmul.f32 $6.000000240e-01, v56;
	v56 =	vld [tilespmem:s18+$0x7A0]  }
0xb1: {  	[tilespmem:s18+$0x3B0] =	vst v44;
	v44 =	vld [tilespmem:$0x1FF70];
	v6 =	vadd.f32 v51, v59;
	v59 =	vadd.f32 v2, v23  }
0xb2: {  	v45 =	vld [tilespmem:s18+$0x4FC0]  }
0xb3: {  	v20 =	vmul.f32 $9.999999770e-03, v13;
	[tilespmem:s18+$0x3D0] =	vst v1;
	v1 =	vadd.f32 v22, v59;
	v59 =	vld [tilespmem:$0x1FF90]  }
0xb4: {  	v28 =	vmul.f32 $9.999999770e-03, v27;
	v18 =	vmovc v60;
	v46 =	vld [tilespmem:s18+$0x4FD0];
	v47 =	vadd.f32 v7, v60;
	v60 =	vmul.f32 $3.899999860e-01, v52  }
0xb5: {  	v29 =	vmul.f32 $9.999999770e-03, v29;
	v13 =	vmov v5;
	v5 =	vld [tilespmem:$0x1FF60];
	v56 =	vmul.f32 $3.899999860e-01, v56  }
0xb6: {  	v57 =	vmul.f32 $6.000000240e-01, v57;
	v52 =	vmul.f32 $3.899999860e-01, v48;
	v4 =	vld [tilespmem:s18+$0x7C0];
	v2 =	vadd.f32 v60, v44  }
0xb7: {  	v7 =	vadd.f32 v53, v47;
	[tilespmem:s18+$0x3C0] =	vst v35;
	v35 =	vmul.f32 $6.000000240e-01, v45;
	v53 =	vld [tilespmem:$0x1FF80];
	v45 =	vadd.f32 v56, v26  }
0xb8: {  	v0 =	vmul.f32 $3.899999860e-01, v0;
	v51 =	vld [tilespmem:s18+$0x7F0];
	v56 =	vadd.f32 v24, v2;
	v2 =	vadd.f32 v52, v59  }
0xb9: {  	v30 =	vmul.f32 $9.999999770e-03, v30;
	v33 =	vmul.f32 $9.999999770e-03, v33;
	v47 =	vld [tilespmem:s18+$0x7E0]  }
0xba: {  	v0 =	vadd.f32 v0, v20;
	v40 =	vmul.f32 $6.000000240e-01, v49;
	[tilespmem:s18+$0x7B0] =	vst v56;
	v56 =	vadd.f32 v57, v2;
	v57 =	vld [tilespmem:$0x1FFB0]  }
0xbb: {  	v39 =	vmul.f32 $6.000000240e-01, v50;
	v50 =	vld [tilespmem:s18+$0xB90];
	v49 =	vmul.f32 $3.899999860e-01, v4  }
0xbc: {  	v34 =	vmul.f32 $9.999999770e-03, v34;
	v19 =	vmovc v20;
	v0 =	vadd.f32 v21, v0;
	[tilespmem:s18+$0x3A0] =	vst v36;
	v36 =	vmul.f32 $6.000000240e-01, v46;
	v46 =	vld [tilespmem:s18+$0xB80]  }
0xbd: {  	v20 =	vmovc v23;
	[tilespmem:s18+$0x380] =	vst v37;
	v37 =	vmul.f32 $6.000000240e-01, v55;
	v23 =	vmovc v53;
	v55 =	vadd.f32 v49, v53;
	v53 =	vld [tilespmem:$0x1FFA0];
	v60 =	vmul.f32 $3.899999860e-01, v51  }
0xbe: {  	v58 =	vmul.f32 $6.000000240e-01, v58;
	v61 =	vmul.f32 $6.000000240e-01, v61;
	[tilespmem:s18+$0x780] =	vst v0;
	v48 =	vld [tilespmem:s18+$0xBA0]  }
0xbf: {  	v62 =	vmul.f32 $6.000000240e-01, v62;
	v25 =	vmul.f32 $6.000000240e-01, v17;
	[tilespmem:$0x1FF50] =	vst v8;
	v2 =	vadd.f32 v60, v57;
	v60 =	vld [tilespmem:$0x1FFC0]  }
0xc0: {  	[tilespmem:s18+$0x3F0] =	vst v7;
	v8 =	vmul.f32 $6.000000240e-01, v5;
	v47 =	vmul.f32 $3.899999860e-01, v47;
	v49 =	vld [tilespmem:s18+$0xBB0]  }
0xc1: {  	v63 =	vmul.f32 $6.000000240e-01, v63;
	v46 =	vmul.f32 $3.899999860e-01, v46;
	[tilespmem:s18+$0x3E0] =	vst v6;
	v0 =	vadd.f32 v25, v45;
	v51 =	vld [tilespmem:s18+$0xBC0]  }
0xc2: {  	[tilespmem:s18+$0x790] =	vst v1;
	v24 =	vmovc v59;
	v52 =	vadd.f32 v8, v55;
	v55 =	vadd.f32 v47, v53;
	v59 =	vmul.f32 $3.899999860e-01, v50;
	v50 =	vld [tilespmem:s18+$0xBE0]  }
0xc3: {  	v54 =	vmul.f32 $6.000000240e-01, v54;
	v21 =	vmovc v26;
	v5 =	vmul.f32 $6.000000240e-01, v16;
	v25 =	vmov v53;
	[tilespmem:s18+$0x7A0] =	vst v0;
	v47 =	vld [tilespmem:s18+$0xBD0]  }
0xc4: {  	v53 =	vld [tilespmem:s18+$0xBF0];
	[tilespmem:s18+$0x7C0] =	vst v52;
	v0 =	vadd.f32 v58, v55;
	v26 =	vmovc v57;
	v57 =	vmul.f32 $3.899999860e-01, v48;
	v7 =	vadd.f32 v46, v60  }
0xc5: {  	v59 =	vadd.f32 v59, v28;
	v55 =	vld [tilespmem:s18+$0xF80];
	[tilespmem:s18+$0x7D0] =	vst v56;
	v58 =	vadd.f32 v5, v2;
	v27 =	vmovc v60;
	v60 =	vmul.f32 $3.899999860e-01, v49  }
0xc6: {  	v22 =	vmovc v44;
	v44 =	vld [tilespmem:s18+$0xFD0];
	v6 =	vmul.f32 $3.899999860e-01, v51;
	[tilespmem:s18+$0x7E0] =	vst v0;
	v5 =	vadd.f32 v57, v29;
	v4 =	vadd.f32 v3, v7  }
0xc7: {  	v45 =	vld [tilespmem:s18+$0xFC0];
	v50 =	vmul.f32 $3.899999860e-01, v50;
	[tilespmem:s18+$0x7F0] =	vst v58;
	v7 =	vadd.f32 v61, v59;
	v52 =	vadd.f32 v60, v30  }
0xc8: {  	v48 =	vld [tilespmem:s18+$0xF90];
	v60 =	vmul.f32 $3.899999860e-01, v47;
	v61 =	vadd.f32 v62, v5;
	v62 =	vadd.f32 v6, v32;
	[tilespmem:s18+$0xB80] =	vst v4  }
0xc9: {  	v17 =	vmovc v10;
	v46 =	vld [tilespmem:s18+$0xFB0];
	v49 =	vmul.f32 $3.899999860e-01, v53;
	v53 =	vadd.f32 v50, v34;
	[tilespmem:s18+$0xB90] =	vst v7;
	v51 =	vadd.f32 v63, v52  }
0xca: {  	s19 =	simm.s32 $0x200;
	s21 =	simm.s32 $0x0;
	v16 =	vmovc v9;
	v50 =	vmul.f32 $3.899999860e-01, v55;
	v47 =	vld [tilespmem:s18+$0xFA0];
	v52 =	vadd.f32 v60, v33;
	[tilespmem:s18+$0xBA0] =	vst v61;
	v54 =	vadd.f32 v54, v62  }
.LBB2_2:
0xcb: {  	v3 =	vld [tilespmem:$0x1FEE0]  }
0xcc: {  	v55 =	vld [tilespmem:s18+$0xFF0]  }
0xcd: {  	v57 =	vld [tilespmem:$0x1FEF0]  }
0xce: {  	v59 =	vld [tilespmem:s18+$0x4FE0]  }
0xcf: {  	v60 =	vld [tilespmem:$0x1FF00]  }
0xd0: {  	v62 =	vld [tilespmem:s18+$0x4FF0]  }
0xd1: {  	v6 =	vld [tilespmem:$0x1FF10]  }
0xd2: {  	v0 =	vadd.f32 v43, v52;
	v1 =	vadd.f32 v49, v31;
	v52 =	vld [tilespmem:s18+$0xFE0]  }
0xd3: {  	[tilespmem:s18+$0xBC0] =	vst v54;
	v42 =	vadd.f32 v42, v53;
	v2 =	vmul.f32 $3.899999860e-01, v48;
	v48 =	vld [tilespmem:$0x1FF20];
	v54 =	vadd.f32 v50, v3  }
0xd4: {  	s21 =	sadd.s32 $0x80, s21;
	[tilespmem:s18+$0xBB0] =	vst v51;
	v53 =	vld [tilespmem:$0x1FF30];
	v56 =	vadd.f32 v41, v1;
	v47 =	vmul.f32 $3.899999860e-01, v47;
	v58 =	vmul.f32 $3.899999860e-01, v46  }
0xd5: {  	s22 =	sand.u32 $0x1000, s19;
	s23 =	sand.u32 $0x380, s21;
	[tilespmem:s18+$0xBD0] =	vst v0;
	v1 =	vadd.f32 v2, v57;
	v40 =	vadd.f32 v40, v54;
	v54 =	vmul.f32 $3.899999860e-01, v55;
	v55 =	vld [tilespmem:$0x1FF40]  }
0xd6: {  	s22 =	sor.u32 s23, s22;
	[tilespmem:s18+$0xBE0] =	vst v42;
	v45 =	vmul.f32 $3.899999860e-01, v45;
	v61 =	vadd.f32 v47, v60;
	v57 =	vmul.f32 $6.000000240e-01, v59;
	v59 =	vld [tilespmem:$0x1FF50]  }
0xd7: {  	v7 =	vmul.f32 $3.899999860e-01, v44;
	v47 =	vld [tilespmem:s22+$0x4380];
	[tilespmem:s18+$0xBF0] =	vst v56;
	v63 =	vadd.f32 v39, v1;
	v1 =	vadd.f32 v58, v6  }
0xd8: {  	v51 =	vmul.f32 $3.899999860e-01, v52;
	v39 =	vld [tilespmem:s22+$0x4390];
	v38 =	vadd.f32 v38, v61;
	[tilespmem:s18+$0xF80] =	vst v40;
	v50 =	vadd.f32 v45, v48  }
0xd9: {  	v43 =	vld [tilespmem:s22+$0x43A0];
	[tilespmem:s18+$0xF90] =	vst v63;
	v52 =	vadd.f32 v37, v1;
	v1 =	vadd.f32 v7, v53  }
0xda: {  	v37 =	vld [tilespmem:s22+$0x43B0];
	[tilespmem:s18+$0xFA0] =	vst v38;
	v35 =	vadd.f32 v35, v50;
	v56 =	vadd.f32 v51, v55  }
0xdb: {  	v60 =	vmul.f32 $6.000000240e-01, v62;
	v41 =	vld [tilespmem:s22+$0x43C0];
	[tilespmem:s18+$0xFB0] =	vst v52;
	v58 =	vadd.f32 v36, v1;
	v1 =	vadd.f32 v54, v59  }
0xdc: {  	v61 =	vld [tilespmem:s22+$0x43D0];
	[tilespmem:s18+$0xFC0] =	vst v35;
	v62 =	vadd.f32 v57, v56  }
0xdd: {  	v38 =	vld [tilespmem:s22+$0x43E0];
	[tilespmem:s18+$0xFD0] =	vst v58;
	v63 =	vadd.f32 v60, v1  }
0xde: {  	v4 =	vld [tilespmem:s22+$0x43F0];
	[tilespmem:s18+$0xFE0] =	vst v62  }
0xdf: {  	v5 =	vld [tilespmem:s22+$0x4780];
	[tilespmem:s18+$0xFF0] =	vst v63;
	s18 =	smov.u32 s22  }
0xe0: {  	v0 =	vld [tilespmem:s18+$0x4790]  }
0xe1: {  	v35 =	vld [tilespmem:s18+$0x47A0]  }
0xe2: {  	v6 =	vld [tilespmem:s18+$0x47B0]  }
0xe3: {  	v7 =	vld [tilespmem:s18+$0x47C0]  }
0xe4: {  	v44 =	vld [tilespmem:s18+$0x47D0]  }
0xe5: {  	v45 =	vld [tilespmem:s18+$0x47E0]  }
0xe6: {  	v46 =	vld [tilespmem:s18+$0x47F0]  }
0xe7: {  	v48 =	vld [tilespmem:s18+$0x4B80]  }
0xe8: {  	v50 =	vld [tilespmem:s18+$0x4B90]  }
0xe9: {  	v51 =	vld [tilespmem:s18+$0x4BA0]  }
0xea: {  	v52 =	vld [tilespmem:s18+$0x4BB0]  }
0xeb: {  	v53 =	vld [tilespmem:s18+$0x4BC0]  }
0xec: {  	v54 =	vld [tilespmem:s18+$0x4BD0]  }
0xed: {  	v56 =	vmul.f32 $6.000000240e-01, v39;
	v39 =	vld [tilespmem:s18+$0x4BE0]  }
0xee: {  	v55 =	vmul.f32 $6.000000240e-01, v47;
	v58 =	vmul.f32 $6.000000240e-01, v37;
	v37 =	vld [tilespmem:s18+$0x4BF0]  }
0xef: {  	v57 =	vmul.f32 $6.000000240e-01, v43;
	v59 =	vmul.f32 $6.000000240e-01, v41;
	v36 =	vld [tilespmem:s18+$0x4F80]  }
0xf0: {  	v60 =	vmul.f32 $6.000000240e-01, v61;
	v62 =	vld [tilespmem:s18+$0x4FA0];
	v61 =	vmul.f32 $6.000000240e-01, v38  }
0xf1: {  	v8 =	vld [tilespmem:s18+$0x4FD0];
	v1 =	vmul.f32 $6.000000240e-01, v4;
	v2 =	vmul.f32 $6.000000240e-01, v5  }
0xf2: {  	v9 =	vld [tilespmem:s18+$0x380];
	v0 =	vmul.f32 $6.000000240e-01, v0;
	v63 =	vmul.f32 $6.000000240e-01, v35  }
0xf3: {  	v38 =	vld [tilespmem:s18+$0x4F90];
	v3 =	vmul.f32 $6.000000240e-01, v6;
	v4 =	vmul.f32 $6.000000240e-01, v7  }
0xf4: {  	v35 =	vld [tilespmem:s18+$0x4FB0];
	v5 =	vmul.f32 $6.000000240e-01, v44;
	v7 =	vmul.f32 $6.000000240e-01, v45  }
0xf5: {  	v6 =	vld [tilespmem:s18+$0x4FC0];
	v49 =	vmul.f32 $6.000000240e-01, v46;
	v47 =	vmul.f32 $6.000000240e-01, v50  }
0xf6: {  	v50 =	vld [tilespmem:s18+$0x390];
	v46 =	vmul.f32 $6.000000240e-01, v51;
	v45 =	vmul.f32 $6.000000240e-01, v52  }
0xf7: {  	v51 =	vld [tilespmem:s18+$0x3A0];
	v44 =	vmul.f32 $6.000000240e-01, v53;
	v43 =	vmul.f32 $6.000000240e-01, v54  }
0xf8: {  	v52 =	vld [tilespmem:s18+$0x3B0];
	v42 =	vmul.f32 $6.000000240e-01, v39;
	v41 =	vmul.f32 $6.000000240e-01, v37  }
0xf9: {  	v53 =	vld [tilespmem:s18+$0x3C0];
	v40 =	vmul.f32 $6.000000240e-01, v36;
	v9 =	vmul.f32 $3.899999860e-01, v9  }
0xfa: {  	v54 =	vld [tilespmem:s18+$0x3D0];
	v39 =	vmul.f32 $6.000000240e-01, v38;
	v38 =	vmul.f32 $6.000000240e-01, v62  }
0xfb: {  	v36 =	vmul.f32 $3.899999860e-01, v50;
	v50 =	vld [tilespmem:s18+$0x3E0];
	v37 =	vmul.f32 $6.000000240e-01, v35  }
0xfc: {  	v62 =	vld [tilespmem:s18+$0x3F0];
	v9 =	vadd.f32 v9, v11;
	v51 =	vmul.f32 $3.899999860e-01, v51;
	v35 =	vmul.f32 $6.000000240e-01, v6  }
0xfd: {  	v10 =	vld [tilespmem:s18+$0x780];
	v52 =	vmul.f32 $3.899999860e-01, v52;
	v6 =	vadd.f32 v36, v12;
	v36 =	vmul.f32 $6.000000240e-01, v8  }
0xfe: {  	v8 =	vadd.f32 v55, v9;
	v9 =	vadd.f32 v51, v13;
	v51 =	vmul.f32 $3.899999860e-01, v53;
	v53 =	vld [tilespmem:s18+$0x790]  }
0xff: {  	v54 =	vmul.f32 $3.899999860e-01, v54;
	v52 =	vadd.f32 v52, v14;
	v55 =	vld [tilespmem:s18+$0x7A0];
	v6 =	vadd.f32 v56, v6  }
0x100: {  	[tilespmem:s18+$0x380] =	vst v8;
	v8 =	vadd.f32 v57, v9;
	v9 =	vadd.f32 v51, v15;
	v51 =	vld [tilespmem:s18+$0x7B0];
	v50 =	vmul.f32 $3.899999860e-01, v50  }
0x101: {  	v62 =	vmul.f32 $3.899999860e-01, v62;
	v56 =	vld [tilespmem:s18+$0x7C0];
	[tilespmem:s18+$0x390] =	vst v6;
	v6 =	vadd.f32 v58, v52;
	v52 =	vadd.f32 v54, v16  }
0x102: {  	v10 =	vmul.f32 $3.899999860e-01, v10;
	[tilespmem:s18+$0x3A0] =	vst v8;
	v8 =	vadd.f32 v59, v9;
	v9 =	vadd.f32 v50, v17;
	v50 =	vld [tilespmem:s18+$0x7D0]  }
0x103: {  	v62 =	vadd.f32 v62, v18;
	v57 =	vld [tilespmem:s18+$0x7E0];
	v53 =	vmul.f32 $3.899999860e-01, v53;
	v60 =	vadd.f32 v60, v52  }
0x104: {  	v58 =	vld [tilespmem:s18+$0x7F0];
	[tilespmem:s18+$0x3C0] =	vst v8;
	v8 =	vadd.f32 v61, v9;
	v9 =	vadd.f32 v10, v19;
	v10 =	vmul.f32 $3.899999860e-01, v55  }
0x105: {  	v1 =	vadd.f32 v1, v62;
	v59 =	vadd.f32 v53, v20;
	v51 =	vmul.f32 $3.899999860e-01, v51;
	[tilespmem:s18+$0x3D0] =	vst v60;
	v60 =	vld [tilespmem:s18+$0xB80]  }
0x106: {  	[tilespmem:s18+$0x3E0] =	vst v8;
	v2 =	vadd.f32 v2, v9;
	v8 =	vadd.f32 v10, v21;
	v9 =	vmul.f32 $3.899999860e-01, v56;
	v10 =	vld [tilespmem:s18+$0xB90]  }
0x107: {  	[tilespmem:s18+$0x3F0] =	vst v1;
	v0 =	vadd.f32 v0, v59;
	v61 =	vadd.f32 v51, v22;
	v51 =	vld [tilespmem:s18+$0xBB0];
	v62 =	vmul.f32 $3.899999860e-01, v50  }
0x108: {  	[tilespmem:s18+$0x3B0] =	vst v6;
	v50 =	vld [tilespmem:s18+$0xBA0];
	v63 =	vadd.f32 v63, v8;
	v8 =	vadd.f32 v9, v23;
	v9 =	vmul.f32 $3.899999860e-01, v57  }
0x109: {  	v6 =	vld [tilespmem:s18+$0xBC0];
	[tilespmem:s18+$0x780] =	vst v2;
	v54 =	vadd.f32 v3, v61;
	v57 =	vmul.f32 $3.899999860e-01, v58;
	v56 =	vadd.f32 v62, v24  }
0x10a: {  	v48 =	vmul.f32 $6.000000240e-01, v48;
	[tilespmem:s18+$0x790] =	vst v0;
	v58 =	vadd.f32 v4, v8;
	v59 =	vadd.f32 v9, v25  }
0x10b: {  	[tilespmem:s18+$0x7A0] =	vst v63;
	v8 =	vmul.f32 $3.899999860e-01, v60;
	v9 =	vld [tilespmem:s18+$0xBD0];
	v61 =	vadd.f32 v57, v26;
	v60 =	vadd.f32 v5, v56  }
0x10c: {  	[tilespmem:s18+$0x7B0] =	vst v54;
	v62 =	vmul.f32 $3.899999860e-01, v10;
	v5 =	vld [tilespmem:s18+$0xBE0];
	v56 =	vmul.f32 $3.899999860e-01, v51;
	v63 =	vadd.f32 v7, v59  }
0x10d: {  	v10 =	vld [tilespmem:s18+$0xF80];
	[tilespmem:s18+$0x7C0] =	vst v58;
	v52 =	vadd.f32 v8, v27;
	v53 =	vmul.f32 $3.899999860e-01, v50;
	v54 =	vadd.f32 v49, v61  }
0x10e: {  	p0 =	sne.s32 s19, $0x1E00;
	v6 =	vmul.f32 $3.899999860e-01, v6;
	v8 =	vld [tilespmem:s18+$0xBF0];
	[tilespmem:s18+$0x7D0] =	vst v60;
	v55 =	vadd.f32 v62, v28;
	v60 =	vadd.f32 v56, v30  }
.Ltmp0:
0x10f: {  	[tilespmem:s18+$0x7E0] =	vst v63;
	v57 =	vadd.f32 v48, v52;
	v58 =	vadd.f32 v53, v29;
	v48 =	vld [tilespmem:s18+$0xF90];
	(pc) =	sbr.rel @p0 .LBB2_2-.Ltmp0, $4  }
0x110: {  	[tilespmem:s18+$0x7F0] =	vst v54;
	v63 =	vadd.f32 v6, v32;
	v59 =	vadd.f32 v47, v55;
	v61 =	vmul.f32 $3.899999860e-01, v9;
	v47 =	vld [tilespmem:s18+$0xFA0]  }
0x111: {  	v51 =	vadd.f32 v45, v60;
	v45 =	vld [tilespmem:s18+$0xFC0];
	[tilespmem:s18+$0xB80] =	vst v57;
	v62 =	vadd.f32 v46, v58;
	v5 =	vmul.f32 $3.899999860e-01, v5  }
0x112: {  	v46 =	vld [tilespmem:s18+$0xFB0];
	v54 =	vadd.f32 v44, v63;
	v50 =	vmul.f32 $3.899999860e-01, v10;
	[tilespmem:s18+$0xB90] =	vst v59  }
0x113: {  	s19 =	sadd.s32 $0x200, s19;
	v44 =	vld [tilespmem:s18+$0xFD0];
	v52 =	vadd.f32 v61, v33;
	v49 =	vmul.f32 $3.899999860e-01, v8;
	[tilespmem:s18+$0xBA0] =	vst v62;
	v53 =	vadd.f32 v5, v34  }
0x114: {  	v1 =	vld [tilespmem:s18+$0xFE0]  }
0x115: {  	v5 =	vld [tilespmem:s18+$0xFF0]  }
0x116: {  	v59 =	vld [tilespmem:$0x1FEE0]  }
0x117: {  	v7 =	vld [tilespmem:s18+$0x4FE0]  }
0x118: {  	v8 =	vld [tilespmem:$0x1FEF0]  }
0x119: {  	v60 =	vld [tilespmem:$0x1FF00]  }
0x11a: {  	v63 =	vld [tilespmem:$0x1FF10];
	v0 =	vadd.f32 v43, v52;
	v2 =	vadd.f32 v49, v31  }
0x11b: {  	v3 =	vmul.f32 $3.899999860e-01, v48;
	v4 =	vadd.f32 v42, v53;
	v43 =	vld [tilespmem:$0x1FF40]  }
0x11c: {  	v6 =	vmul.f32 $3.899999860e-01, v47;
	[tilespmem:s18+$0xBD0] =	vst v0;
	v2 =	vadd.f32 v41, v2;
	v41 =	vld [tilespmem:$0x1FF30];
	v0 =	vadd.f32 v50, v59  }
0x11d: {  	[tilespmem:s18+$0xBB0] =	vst v51;
	v9 =	vld [tilespmem:s18+$0x4FF0];
	v3 =	vadd.f32 v3, v8;
	v8 =	vmul.f32 $3.899999860e-01, v46  }
0x11e: {  	[tilespmem:s18+$0xBE0] =	vst v4;
	v4 =	vadd.f32 v6, v60;
	v1 =	vmul.f32 $3.899999860e-01, v1;
	v46 =	vld [tilespmem:$0x1FF50];
	v0 =	vadd.f32 v40, v0  }
0x11f: {  	[tilespmem:s18+$0xBC0] =	vst v54;
	v62 =	vadd.f32 v39, v3;
	v3 =	vadd.f32 v8, v63;
	v8 =	vmul.f32 $3.899999860e-01, v44;
	v39 =	vld [tilespmem:$0x1FF20]  }
0x120: {  	[tilespmem:s18+$0xBF0] =	vst v2;
	v38 =	vadd.f32 v38, v4;
	v1 =	vadd.f32 v1, v43;
	v44 =	vmul.f32 $6.000000240e-01, v7  }
0x121: {  	v5 =	vmul.f32 $3.899999860e-01, v5;
	[tilespmem:s18+$0xF80] =	vst v0;
	v40 =	vadd.f32 v37, v3;
	v3 =	vadd.f32 v8, v41  }
0x122: {  	v61 =	vmul.f32 $3.899999860e-01, v45;
	[tilespmem:s18+$0xF90] =	vst v62;
	v48 =	vadd.f32 v44, v1  }
0x123: {  	v47 =	vmul.f32 $6.000000240e-01, v9;
	[tilespmem:s18+$0xFA0] =	vst v38;
	v45 =	vadd.f32 v36, v3;
	v3 =	vadd.f32 v5, v46  }
0x124: {  	[tilespmem:s18+$0xFB0] =	vst v40;
	v4 =	vadd.f32 v61, v39  }
0x125: {  	[tilespmem:s18+$0xFE0] =	vst v48;
	v49 =	vadd.f32 v47, v3  }
0x126: {  	[tilespmem:s18+$0xFD0] =	vst v45;
	v42 =	vadd.f32 v35, v4  }
0x127: {  	s23 =	simm.s32 $0x2000;
	s19 =	simm.s32 $0x800;
	[tilespmem:s18+$0xFF0] =	vst v49  }
0x128: {  	s21 =	sand.u32 $0x380, s19;
	[tilespmem:s18+$0xFC0] =	vst v42;
	s18 =	sand.u32 $0x3000, s23  }
0x129: {  	[hbm4b:s9+s5] =	stream.linear.scatter [tilespmem:s16], [sflag:$0x5], $0x2000, $0x38;
	[tilespmem:$0x8380] =	vst v63  }
0x12a: {  	s18 =	sor.u32 s21, s18  }
0x12b: {  	v0 =	vld [tilespmem:s18+$0x4380]  }
0x12c: {  	v1 =	vld [tilespmem:s18+$0x4390]  }
0x12d: {  	v2 =	vld [tilespmem:s18+$0x43A0]  }
0x12e: {  	v50 =	vld [tilespmem:s18+$0x43B0]  }
0x12f: {  	v51 =	vld [tilespmem:s18+$0x43C0]  }
0x130: {  	v52 =	vld [tilespmem:s18+$0x43D0]  }
0x131: {  	v53 =	vld [tilespmem:s18+$0x43E0]  }
0x132: {  	v54 =	vld [tilespmem:s18+$0x43F0]  }
0x133: {  	v8 =	vld [tilespmem:s18+$0x4780]  }
0x134: {  	v9 =	vld [tilespmem:s18+$0x4790]  }
0x135: {  	v10 =	vld [tilespmem:s18+$0x47A0]  }
0x136: {  	v55 =	vld [tilespmem:s18+$0x47B0]  }
0x137: {  	v56 =	vld [tilespmem:s18+$0x47C0]  }
0x138: {  	v57 =	vld [tilespmem:s18+$0x47D0]  }
0x139: {  	v58 =	vld [tilespmem:s18+$0x47E0]  }
0x13a: {  	v59 =	vld [tilespmem:s18+$0x47F0]  }
0x13b: {  	v60 =	vld [tilespmem:s18+$0x4B80]  }
0x13c: {  	v61 =	vld [tilespmem:s18+$0x4B90]  }
0x13d: {  	v62 =	vld [tilespmem:s18+$0x4BA0]  }
0x13e: {  	v43 =	vld [tilespmem:s18+$0x4BB0]  }
0x13f: {  	v44 =	vld [tilespmem:s18+$0x4BC0]  }
0x140: {  	v45 =	vld [tilespmem:s18+$0x4BD0]  }
0x141: {  	v46 =	vld [tilespmem:s18+$0x4BE0];
	v0 =	vmul.f32 $6.000000240e-01, v0;
	v1 =	vmul.f32 $6.000000240e-01, v1  }
0x142: {  	v47 =	vld [tilespmem:s18+$0x4BF0];
	v2 =	vmul.f32 $6.000000240e-01, v2;
	v3 =	vmul.f32 $6.000000240e-01, v50  }
0x143: {  	v48 =	vld [tilespmem:s18+$0x4F80];
	v4 =	vmul.f32 $6.000000240e-01, v51;
	v5 =	vmul.f32 $6.000000240e-01, v52  }
0x144: {  	v49 =	vld [tilespmem:s18+$0x4F90];
	v6 =	vmul.f32 $6.000000240e-01, v53;
	v7 =	vmul.f32 $6.000000240e-01, v54  }
0x145: {  	v35 =	vld [tilespmem:s18+$0x4FB0];
	v8 =	vmul.f32 $6.000000240e-01, v8;
	v9 =	vmul.f32 $6.000000240e-01, v9  }
0x146: {  	v36 =	vld [tilespmem:s18+$0x4FC0];
	v10 =	vmul.f32 $6.000000240e-01, v10;
	v51 =	vmul.f32 $6.000000240e-01, v55  }
0x147: {  	v37 =	vld [tilespmem:s18+$0x380];
	v52 =	vmul.f32 $6.000000240e-01, v56;
	v53 =	vmul.f32 $6.000000240e-01, v57  }
0x148: {  	v50 =	vld [tilespmem:s18+$0x4FA0];
	v54 =	vmul.f32 $6.000000240e-01, v58;
	v55 =	vmul.f32 $6.000000240e-01, v59  }
0x149: {  	v56 =	vld [tilespmem:s18+$0x4FD0];
	v57 =	vmul.f32 $6.000000240e-01, v60;
	v58 =	vmul.f32 $6.000000240e-01, v61  }
0x14a: {  	v59 =	vld [tilespmem:s18+$0x390];
	v60 =	vmul.f32 $6.000000240e-01, v62;
	v61 =	vmul.f32 $6.000000240e-01, v43  }
0x14b: {  	v62 =	vld [tilespmem:s18+$0x3A0];
	v44 =	vmul.f32 $6.000000240e-01, v44;
	v43 =	vmul.f32 $6.000000240e-01, v45  }
0x14c: {  	v45 =	vld [tilespmem:s18+$0x3B0];
	v42 =	vmul.f32 $6.000000240e-01, v46;
	v41 =	vmul.f32 $6.000000240e-01, v47  }
0x14d: {  	v46 =	vld [tilespmem:s18+$0x3C0];
	v40 =	vmul.f32 $6.000000240e-01, v48;
	v63 =	vmul.f32 $3.899999860e-01, v37  }
0x14e: {  	v39 =	vmul.f32 $6.000000240e-01, v49;
	v48 =	vld [tilespmem:s18+$0x3D0];
	v37 =	vmul.f32 $6.000000240e-01, v35  }
0x14f: {  	v47 =	vadd.f32 v63, v11;
	v38 =	vmul.f32 $6.000000240e-01, v50;
	v49 =	vmul.f32 $3.899999860e-01, v59;
	v50 =	vld [tilespmem:s18+$0x3E0]  }
0x150: {  	v36 =	vmul.f32 $6.000000240e-01, v36;
	v59 =	vmul.f32 $3.899999860e-01, v62;
	v62 =	vld [tilespmem:s18+$0x3F0]  }
0x151: {  	v63 =	vld [tilespmem:s18+$0x780];
	v0 =	vadd.f32 v0, v47;
	v45 =	vmul.f32 $3.899999860e-01, v45;
	v49 =	vadd.f32 v49, v12  }
0x152: {  	v35 =	vmul.f32 $6.000000240e-01, v56;
	v46 =	vmul.f32 $3.899999860e-01, v46;
	v56 =	vld [tilespmem:s18+$0x790];
	v47 =	vadd.f32 v59, v13  }
0x153: {  	v48 =	vmul.f32 $3.899999860e-01, v48;
	v45 =	vadd.f32 v45, v14;
	v1 =	vadd.f32 v1, v49;
	v49 =	vld [tilespmem:s18+$0x7A0]  }
0x154: {  	[tilespmem:s18+$0x380] =	vst v0;
	v0 =	vadd.f32 v2, v47;
	v2 =	vadd.f32 v46, v15;
	v47 =	vld [tilespmem:s18+$0x7B0];
	v46 =	vmul.f32 $3.899999860e-01, v50  }
0x155: {  	v59 =	vadd.f32 v48, v16;
	v48 =	vld [tilespmem:s18+$0x7C0];
	v62 =	vmul.f32 $3.899999860e-01, v62;
	[tilespmem:s18+$0x390] =	vst v1;
	v1 =	vadd.f32 v3, v45  }
0x156: {  	v50 =	vmul.f32 $3.899999860e-01, v63;
	[tilespmem:s18+$0x3A0] =	vst v0;
	v0 =	vadd.f32 v4, v2;
	v2 =	vadd.f32 v46, v17;
	v46 =	vld [tilespmem:s18+$0x7D0]  }
0x157: {  	v45 =	vld [tilespmem:s18+$0x7E0];
	[tilespmem:s18+$0x3B0] =	vst v1;
	v1 =	vadd.f32 v5, v59;
	v59 =	vadd.f32 v62, v18;
	v62 =	vmul.f32 $3.899999860e-01, v56  }
0x158: {  	v63 =	vadd.f32 v50, v19;
	[tilespmem:s18+$0x3C0] =	vst v0;
	v0 =	vadd.f32 v6, v2;
	v50 =	vmul.f32 $3.899999860e-01, v49;
	v6 =	vld [tilespmem:s18+$0x7F0]  }
0x159: {  	[tilespmem:s18+$0x3D0] =	vst v1;
	v56 =	vadd.f32 v7, v59;
	v59 =	vadd.f32 v62, v20;
	v62 =	vmul.f32 $3.899999860e-01, v47;
	v7 =	vld [tilespmem:s18+$0xB80]  }
0x15a: {  	v63 =	vadd.f32 v8, v63;
	v49 =	vmul.f32 $3.899999860e-01, v48;
	v8 =	vld [tilespmem:s18+$0xB90];
	[tilespmem:s18+$0x3E0] =	vst v0;
	v47 =	vadd.f32 v50, v21  }
0x15b: {  	[tilespmem:s18+$0x3F0] =	vst v56;
	v50 =	vadd.f32 v9, v59;
	v56 =	vadd.f32 v62, v22;
	v59 =	vmul.f32 $3.899999860e-01, v46;
	v9 =	vld [tilespmem:s18+$0xBA0]  }
0x15c: {  	[tilespmem:s18+$0x780] =	vst v63;
	v63 =	vadd.f32 v49, v23;
	v45 =	vmul.f32 $3.899999860e-01, v45;
	v62 =	vadd.f32 v10, v47;
	v10 =	vld [tilespmem:s18+$0xBB0]  }
0x15d: {  	v49 =	vld [tilespmem:s18+$0xBC0];
	[tilespmem:s18+$0x790] =	vst v50;
	v46 =	vadd.f32 v51, v56;
	v47 =	vadd.f32 v59, v24;
	v48 =	vmul.f32 $3.899999860e-01, v6  }
0x15e: {  	v50 =	vadd.f32 v52, v63;
	v51 =	vadd.f32 v45, v25;
	[tilespmem:s18+$0x7A0] =	vst v62;
	v52 =	vmul.f32 $3.899999860e-01, v7;
	v7 =	vld [tilespmem:s18+$0xBD0]  }
0x15f: {  	v62 =	vmul.f32 $3.899999860e-01, v8;
	v8 =	vld [tilespmem:s18+$0xBE0];
	[tilespmem:s18+$0x7B0] =	vst v46;
	v56 =	vadd.f32 v53, v47;
	v59 =	vadd.f32 v48, v26  }
0x160: {  	[tilespmem:s18+$0x7C0] =	vst v50;
	v63 =	vadd.f32 v54, v51;
	v45 =	vadd.f32 v52, v27;
	v46 =	vmul.f32 $3.899999860e-01, v9;
	v9 =	vld [tilespmem:s18+$0xBF0]  }
0x161: {  	v52 =	vadd.f32 v62, v28;
	[tilespmem:s18+$0x7D0] =	vst v56;
	v47 =	vadd.f32 v55, v59;
	v53 =	vmul.f32 $3.899999860e-01, v10;
	v10 =	vld [tilespmem:s18+$0xF80]  }
0x162: {  	v48 =	vld [tilespmem:s18+$0xF90];
	[tilespmem:s18+$0x7E0] =	vst v63;
	v56 =	vmul.f32 $3.899999860e-01, v49;
	v54 =	vadd.f32 v57, v45;
	v55 =	vadd.f32 v46, v29  }
0x163: {  	v57 =	vadd.f32 v58, v52;
	v46 =	vld [tilespmem:s18+$0xFB0];
	[tilespmem:s18+$0x7F0] =	vst v47;
	v58 =	vadd.f32 v53, v30;
	v59 =	vmul.f32 $3.899999860e-01, v7  }
0x164: {  	v45 =	vld [tilespmem:s18+$0xFC0];
	v62 =	vadd.f32 v56, v32;
	v63 =	vmul.f32 $3.899999860e-01, v8;
	[tilespmem:s18+$0xB80] =	vst v54;
	v60 =	vadd.f32 v60, v55  }
0x165: {  	v47 =	vld [tilespmem:s18+$0xFA0];
	[tilespmem:s18+$0xB90] =	vst v57;
	v51 =	vadd.f32 v61, v58;
	v52 =	vadd.f32 v59, v33;
	v49 =	vmul.f32 $3.899999860e-01, v9  }
0x166: {  	s21 =	simm.s32 $0x2200;
	v54 =	vadd.f32 v44, v62;
	v53 =	vadd.f32 v63, v34;
	v44 =	vld [tilespmem:s18+$0xFD0];
	[tilespmem:s18+$0xBA0] =	vst v60;
	v50 =	vmul.f32 $3.899999860e-01, v10  }
.LBB2_4:
0x167: {  	v3 =	vld [tilespmem:s18+$0xFE0]  }
0x168: {  	v5 =	vld [tilespmem:$0x1FEE0]  }
0x169: {  	v7 =	vld [tilespmem:s18+$0xFF0]  }
0x16a: {  	v59 =	vld [tilespmem:$0x1FEF0]  }
0x16b: {  	v8 =	vld [tilespmem:s18+$0x4FE0]  }
0x16c: {  	v62 =	vld [tilespmem:$0x1FF00]  }
0x16d: {  	v9 =	vld [tilespmem:s18+$0x4FF0]  }
0x16e: {  	v0 =	vadd.f32 v43, v52;
	v43 =	vld [tilespmem:$0x1FF10]  }
0x16f: {  	[tilespmem:s18+$0xBB0] =	vst v51;
	v1 =	vadd.f32 v49, v31;
	v2 =	vmul.f32 $3.899999860e-01, v48;
	v60 =	vmul.f32 $3.899999860e-01, v46;
	v46 =	vld [tilespmem:$0x1FF20]  }
0x170: {  	s19 =	sadd.s32 $0x80, s19;
	[tilespmem:s18+$0xBC0] =	vst v54;
	v4 =	vadd.f32 v42, v53;
	v6 =	vmul.f32 $3.899999860e-01, v47;
	v48 =	vld [tilespmem:$0x1FF30];
	v5 =	vadd.f32 v50, v5  }
0x171: {  	s22 =	sand.u32 $0x3000, s21;
	s23 =	sand.u32 $0x380, s19;
	v51 =	vld [tilespmem:$0x1FF40];
	[tilespmem:s18+$0xBD0] =	vst v0;
	v58 =	vadd.f32 v41, v1;
	v1 =	vadd.f32 v2, v59  }
0x172: {  	v54 =	vld [tilespmem:$0x1FF50];
	s22 =	sor.u32 s23, s22;
	[tilespmem:s18+$0xBE0] =	vst v4;
	v63 =	vmul.f32 $3.899999860e-01, v45;
	v61 =	vadd.f32 v40, v5;
	v5 =	vadd.f32 v6, v62  }
0x173: {  	v10 =	vld [tilespmem:s22+$0x4380];
	v44 =	vmul.f32 $3.899999860e-01, v44;
	[tilespmem:s18+$0xBF0] =	vst v58;
	v42 =	vadd.f32 v39, v1;
	v1 =	vadd.f32 v60, v43  }
0x174: {  	v3 =	vmul.f32 $3.899999860e-01, v3;
	v39 =	vld [tilespmem:s22+$0x4390];
	[tilespmem:s18+$0xF80] =	vst v61;
	v45 =	vadd.f32 v38, v5;
	v5 =	vadd.f32 v63, v46  }
0x175: {  	v49 =	vmul.f32 $3.899999860e-01, v7;
	v6 =	vld [tilespmem:s22+$0x43A0];
	[tilespmem:s18+$0xF90] =	vst v42;
	v47 =	vadd.f32 v37, v1;
	v1 =	vadd.f32 v44, v48  }
0x176: {  	v52 =	vmul.f32 $6.000000240e-01, v8;
	v3 =	vadd.f32 v3, v51;
	v7 =	vld [tilespmem:s22+$0x43B0];
	[tilespmem:s18+$0xFA0] =	vst v45;
	v50 =	vadd.f32 v36, v5  }
0x177: {  	v55 =	vmul.f32 $6.000000240e-01, v9;
	v8 =	vld [tilespmem:s22+$0x43C0];
	[tilespmem:s18+$0xFB0] =	vst v47;
	v53 =	vadd.f32 v35, v1;
	v1 =	vadd.f32 v49, v54  }
0x178: {  	v3 =	vadd.f32 v52, v3;
	v9 =	vld [tilespmem:s22+$0x43D0];
	[tilespmem:s18+$0xFC0] =	vst v50  }
0x179: {  	v4 =	vld [tilespmem:s22+$0x43E0];
	[tilespmem:s18+$0xFD0] =	vst v53;
	v56 =	vadd.f32 v55, v1  }
0x17a: {  	v57 =	vld [tilespmem:s22+$0x43F0];
	[tilespmem:s18+$0xFE0] =	vst v3  }
0x17b: {  	v58 =	vld [tilespmem:s22+$0x4780];
	[tilespmem:s18+$0xFF0] =	vst v56;
	s18 =	smov.u32 s22  }
0x17c: {  	v0 =	vld [tilespmem:s18+$0x4790]  }
0x17d: {  	v59 =	vld [tilespmem:s18+$0x47B0]  }
0x17e: {  	v61 =	vld [tilespmem:s18+$0x47C0]  }
0x17f: {  	v62 =	vld [tilespmem:s18+$0x47D0]  }
0x180: {  	v63 =	vld [tilespmem:s18+$0x47E0]  }
0x181: {  	v60 =	vld [tilespmem:s18+$0x47F0]  }
0x182: {  	v40 =	vld [tilespmem:s18+$0x4B80]  }
0x183: {  	v41 =	vld [tilespmem:s18+$0x4B90]  }
0x184: {  	v42 =	vld [tilespmem:s18+$0x4BA0]  }
0x185: {  	v43 =	vld [tilespmem:s18+$0x4BB0]  }
0x186: {  	v50 =	vld [tilespmem:s18+$0x4BD0]  }
0x187: {  	v51 =	vmul.f32 $6.000000240e-01, v39;
	v39 =	vld [tilespmem:s18+$0x4BE0]  }
0x188: {  	v52 =	vld [tilespmem:s18+$0x4BF0]  }
0x189: {  	v53 =	vld [tilespmem:s18+$0x4F80]  }
0x18a: {  	v10 =	vmul.f32 $6.000000240e-01, v10;
	v6 =	vmul.f32 $6.000000240e-01, v6;
	v54 =	vld [tilespmem:s18+$0x4F90]  }
0x18b: {  	v7 =	vmul.f32 $6.000000240e-01, v7;
	v8 =	vmul.f32 $6.000000240e-01, v8;
	v55 =	vld [tilespmem:s18+$0x4FA0]  }
0x18c: {  	v56 =	vld [tilespmem:s18+$0x4FB0];
	v9 =	vmul.f32 $6.000000240e-01, v9;
	v1 =	vmul.f32 $6.000000240e-01, v57  }
0x18d: {  	v35 =	vld [tilespmem:s18+$0x4FC0];
	v2 =	vmul.f32 $6.000000240e-01, v58;
	v5 =	vmul.f32 $6.000000240e-01, v59  }
0x18e: {  	v36 =	vld [tilespmem:s18+$0x380];
	v57 =	vmul.f32 $6.000000240e-01, v61;
	v58 =	vmul.f32 $6.000000240e-01, v62  }
0x18f: {  	v37 =	vld [tilespmem:s18+$0x390];
	v49 =	vmul.f32 $6.000000240e-01, v60;
	v48 =	vmul.f32 $6.000000240e-01, v40  }
0x190: {  	v47 =	vmul.f32 $6.000000240e-01, v41;
	v46 =	vmul.f32 $6.000000240e-01, v42;
	v61 =	vld [tilespmem:s18+$0x3A0]  }
0x191: {  	v45 =	vmul.f32 $6.000000240e-01, v43;
	v43 =	vmul.f32 $6.000000240e-01, v50;
	v50 =	vld [tilespmem:s18+$0x3B0]  }
0x192: {  	v42 =	vmul.f32 $6.000000240e-01, v39;
	v41 =	vmul.f32 $6.000000240e-01, v52;
	v52 =	vld [tilespmem:s18+$0x3C0]  }
0x193: {  	v40 =	vmul.f32 $6.000000240e-01, v53;
	v36 =	vmul.f32 $3.899999860e-01, v36;
	v53 =	vld [tilespmem:s18+$0x3D0]  }
0x194: {  	v60 =	vld [tilespmem:s18+$0x4FD0];
	v39 =	vmul.f32 $6.000000240e-01, v54;
	v54 =	vmul.f32 $3.899999860e-01, v37  }
0x195: {  	v38 =	vmul.f32 $6.000000240e-01, v55;
	v55 =	vld [tilespmem:s18+$0x3E0];
	v37 =	vmul.f32 $6.000000240e-01, v56;
	v56 =	vadd.f32 v36, v11  }
0x196: {  	v59 =	vmul.f32 $6.000000240e-01, v63;
	v62 =	vld [tilespmem:s18+$0x3F0];
	v36 =	vmul.f32 $6.000000240e-01, v35;
	v54 =	vadd.f32 v54, v12  }
0x197: {  	v63 =	vld [tilespmem:s18+$0x780];
	v10 =	vadd.f32 v10, v56;
	v61 =	vmul.f32 $3.899999860e-01, v61;
	v50 =	vmul.f32 $3.899999860e-01, v50  }
0x198: {  	v51 =	vadd.f32 v51, v54;
	v54 =	vld [tilespmem:s18+$0x7A0];
	v52 =	vmul.f32 $3.899999860e-01, v52;
	v53 =	vmul.f32 $3.899999860e-01, v53  }
0x199: {  	v35 =	vmul.f32 $6.000000240e-01, v60;
	v60 =	vld [tilespmem:s18+$0x790];
	[tilespmem:s18+$0x380] =	vst v10;
	v56 =	vadd.f32 v61, v13;
	v50 =	vadd.f32 v50, v14  }
0x19a: {  	[tilespmem:s18+$0x390] =	vst v51;
	v51 =	vld [tilespmem:s18+$0x7E0];
	v10 =	vadd.f32 v52, v15;
	v52 =	vmul.f32 $3.899999860e-01, v55;
	v61 =	vadd.f32 v53, v16  }
0x19b: {  	v62 =	vmul.f32 $3.899999860e-01, v62;
	v55 =	vld [tilespmem:s18+$0x7B0];
	v6 =	vadd.f32 v6, v56;
	v7 =	vadd.f32 v7, v50  }
0x19c: {  	v4 =	vmul.f32 $6.000000240e-01, v4;
	v53 =	vld [tilespmem:s18+$0x7C0];
	v56 =	vadd.f32 v8, v10;
	v8 =	vadd.f32 v52, v17  }
0x19d: {  	v3 =	vld [tilespmem:s18+$0x47A0];
	v10 =	vmul.f32 $3.899999860e-01, v63;
	v61 =	vadd.f32 v9, v61;
	v9 =	vadd.f32 v62, v18  }
0x19e: {  	v0 =	vmul.f32 $6.000000240e-01, v0;
	v52 =	vld [tilespmem:s18+$0x7D0];
	v62 =	vmul.f32 $3.899999860e-01, v60;
	[tilespmem:s18+$0x3A0] =	vst v6;
	v4 =	vadd.f32 v4, v8  }
0x19f: {  	[tilespmem:s18+$0x3B0] =	vst v7;
	v63 =	vadd.f32 v10, v19;
	v8 =	vmul.f32 $3.899999860e-01, v54;
	v10 =	vld [tilespmem:s18+$0x7F0];
	v1 =	vadd.f32 v1, v9  }
0x1a0: {  	v50 =	vld [tilespmem:s18+$0xB80];
	[tilespmem:s18+$0x3C0] =	vst v56;
	v51 =	vmul.f32 $3.899999860e-01, v51;
	v54 =	vadd.f32 v62, v20;
	v9 =	vmul.f32 $3.899999860e-01, v55  }
0x1a1: {  	[tilespmem:s18+$0x3D0] =	vst v61;
	v6 =	vld [tilespmem:s18+$0xBB0];
	v56 =	vmul.f32 $3.899999860e-01, v53;
	v2 =	vadd.f32 v2, v63;
	v55 =	vadd.f32 v8, v21  }
0x1a2: {  	v3 =	vmul.f32 $6.000000240e-01, v3;
	[tilespmem:s18+$0x3E0] =	vst v4;
	v8 =	vld [tilespmem:s18+$0xB90];
	v0 =	vadd.f32 v0, v54;
	v60 =	vadd.f32 v9, v22  }
0x1a3: {  	[tilespmem:s18+$0x3F0] =	vst v1;
	v61 =	vmul.f32 $3.899999860e-01, v52;
	v9 =	vld [tilespmem:s18+$0xBA0];
	v63 =	vadd.f32 v56, v23;
	v56 =	vadd.f32 v51, v25  }
0x1a4: {  	v7 =	vld [tilespmem:s18+$0xBC0];
	[tilespmem:s18+$0x780] =	vst v2;
	v62 =	vadd.f32 v3, v55;
	v52 =	vadd.f32 v5, v60;
	v54 =	vmul.f32 $3.899999860e-01, v10  }
0x1a5: {  	v44 =	vld [tilespmem:s18+$0x4BC0];
	[tilespmem:s18+$0x790] =	vst v0;
	v53 =	vadd.f32 v61, v24;
	v55 =	vadd.f32 v57, v63;
	v57 =	vmul.f32 $3.899999860e-01, v50  }
0x1a6: {  	v10 =	vld [tilespmem:s18+$0xBD0];
	v63 =	vadd.f32 v59, v56;
	[tilespmem:s18+$0x7A0] =	vst v62;
	v61 =	vadd.f32 v54, v26  }
0x1a7: {  	[tilespmem:s18+$0x7B0] =	vst v52;
	v60 =	vadd.f32 v58, v53;
	v62 =	vmul.f32 $3.899999860e-01, v8;
	v8 =	vld [tilespmem:s18+$0xBE0];
	v50 =	vadd.f32 v57, v27  }
0x1a8: {  	[tilespmem:s18+$0x7C0] =	vst v55;
	v54 =	vmul.f32 $3.899999860e-01, v6;
	v6 =	vld [tilespmem:s18+$0xF80];
	v51 =	vmul.f32 $3.899999860e-01, v9;
	v52 =	vadd.f32 v49, v61  }
0x1a9: {  	p0 =	sne.s32 s21, $0x3E00;
	[tilespmem:s18+$0x7E0] =	vst v63;
	v57 =	vmul.f32 $3.899999860e-01, v7;
	v9 =	vld [tilespmem:s18+$0xBF0];
	v53 =	vadd.f32 v62, v28;
	v55 =	vadd.f32 v48, v50  }
.Ltmp1:
0x1aa: {  	v44 =	vmul.f32 $6.000000240e-01, v44;
	[tilespmem:s18+$0x7D0] =	vst v60;
	v48 =	vld [tilespmem:s18+$0xF90];
	v59 =	vadd.f32 v54, v30;
	v56 =	vadd.f32 v51, v29;
	(pc) =	sbr.rel @p0 .LBB2_4-.Ltmp1, $4  }
0x1ab: {  	v62 =	vadd.f32 v57, v32;
	v60 =	vmul.f32 $3.899999860e-01, v10;
	[tilespmem:s18+$0x7F0] =	vst v52;
	v58 =	vadd.f32 v47, v53;
	v47 =	vld [tilespmem:s18+$0xFA0]  }
0x1ac: {  	[tilespmem:s18+$0xB80] =	vst v55;
	v51 =	vadd.f32 v45, v59;
	v45 =	vld [tilespmem:s18+$0xFC0];
	v61 =	vadd.f32 v46, v56;
	v63 =	vmul.f32 $3.899999860e-01, v8  }
0x1ad: {  	v54 =	vadd.f32 v44, v62;
	v44 =	vld [tilespmem:s18+$0xFD0];
	v52 =	vadd.f32 v60, v33;
	[tilespmem:s18+$0xB90] =	vst v58  }
0x1ae: {  	s21 =	sadd.s32 $0x200, s21;
	v46 =	vld [tilespmem:s18+$0xFB0];
	v50 =	vmul.f32 $3.899999860e-01, v6;
	v49 =	vmul.f32 $3.899999860e-01, v9;
	[tilespmem:s18+$0xBA0] =	vst v61;
	v53 =	vadd.f32 v63, v34  }
0x1af: {  	v1 =	vld [tilespmem:s18+$0xFE0]  }
0x1b0: {  	v5 =	vld [tilespmem:s18+$0xFF0]  }
0x1b1: {  	v0 =	vadd.f32 v43, v52;
	v43 =	vld [tilespmem:$0x1FEE0]  }
0x1b2: {  	v7 =	vld [tilespmem:s18+$0x4FE0]  }
0x1b3: {  	v8 =	vld [tilespmem:$0x1FEF0]  }
0x1b4: {  	v6 =	vmul.f32 $3.899999860e-01, v47;
	v47 =	vld [tilespmem:$0x1FF00]  }
0x1b5: {  	v57 =	vld [tilespmem:$0x1FF40]  }
0x1b6: {  	v3 =	vmul.f32 $3.899999860e-01, v48;
	v2 =	vadd.f32 v49, v31;
	[tilespmem:s18+$0xBD0] =	vst v0;
	v0 =	vadd.f32 v50, v43;
	v50 =	vld [tilespmem:$0x1FF10]  }
0x1b7: {  	v4 =	vadd.f32 v42, v53;
	v53 =	vld [tilespmem:$0x1FF20];
	v48 =	vmul.f32 $3.899999860e-01, v45  }
0x1b8: {  	[tilespmem:s18+$0xBB0] =	vst v51;
	v55 =	vld [tilespmem:$0x1FF30];
	v2 =	vadd.f32 v41, v2;
	v3 =	vadd.f32 v3, v8;
	v1 =	vmul.f32 $3.899999860e-01, v1  }
0x1b9: {  	v9 =	vld [tilespmem:s18+$0x4FF0];
	[tilespmem:s18+$0xBE0] =	vst v4;
	v46 =	vmul.f32 $3.899999860e-01, v46;
	v4 =	vadd.f32 v6, v47;
	v0 =	vadd.f32 v40, v0  }
0x1ba: {  	[tilespmem:s18+$0xBC0] =	vst v54;
	v60 =	vld [tilespmem:$0x1FF50];
	v58 =	vmul.f32 $6.000000240e-01, v7;
	v49 =	vadd.f32 v39, v3;
	v1 =	vadd.f32 v1, v57  }
0x1bb: {  	v51 =	vmul.f32 $3.899999860e-01, v44;
	[tilespmem:s18+$0xBF0] =	vst v2;
	v52 =	vadd.f32 v38, v4;
	v3 =	vadd.f32 v46, v50  }
0x1bc: {  	v4 =	vadd.f32 v48, v53;
	[tilespmem:s18+$0xF80] =	vst v0;
	v62 =	vadd.f32 v58, v1  }
0x1bd: {  	v5 =	vmul.f32 $3.899999860e-01, v5;
	[tilespmem:s18+$0xF90] =	vst v49;
	v54 =	vadd.f32 v37, v3;
	v3 =	vadd.f32 v51, v55  }
0x1be: {  	[tilespmem:s18+$0xFA0] =	vst v52;
	v56 =	vadd.f32 v36, v4  }
0x1bf: {  	v61 =	vmul.f32 $6.000000240e-01, v9;
	[tilespmem:s18+$0xFE0] =	vst v62;
	v59 =	vadd.f32 v35, v3;
	v3 =	vadd.f32 v5, v60  }
0x1c0: {  	[tilespmem:s18+$0xFC0] =	vst v56  }
0x1c1: {  	[tilespmem:s18+$0xFB0] =	vst v54;
	v63 =	vadd.f32 v61, v3  }
0x1c2: {  	[tilespmem:s18+$0xFD0] =	vst v59  }
0x1c3: {  	s17 =	sadd.s32 $0x1, s17;
	[tilespmem:s18+$0xFF0] =	vst v63  }
0x1c4: {  	[hbm4b:s11+s5] =	stream.linear.scatter [tilespmem:s20], [sflag:$0x5], $0x2000, $0x38;
	[tilespmem:$0x8380] =	vst v63  }
0x1c5: {  	p0 =	sne.s32 s17, s12;
	_ =	swait.ge [sflag:s14], $0x2000  }
.Ltmp2:
0x1c6: {  	[sflag:s14] =	ssyncset.done $0x0;
	(pc) =	sbr.rel @p0 .LBB2_1-.Ltmp2, $4  }
0x1c7: {  	[sflag:s14] =	ssyncadd.s32 $0xFFFFE000  }
0x1c8: {  	_ =	swait.ge [sflag:s14], $0x2000  }
0x1c9: {  	[sflag:s14] =	ssyncset.done $0x0  }
0x1ca: {  	[sflag:s14] =	ssyncadd.s32 $0xFFFFE000  }
0x1cb: {  	_ =	sfence.sel $0x180000  }
0x1cc: {  	[bflag:$0x0] =	sbarrier.arrive $0xFFFF  }
0x1cd: {  	_ =	strace $0x90000047  }
0x1ce: {  	s0 =	stileid.u32;
	[bflag:$0x2] =	sbarrier.arrive $0xFFFF  }
0x1cf: {  	p0 =	sne.s32 s0, $0x0;
	s0 =	rddreg [dreg:$0x5]  }
0x1d0: {  	s0 =	sadd.s32 @!p0 $0x100000, s0  }
0x1d1: {  	[sflag:s0] =	ssyncadd.tile.s32 @!p0 $0x1;
	_ =	shalt  }
.Lfunc_end2:
_tile_overlayer_lowered:
.L_overlay_start_2:
0x1d2: {  	(tag) =	ssettag $0x2  }
0x1d3: {  	s0 =	rddreg [dreg:$0x0];
	s2 =	stileid.u32  }
0x1d4: {  	s1 =	rddreg [dreg:$0x1];
	p0 =	sne.s32 s2, $0x0  }
0x1d5: {  	s3 =	rddreg [dreg:$0x2];
	[bflag:$0x3] =	sbarrier.arrive $0xFFFF;
	s2 =	simm.s32 @!p0 $0x1C06  }
0x1d6: {  	[timem:s3], [sflag:s2] =	dma.local @!p0 [hbm:s0], s1  }
0x1d7: {  	s0 =	simm.s32 @!p0 $0x6  }
0x1d8: {  	_ =	swait.ge @!p0 [sflag:s0], s1  }
0x1d9: {  	s1 =	ssub.s32 @!p0 $0x0, s1;
	[sflag:s0] =	ssyncset.done @!p0 $0x0  }
0x1da: {  	[sflag:s0] =	ssyncadd.s32 @!p0 s1  }
0x1db: {  	[bflag:$0x3] =	sbarrier.arrive $0xFFFF  }
0x1dc: {  	_ =	shalt  }

</sc_bundles>
